<compile_context>
chip_gen: v7x
topology: tpu7x:2x2x1
jax: 0.10.2.dev20260603
libtpu: 0.0.44.dev20260713+nightly
codegen_flags: <defaults>
</compile_context>

<pallas_src>
import functools

import jax
import jax.numpy as jnp
from jax import lax
from jax.experimental import pallas as pl
from jax.experimental.pallas import tpu as pltpu
from jax.experimental.pallas import tpu_sc as plsc

_NC = 2
_NS = 16
_NW = _NC * _NS
_CHUNK = 80


def _sc_mesh():
    return plsc.VectorSubcoreMesh(
        core_axis_name="c", subcore_axis_name="s",
        num_cores=_NC, num_subcores=_NS)


def _gather_two(table, row, col):
    n, hd = table.shape
    e = row.shape[0]
    ept = e // _NW
    nch = ept // _CHUNK
    assert ept * _NW == e and nch * _CHUNK == ept and nch >= 4

    scratch = ([pltpu.VMEM((_CHUNK,), jnp.int32)] * 4
               + [pltpu.VMEM((_CHUNK, hd), table.dtype)] * 4
               + [pltpu.SemaphoreType.DMA] * 12)

    @functools.partial(
        pl.kernel,
        out_type=[jax.ShapeDtypeStruct((e, hd), table.dtype),
                  jax.ShapeDtypeStruct((e, hd), table.dtype)],
        mesh=_sc_mesh(),
        scratch_types=scratch,
    )
    def gk(tab_hbm, row_hbm, col_hbm, outr_hbm, outc_hbm,
           ir0, ic0, ir1, ic1, br0, bc0, br1, bc1, *sems):
        idx = ((ir0, ic0), (ir1, ic1))
        buf = ((br0, bc0), (br1, bc1))
        sa = (sems[0:2], sems[2:4])
        sb = (sems[4:6], sems[6:8])
        sc = (sems[8:10], sems[10:12])
        wid = lax.axis_index("s") * _NC + lax.axis_index("c")
        base = wid * ept

        def a_start(g, s):
            off = base + g * _CHUNK
            pltpu.async_copy(row_hbm.at[pl.ds(off, _CHUNK)], idx[s][0], sa[s][0])
            pltpu.async_copy(col_hbm.at[pl.ds(off, _CHUNK)], idx[s][1], sa[s][1])

        def a_wait(g, s):
            off = base + g * _CHUNK
            pltpu.make_async_copy(row_hbm.at[pl.ds(off, _CHUNK)], idx[s][0], sa[s][0]).wait()
            pltpu.make_async_copy(col_hbm.at[pl.ds(off, _CHUNK)], idx[s][1], sa[s][1]).wait()

        def b_start(s):
            pltpu.async_copy(tab_hbm.at[idx[s][0]], buf[s][0], sb[s][0])
            pltpu.async_copy(tab_hbm.at[idx[s][1]], buf[s][1], sb[s][1])

        def b_wait(s):
            pltpu.make_async_copy(tab_hbm.at[idx[s][0]], buf[s][0], sb[s][0]).wait()
            pltpu.make_async_copy(tab_hbm.at[idx[s][1]], buf[s][1], sb[s][1]).wait()

        def c_start(g, s):
            off = base + g * _CHUNK
            pltpu.async_copy(buf[s][0], outr_hbm.at[pl.ds(off, _CHUNK), :], sc[s][0])
            pltpu.async_copy(buf[s][1], outc_hbm.at[pl.ds(off, _CHUNK), :], sc[s][1])

        def c_wait(g, s):
            off = base + g * _CHUNK
            pltpu.make_async_copy(buf[s][0], outr_hbm.at[pl.ds(off, _CHUNK), :], sc[s][0]).wait()
            pltpu.make_async_copy(buf[s][1], outc_hbm.at[pl.ds(off, _CHUNK), :], sc[s][1]).wait()

        a_start(0, 0)
        a_start(1, 1)
        a_wait(0, 0)
        b_start(0)

        def pair(k, carry):
            for s in range(2):
                g = 2 * k + s
                o = 1 - s

                @pl.when(g < nch)
                def _(g=g, s=s, o=o):
                    b_wait(s)
                    c_start(g, s)

                    @pl.when(g + 2 < nch)
                    def _():
                        a_start(g + 2, s)

                    @pl.when(g + 1 < nch)
                    def _():
                        @pl.when(g >= 1)
                        def _():
                            c_wait(g - 1, o)

                        a_wait(g + 1, o)
                        b_start(o)
            return carry

        lax.fori_loop(0, (nch + 1) // 2, pair, 0)
        c_wait(nch - 2, (nch - 2) % 2)
        c_wait(nch - 1, (nch - 1) % 2)

    return gk(table, row, col)


def _acc_pad(n):
    npt = -(-n // (_NS * _CHUNK)) * _CHUNK
    return npt, npt * _NS


def _scatter_sum(vals, row, n, token):
    e, hd = vals.shape
    ept = e // _NW
    nch = ept // _CHUNK
    npt, np_ = _acc_pad(n)
    assert ept * _NW == e and nch * _CHUNK == ept

    zeros_h = jnp.zeros((np_, hd), vals.dtype)

    @functools.partial(
        pl.kernel,
        out_type=[jax.ShapeDtypeStruct((_NC, np_, hd), vals.dtype)],
        mesh=_sc_mesh(),
        scratch_types=[pltpu.VMEM((_CHUNK,), jnp.int32),
                       pltpu.VMEM((_CHUNK,), jnp.int32),
                       pltpu.VMEM((_CHUNK, hd), vals.dtype),
                       pltpu.VMEM((_CHUNK, hd), vals.dtype),
                       pltpu.SemaphoreType.DMA,
                       pltpu.SemaphoreType.DMA,
                       pltpu.SemaphoreType.DMA,
                       pltpu.SemaphoreType.DMA,
                       pltpu.VMEM_SHARED((np_, hd), vals.dtype)],
    )
    def sk(vals_hbm, row_hbm, zh_hbm, tok_hbm, sums_hbm, i0, i1, v0, v1,
           si0, si1, sv0, sv1, acc_sh):
        idx = (i0, i1)
        vv = (v0, v1)
        sem = ((si0, sv0), (si1, sv1))
        cid = lax.axis_index("c")
        sid = lax.axis_index("s")
        base = (sid * _NC + cid) * ept
        nbase = sid * npt
        nzch = npt // _CHUNK
        pltpu.sync_copy(zh_hbm.at[pl.ds(0, _CHUNK), :], v0)

        def zbody(i, carry):
            pltpu.sync_copy(v0, acc_sh.at[pl.ds(nbase + i * _CHUNK, _CHUNK), :])
            return carry

        lax.fori_loop(0, nzch, zbody, 0)
        plsc.subcore_barrier()

        def ld_start(g, s):
            off = base + g * _CHUNK
            pltpu.async_copy(row_hbm.at[pl.ds(off, _CHUNK)], idx[s], sem[s][0])
            pltpu.async_copy(vals_hbm.at[pl.ds(off, _CHUNK), :], vv[s], sem[s][1])

        def ld_wait(g, s):
            off = base + g * _CHUNK
            pltpu.make_async_copy(row_hbm.at[pl.ds(off, _CHUNK)], idx[s], sem[s][0]).wait()
            pltpu.make_async_copy(vals_hbm.at[pl.ds(off, _CHUNK), :], vv[s], sem[s][1]).wait()

        ld_start(0, 0)
        ld_start(1, 1)

        def pair(k, carry):
            for s in range(2):
                g = 2 * k + s

                @pl.when(g < nch)
                def _(g=g, s=s):
                    ld_wait(g, s)
                    pltpu.sync_copy(vv[s], acc_sh.at[idx[s]], add=True)

                    @pl.when(g + 2 < nch)
                    def _():
                        ld_start(g + 2, s)
            return carry

        lax.fori_loop(0, (nch + 1) // 2, pair, 0)
        plsc.subcore_barrier()

        def wbody(i, carry):
            zoff = nbase + i * _CHUNK
            pltpu.sync_copy(acc_sh.at[pl.ds(zoff, _CHUNK), :], v0)
            pltpu.sync_copy(v0, sums_hbm.at[cid, pl.ds(zoff, _CHUNK), :])
            return carry

        lax.fori_loop(0, nzch, wbody, 0)

    return sk(vals, row, zeros_h, token)[0]


def _scatter_ones(row, n, hd, dtype, token):
    e = row.shape[0]
    ept = e // _NW
    nch = ept // _CHUNK
    npt, np_ = _acc_pad(n)

    zeros_h = jnp.zeros((np_, hd), dtype)
    ones = jnp.ones((_CHUNK, hd), dtype)

    @functools.partial(
        pl.kernel,
        out_type=[jax.ShapeDtypeStruct((_NC, np_, hd), dtype)],
        mesh=_sc_mesh(),
        scratch_types=[pltpu.VMEM((_CHUNK,), jnp.int32),
                       pltpu.VMEM((_CHUNK,), jnp.int32),
                       pltpu.VMEM((_CHUNK, hd), dtype),
                       pltpu.VMEM((_CHUNK, hd), dtype),
                       pltpu.SemaphoreType.DMA,
                       pltpu.SemaphoreType.DMA,
                       pltpu.VMEM_SHARED((np_, hd), dtype)],
    )
    def ck(row_hbm, zh_hbm, ones_hbm, tok_hbm, cnt_hbm, i0, i1, ones_v,
           stage_v, s0, s1, acc_sh):
        idx = (i0, i1)
        sem = (s0, s1)
        cid = lax.axis_index("c")
        sid = lax.axis_index("s")
        base = (sid * _NC + cid) * ept
        nbase = sid * npt
        nzch = npt // _CHUNK
        pltpu.sync_copy(zh_hbm.at[pl.ds(0, _CHUNK), :], stage_v)

        def zbody(i, carry):
            pltpu.sync_copy(stage_v, acc_sh.at[pl.ds(nbase + i * _CHUNK, _CHUNK), :])
            return carry

        lax.fori_loop(0, nzch, zbody, 0)
        pltpu.sync_copy(ones_hbm, ones_v)
        plsc.subcore_barrier()

        def ld_start(g, s):
            off = base + g * _CHUNK
            pltpu.async_copy(row_hbm.at[pl.ds(off, _CHUNK)], idx[s], sem[s])

        def ld_wait(g, s):
            off = base + g * _CHUNK
            pltpu.make_async_copy(row_hbm.at[pl.ds(off, _CHUNK)], idx[s], sem[s]).wait()

        ld_start(0, 0)
        ld_start(1, 1)

        def pair(k, carry):
            for s in range(2):
                g = 2 * k + s

                @pl.when(g < nch)
                def _(g=g, s=s):
                    ld_wait(g, s)
                    pltpu.sync_copy(ones_v, acc_sh.at[idx[s]], add=True)

                    @pl.when(g + 2 < nch)
                    def _():
                        ld_start(g + 2, s)
            return carry

        lax.fori_loop(0, (nch + 1) // 2, pair, 0)
        plsc.subcore_barrier()

        def wbody(i, carry):
            zoff = nbase + i * _CHUNK
            pltpu.sync_copy(acc_sh.at[pl.ds(zoff, _CHUNK), :], stage_v)
            pltpu.sync_copy(stage_v, cnt_hbm.at[cid, pl.ds(zoff, _CHUNK), :])
            return carry

        lax.fori_loop(0, nzch, wbody, 0)

    return ck(row, zeros_h, ones, token)[0]


def _wspec(w):
    nd = w.ndim
    return pl.BlockSpec(w.shape, lambda i, _nd=nd: (0,) * _nd)


_EB = 3200


def _edge1(gr, gc, eattr, w1a, w1b, w1c, b1, w2, b2,
           nw1x, nw1e, nb1, nw2, nb2):
    e, hd = gr.shape
    de = eattr.shape[1]
    grid = e // _EB
    assert grid * _EB == e

    def body(gr_ref, gc_ref, at_ref, w1a_ref, w1b_ref, w1c_ref, b1_ref,
             w2_ref, b2_ref, nw1x_ref, nw1e_ref, nb1_ref, nw2_ref, nb2_ref,
             ea_ref, h_ref):
        grb = gr_ref[...]
        gcb = gc_ref[...]
        t = (grb @ w1a_ref[...] + gcb @ w1b_ref[...]
             + at_ref[...] @ w1c_ref[...] + b1_ref[...])
        ea = jnp.maximum(t, 0.0) @ w2_ref[...] + b2_ref[...]
        ea_ref[...] = ea
        u = gcb @ nw1x_ref[...] + ea @ nw1e_ref[...] + nb1_ref[...]
        h_ref[...] = jnp.maximum(u, 0.0) @ nw2_ref[...] + nb2_ref[...]

    espec = pl.BlockSpec((_EB, hd), lambda i: (i, 0))
    aspec = pl.BlockSpec((_EB, de), lambda i: (i, 0))
    ws = [w1a, w1b, w1c, b1, w2, b2, nw1x, nw1e, nb1, nw2, nb2]
    return pl.pallas_call(
        body,
        grid=(grid,),
        in_specs=[espec, espec, aspec] + [_wspec(w) for w in ws],
        out_specs=[espec, espec],
        out_shape=[jax.ShapeDtypeStruct((e, hd), jnp.float32)] * 2,
    )(gr, gc, eattr, *ws)


def _edge2(gr, gc, ea, w1a, w1b, w1c, b1, w2, b2,
           nw1x, nw1e, nb1, nw2, nb2):
    e, hd = gr.shape
    grid = e // _EB
    assert grid * _EB == e

    def body(gr_ref, gc_ref, ea_ref, w1a_ref, w1b_ref, w1c_ref, b1_ref,
             w2_ref, b2_ref, nw1x_ref, nw1e_ref, nb1_ref, nw2_ref, nb2_ref,
             h_ref):
        grb = gr_ref[...]
        gcb = gc_ref[...]
        t = (grb @ w1a_ref[...] + gcb @ w1b_ref[...]
             + ea_ref[...] @ w1c_ref[...] + b1_ref[...])
        ea2 = jnp.maximum(t, 0.0) @ w2_ref[...] + b2_ref[...]
        u = gcb @ nw1x_ref[...] + ea2 @ nw1e_ref[...] + nb1_ref[...]
        h_ref[...] = jnp.maximum(u, 0.0) @ nw2_ref[...] + nb2_ref[...]

    espec = pl.BlockSpec((_EB, hd), lambda i: (i, 0))
    ws = [w1a, w1b, w1c, b1, w2, b2, nw1x, nw1e, nb1, nw2, nb2]
    return pl.pallas_call(
        body,
        grid=(grid,),
        in_specs=[espec, espec, espec] + [_wspec(w) for w in ws],
        out_specs=espec,
        out_shape=jax.ShapeDtypeStruct((e, hd), jnp.float32),
    )(gr, gc, ea, *ws)


_NB = 2000


def _node(x_in, sums, cnt, w1x, w1a, b1, w2, b2, relu_out):
    n, hd = x_in.shape
    grid = n // _NB
    assert grid * _NB == n

    def body(x_ref, s_ref, c_ref, w1x_ref, w1a_ref, b1_ref, w2_ref, b2_ref,
             o_ref):
        s = s_ref[0] + s_ref[1]
        c = c_ref[0] + c_ref[1]
        agg = s / jnp.maximum(c[:, 0:1], 1.0)
        t = x_ref[...] @ w1x_ref[...] + agg @ w1a_ref[...] + b1_ref[...]
        o = jnp.maximum(t, 0.0) @ w2_ref[...] + b2_ref[...]
        if relu_out:
            o = jnp.maximum(o, 0.0)
        o_ref[...] = o

    nspec = pl.BlockSpec((_NB, hd), lambda i: (i, 0))
    sspec = pl.BlockSpec((_NC, _NB, hd), lambda i: (0, i, 0))
    cspec = pl.BlockSpec((_NC, _NB, hd), lambda i: (0, i, 0))
    ws = [w1x, w1a, b1, w2, b2]
    return pl.pallas_call(
        body,
        grid=(grid,),
        in_specs=[nspec, sspec, cspec] + [_wspec(w) for w in ws],
        out_specs=nspec,
        out_shape=jax.ShapeDtypeStruct((n, hd), jnp.float32),
    )(x_in, sums, cnt, *ws)


def kernel(x, edge_index, edge_attr,
           e1_w1, e1_b1, e1_w2, e1_b2,
           n1a_w1, n1a_b1, n1a_w2, n1a_b2,
           n1b_w1, n1b_b1, n1b_w2, n1b_b2,
           e2_w1, e2_b1, e2_w2, e2_b2,
           n2a_w1, n2a_b1, n2a_w2, n2a_b2,
           n2b_w1, n2b_b1, n2b_w2, n2b_b2):
    n, d = x.shape
    h = e1_w2.shape[0]
    row = edge_index[0]
    col = edge_index[1]

    g1r, g1c = _gather_two(x, row, col)
    cnt = _scatter_ones(row, n, h, x.dtype, g1r)
    ea, hmsg = _edge1(
        g1r, g1c, edge_attr,
        e1_w1[:d], e1_w1[d:2 * d], e1_w1[2 * d:], e1_b1[None, :],
        e1_w2, e1_b2[None, :],
        n1a_w1[:d], n1a_w1[d:], n1a_b1[None, :], n1a_w2, n1a_b2[None, :])
    sums1 = _scatter_sum(hmsg, row, n, cnt)
    x1 = _node(x, sums1, cnt,
               n1b_w1[:d], n1b_w1[d:], n1b_b1[None, :],
               n1b_w2, n1b_b2[None, :], relu_out=True)

    g2r, g2c = _gather_two(x1, row, col)
    h2 = _edge2(
        g2r, g2c, ea,
        e2_w1[:h], e2_w1[h:2 * h], e2_w1[2 * h:], e2_b1[None, :],
        e2_w2, e2_b2[None, :],
        n2a_w1[:h], n2a_w1[h:], n2a_b1[None, :], n2a_w2, n2a_b2[None, :])
    sums2 = _scatter_sum(h2, row, n, g2c)
    w2p = jnp.pad(n2b_w2, ((0, 0), (0, h - n2b_w2.shape[1])))
    b2p = jnp.pad(n2b_b2, (0, h - n2b_b2.shape[0]))
    outp = _node(x1, sums2, cnt,
                 n2b_w1[:h], n2b_w1[h:], n2b_b1[None, :],
                 w2p, b2p[None, :], relu_out=False)
    return outp[:, :n2b_w2.shape[1]]

# --- scband reference (transcript-rebuilt; emitter-appended) ---
"""Pipeline reference for scband-meta-net-43757126811844 (READ-ONLY COPY).

The authoritative reference and input builder live on the scoring server;
editing this copy changes nothing except your own understanding.
"""

import jax, jax.numpy as jnp
import numpy as np

N = 10000
E = 320000
D = 128
DE = 16
H = 128


def _lin(k, fi, fo):
    return jax.random.normal(k, (fi, fo), jnp.float32) / np.sqrt(fi)


def _mlp2(x, w1, b1, w2, b2):
    return jnp.maximum(x @ w1 + b1, 0.0) @ w2 + b2


def _scatter_mean(vals, idx, num):
    s = jax.ops.segment_sum(vals, idx, num_segments=num)
    c = jax.ops.segment_sum(jnp.ones((vals.shape[0],), vals.dtype), idx, num_segments=num)
    return s / jnp.maximum(c, 1.0)[:, None]


def setup_inputs(seed: int = 0):
    key = jax.random.key(seed)
    ks = jax.random.split(key, 16)
    inp = {}
    inp["x"] = jax.random.normal(ks[0], (N, D), jnp.float32)
    inp["edge_index"] = jax.random.randint(ks[1], (2, E), 0, N, dtype=jnp.int32)
    inp["edge_attr"] = jax.random.normal(ks[2], (E, DE), jnp.float32)
    # layer 1 edge MLP: in = 2*D + DE
    inp["e1_w1"] = _lin(ks[3], 2 * D + DE, H); inp["e1_b1"] = jnp.zeros((H,), jnp.float32)
    inp["e1_w2"] = _lin(ks[4], H, H); inp["e1_b2"] = jnp.zeros((H,), jnp.float32)
    # layer 1 node MLP 1: in = D + H
    inp["n1a_w1"] = _lin(ks[5], D + H, H); inp["n1a_b1"] = jnp.zeros((H,), jnp.float32)
    inp["n1a_w2"] = _lin(ks[6], H, H); inp["n1a_b2"] = jnp.zeros((H,), jnp.float32)
    # layer 1 node MLP 2: in = D + H
    inp["n1b_w1"] = _lin(ks[7], D + H, H); inp["n1b_b1"] = jnp.zeros((H,), jnp.float32)
    inp["n1b_w2"] = _lin(ks[8], H, H); inp["n1b_b2"] = jnp.zeros((H,), jnp.float32)
    # layer 2 edge MLP: in = 2*H + H
    inp["e2_w1"] = _lin(ks[9], 3 * H, H); inp["e2_b1"] = jnp.zeros((H,), jnp.float32)
    inp["e2_w2"] = _lin(ks[10], H, H); inp["e2_b2"] = jnp.zeros((H,), jnp.float32)
    # layer 2 node MLP 1: in = H + H
    inp["n2a_w1"] = _lin(ks[11], 2 * H, H); inp["n2a_b1"] = jnp.zeros((H,), jnp.float32)
    inp["n2a_w2"] = _lin(ks[12], H, H); inp["n2a_b2"] = jnp.zeros((H,), jnp.float32)
    # layer 2 node MLP 2: in = H + H, out = 1
    inp["n2b_w1"] = _lin(ks[13], 2 * H, H); inp["n2b_b1"] = jnp.zeros((H,), jnp.float32)
    inp["n2b_w2"] = _lin(ks[14], H, 1); inp["n2b_b2"] = jnp.zeros((1,), jnp.float32)
    return inp


def reference(x, edge_index, edge_attr,
              e1_w1, e1_b1, e1_w2, e1_b2,
              n1a_w1, n1a_b1, n1a_w2, n1a_b2,
              n1b_w1, n1b_b1, n1b_w2, n1b_b2,
              e2_w1, e2_b1, e2_w2, e2_b2,
              n2a_w1, n2a_b1, n2a_w2, n2a_b2,
              n2b_w1, n2b_b1, n2b_w2, n2b_b2):
    row, col = edge_index[0], edge_index[1]
    n = x.shape[0]
    # ---- MetaLayer 1 ----
    ea = _mlp2(jnp.concatenate([x[row], x[col], edge_attr], axis=1), e1_w1, e1_b1, e1_w2, e1_b2)
    h = _mlp2(jnp.concatenate([x[col], ea], axis=1), n1a_w1, n1a_b1, n1a_w2, n1a_b2)
    agg = _scatter_mean(h, row, n)
    x1 = _mlp2(jnp.concatenate([x, agg], axis=1), n1b_w1, n1b_b1, n1b_w2, n1b_b2)
    x1 = jnp.maximum(x1, 0.0)
    # ---- MetaLayer 2 ----
    ea2 = _mlp2(jnp.concatenate([x1[row], x1[col], ea], axis=1), e2_w1, e2_b1, e2_w2, e2_b2)
    h2 = _mlp2(jnp.concatenate([x1[col], ea2], axis=1), n2a_w1, n2a_b1, n2a_w2, n2a_b2)
    agg2 = _scatter_mean(h2, row, n)
    out = _mlp2(jnp.concatenate([x1, agg2], axis=1), n2b_w1, n2b_b1, n2b_w2, n2b_b2)
    return out

if __name__ == "__main__":
    import jax
    _d = setup_inputs()
    print(jax.jit(kernel)(*tuple(_d.values())))

</pallas_src>

<mosaic_0001>
#map = affine_map<(d0, d1) -> (0, 0)>
#map1 = affine_map<(d0, d1) -> (0)>
#map2 = affine_map<(d0, d1) -> (0, 0, 0)>
module attributes {stable_mosaic.version = 14 : i64} {
  func.func @sk(%arg0: i32, %arg1: i32, %arg2: memref<320000x128xf32, #tpu.memory_space<hbm>>, %arg3: memref<320000xi32, #tpu.memory_space<hbm>>, %arg4: memref<10240x128xf32, #tpu.memory_space<hbm>>, %arg5: memref<2x10240x128xf32, #tpu.memory_space<hbm>>, %arg6: memref<2x10240x128xf32, #tpu.memory_space<hbm>>, %arg7: memref<80xi32, #tpu.memory_space<vmem>>, %arg8: memref<80xi32, #tpu.memory_space<vmem>>, %arg9: memref<80x128xf32, #tpu.memory_space<vmem>>, %arg10: memref<80x128xf32, #tpu.memory_space<vmem>>, %arg11: memref<!tpu.dma_semaphore, #tpu.memory_space<semaphore_mem>>, %arg12: memref<!tpu.dma_semaphore, #tpu.memory_space<semaphore_mem>>, %arg13: memref<!tpu.dma_semaphore, #tpu.memory_space<semaphore_mem>>, %arg14: memref<!tpu.dma_semaphore, #tpu.memory_space<semaphore_mem>>, %arg15: memref<10240x128xf32, #tpu.memory_space<vmem_shared>>) attributes {dimension_semantics = [#tpu.dimension_semantics<core_parallel>, #tpu.dimension_semantics<subcore_parallel>], iteration_bounds = array<i64: 2, 16>, scalar_prefetch = 0 : i64, scratch_operands = 9 : i64, tpu.core_type = #tpu.core_type<sc_vector_subcore>, window_params = [{transform_indices = #map}, {transform_indices = #map1}, {transform_indices = #map}, {transform_indices = #map2}, {transform_indices = #map2}]} {
    %mul3A = arith.constant 2 : i32
    %mul3A_0 = arith.muli %arg1, %mul3A : i32
    %add3A = arith.addi %mul3A_0, %arg0 : i32
    %mul3A_1 = arith.constant 10000 : i32
    %mul3A_2 = arith.muli %add3A, %mul3A_1 : i32
    %mul3A_3 = arith.constant 640 : i32
    %mul3A_4 = arith.muli %arg1, %mul3A_3 : i32
    "tpu.region"() ({
      %run_scoped3A = tpu.sem_alloc : memref<!tpu.dma_semaphore, #tpu.memory_space<semaphore_mem>>
      %dma_start3A_38 = arith.constant 0 : i32
      %dma_start3A_39 = arith.constant 0 : i32
      %dma_start3A_40 = tpu.memref_slice %arg4[%dma_start3A_38, %dma_start3A_39] : memref<10240x128xf32, #tpu.memory_space<hbm>> -> memref<80x128xf32, #tpu.memory_space<hbm>>
      %dma_start3A_41 = arith.constant 0 : i32
      %dma_start3A_42 = arith.constant 0 : i32
      %dma_start3A_43 = tpu.memref_slice %arg4[%dma_start3A_41, %dma_start3A_42] : memref<10240x128xf32, #tpu.memory_space<hbm>> -> memref<80x128xf32, #tpu.memory_space<hbm>>
      tpu.enqueue_dma source(%dma_start3A_43 : memref<80x128xf32, #tpu.memory_space<hbm>>) target(%arg9 : memref<80x128xf32, #tpu.memory_space<vmem>>) target_semaphore(%run_scoped3A : memref<!tpu.dma_semaphore, #tpu.memory_space<semaphore_mem>>)
      %dma_wait3A = arith.constant 0 : i32
      %dma_wait3A_44 = arith.constant 0 : i32
      %dma_wait3A_45 = tpu.memref_slice %arg4[%dma_wait3A, %dma_wait3A_44] : memref<10240x128xf32, #tpu.memory_space<hbm>> -> memref<80x128xf32, #tpu.memory_space<hbm>>
      %dma_wait3A_46 = arith.constant 0 : i32
      %dma_wait3A_47 = arith.constant 0 : i32
      %dma_wait3A_48 = tpu.memref_slice %arg4[%dma_wait3A_46, %dma_wait3A_47] : memref<10240x128xf32, #tpu.memory_space<hbm>> -> memref<80x128xf32, #tpu.memory_space<hbm>>
      tpu.wait_dma2 semaphore(%run_scoped3A : memref<!tpu.dma_semaphore, #tpu.memory_space<semaphore_mem>>) src(%dma_wait3A_48 : memref<80x128xf32, #tpu.memory_space<hbm>>) dst(%arg9 : memref<80x128xf32, #tpu.memory_space<vmem>>)
      tpu.yield
    }) : () -> ()
    %scan3A = arith.constant 0 : i32
    %scan3A_5 = arith.constant 0 : i32
    %scan3A_6 = arith.constant 8 : i32
    %scan3A_7 = arith.addi %scan3A_5, %scan3A_6 : i32
    %scan3A_8 = arith.constant 1 : i32
    scf.for %scan3A_38 = %scan3A_5 to %scan3A_7 step %scan3A_8  : i32 {
      %mul3A_39 = arith.constant 80 : i32
      %mul3A_40 = arith.muli %scan3A_38, %mul3A_39 : i32
      %add3A_41 = arith.addi %mul3A_4, %mul3A_40 : i32
      "tpu.region"() ({
        %run_scoped3A = tpu.sem_alloc : memref<!tpu.dma_semaphore, #tpu.memory_space<semaphore_mem>>
        %dma_start3A_42 = arith.constant 0 : i32
        %dma_start3A_43 = tpu.memref_slice %arg15[%add3A_41, %dma_start3A_42] : memref<10240x128xf32, #tpu.memory_space<vmem_shared>> -> memref<80x128xf32, #tpu.memory_space<vmem_shared>>
        %dma_start3A_44 = arith.constant 0 : i32
        %dma_start3A_45 = tpu.memref_slice %arg15[%add3A_41, %dma_start3A_44] : memref<10240x128xf32, #tpu.memory_space<vmem_shared>> -> memref<80x128xf32, #tpu.memory_space<vmem_shared>>
        tpu.enqueue_dma source(%arg9 : memref<80x128xf32, #tpu.memory_space<vmem>>) target(%dma_start3A_45 : memref<80x128xf32, #tpu.memory_space<vmem_shared>>) target_semaphore(%run_scoped3A : memref<!tpu.dma_semaphore, #tpu.memory_space<semaphore_mem>>)
        %dma_wait3A = arith.constant 0 : i32
        %dma_wait3A_46 = tpu.memref_slice %arg15[%add3A_41, %dma_wait3A] : memref<10240x128xf32, #tpu.memory_space<vmem_shared>> -> memref<80x128xf32, #tpu.memory_space<vmem_shared>>
        %dma_wait3A_47 = arith.constant 0 : i32
        %dma_wait3A_48 = tpu.memref_slice %arg15[%add3A_41, %dma_wait3A_47] : memref<10240x128xf32, #tpu.memory_space<vmem_shared>> -> memref<80x128xf32, #tpu.memory_space<vmem_shared>>
        tpu.wait_dma2 semaphore(%run_scoped3A : memref<!tpu.dma_semaphore, #tpu.memory_space<semaphore_mem>>) src(%arg9 : memref<80x128xf32, #tpu.memory_space<vmem>>) dst(%dma_wait3A_48 : memref<80x128xf32, #tpu.memory_space<vmem_shared>>)
        tpu.yield
      }) : () -> ()
    }
    %scan3A_9 = arith.constant 8 : i32
    %barrier3A = arith.constant 0 : index
    tpu.barrier barrier_id(%barrier3A)
    %add3A_10 = arith.constant 0 : i32
    %add3A_11 = arith.addi %mul3A_2, %add3A_10 : i32
    %dma_start3A = tpu.memref_slice %arg3[%add3A_11] : memref<320000xi32, #tpu.memory_space<hbm>> -> memref<80xi32, #tpu.memory_space<hbm>>
    %dma_start3A_12 = tpu.memref_slice %arg3[%add3A_11] : memref<320000xi32, #tpu.memory_space<hbm>> -> memref<80xi32, #tpu.memory_space<hbm>>
    tpu.enqueue_dma source(%dma_start3A_12 : memref<80xi32, #tpu.memory_space<hbm>>) target(%arg7 : memref<80xi32, #tpu.memory_space<vmem>>) target_semaphore(%arg11 : memref<!tpu.dma_semaphore, #tpu.memory_space<semaphore_mem>>)
    %dma_start3A_13 = arith.constant 0 : i32
    %dma_start3A_14 = tpu.memref_slice %arg2[%add3A_11, %dma_start3A_13] : memref<320000x128xf32, #tpu.memory_space<hbm>> -> memref<80x128xf32, #tpu.memory_space<hbm>>
    %dma_start3A_15 = arith.constant 0 : i32
    %dma_start3A_16 = tpu.memref_slice %arg2[%add3A_11, %dma_start3A_15] : memref<320000x128xf32, #tpu.memory_space<hbm>> -> memref<80x128xf32, #tpu.memory_space<hbm>>
    tpu.enqueue_dma source(%dma_start3A_16 : memref<80x128xf32, #tpu.memory_space<hbm>>) target(%arg9 : memref<80x128xf32, #tpu.memory_space<vmem>>) target_semaphore(%arg13 : memref<!tpu.dma_semaphore, #tpu.memory_space<semaphore_mem>>)
    %add3A_17 = arith.constant 80 : i32
    %add3A_18 = arith.addi %mul3A_2, %add3A_17 : i32
    %dma_start3A_19 = tpu.memref_slice %arg3[%add3A_18] : memref<320000xi32, #tpu.memory_space<hbm>> -> memref<80xi32, #tpu.memory_space<hbm>>
    %dma_start3A_20 = tpu.memref_slice %arg3[%add3A_18] : memref<320000xi32, #tpu.memory_space<hbm>> -> memref<80xi32, #tpu.memory_space<hbm>>
    tpu.enqueue_dma source(%dma_start3A_20 : memref<80xi32, #tpu.memory_space<hbm>>) target(%arg8 : memref<80xi32, #tpu.memory_space<vmem>>) target_semaphore(%arg12 : memref<!tpu.dma_semaphore, #tpu.memory_space<semaphore_mem>>)
    %dma_start3A_21 = arith.constant 0 : i32
    %dma_start3A_22 = tpu.memref_slice %arg2[%add3A_18, %dma_start3A_21] : memref<320000x128xf32, #tpu.memory_space<hbm>> -> memref<80x128xf32, #tpu.memory_space<hbm>>
    %dma_start3A_23 = arith.constant 0 : i32
    %dma_start3A_24 = tpu.memref_slice %arg2[%add3A_18, %dma_start3A_23] : memref<320000x128xf32, #tpu.memory_space<hbm>> -> memref<80x128xf32, #tpu.memory_space<hbm>>
    tpu.enqueue_dma source(%dma_start3A_24 : memref<80x128xf32, #tpu.memory_space<hbm>>) target(%arg10 : memref<80x128xf32, #tpu.memory_space<vmem>>) target_semaphore(%arg14 : memref<!tpu.dma_semaphore, #tpu.memory_space<semaphore_mem>>)
    %scan3A_25 = arith.constant 0 : i32
    %scan3A_26 = arith.constant 0 : i32
    %scan3A_27 = arith.constant 63 : i32
    %scan3A_28 = arith.addi %scan3A_26, %scan3A_27 : i32
    %scan3A_29 = arith.constant 1 : i32
    scf.for %scan3A_38 = %scan3A_26 to %scan3A_28 step %scan3A_29  : i32 {
      %mul3A_39 = arith.constant 2 : i32
      %mul3A_40 = arith.muli %mul3A_39, %scan3A_38 : i32
      %add3A_41 = arith.constant 0 : i32
      %add3A_42 = arith.addi %mul3A_40, %add3A_41 : i32
      %lt3A = arith.constant 125 : i32
      %lt3A_43 = arith.cmpi slt, %add3A_42, %lt3A : i32
      %convert_element_type3A = arith.extui %lt3A_43 : i1 to i32
      %cond3A = arith.constant 0 : i32
      %cond3A_44 = arith.cmpi ne, %convert_element_type3A, %cond3A : i32
      scf.if %cond3A_44 {
        %mul3A_54 = arith.constant 80 : i32
        %mul3A_55 = arith.muli %add3A_42, %mul3A_54 : i32
        %add3A_56 = arith.addi %mul3A_2, %mul3A_55 : i32
        %dma_wait3A = tpu.memref_slice %arg3[%add3A_56] : memref<320000xi32, #tpu.memory_space<hbm>> -> memref<80xi32, #tpu.memory_space<hbm>>
        %dma_wait3A_57 = tpu.memref_slice %arg3[%add3A_56] : memref<320000xi32, #tpu.memory_space<hbm>> -> memref<80xi32, #tpu.memory_space<hbm>>
        tpu.wait_dma2 semaphore(%arg11 : memref<!tpu.dma_semaphore, #tpu.memory_space<semaphore_mem>>) src(%dma_wait3A_57 : memref<80xi32, #tpu.memory_space<hbm>>) dst(%arg7 : memref<80xi32, #tpu.memory_space<vmem>>)
        %dma_wait3A_58 = arith.constant 0 : i32
        %dma_wait3A_59 = tpu.memref_slice %arg2[%add3A_56, %dma_wait3A_58] : memref<320000x128xf32, #tpu.memory_space<hbm>> -> memref<80x128xf32, #tpu.memory_space<hbm>>
        %dma_wait3A_60 = arith.constant 0 : i32
        %dma_wait3A_61 = tpu.memref_slice %arg2[%add3A_56, %dma_wait3A_60] : memref<320000x128xf32, #tpu.memory_space<hbm>> -> memref<80x128xf32, #tpu.memory_space<hbm>>
        tpu.wait_dma2 semaphore(%arg13 : memref<!tpu.dma_semaphore, #tpu.memory_space<semaphore_mem>>) src(%dma_wait3A_61 : memref<80x128xf32, #tpu.memory_space<hbm>>) dst(%arg9 : memref<80x128xf32, #tpu.memory_space<vmem>>)
        "tpu.region"() ({
          %run_scoped3A = tpu.sem_alloc : memref<!tpu.dma_semaphore, #tpu.memory_space<semaphore_mem>>
          %dma_start3A_69 = arith.constant 0 : i32
          %dma_start3A_70 = arith.constant 0 : i32
          %dma_start3A_71 = tpu.memref_slice %arg15[%dma_start3A_69, %dma_start3A_70] : memref<10240x128xf32, #tpu.memory_space<vmem_shared>> -> memref<10240x128xf32, #tpu.memory_space<vmem_shared>>
          tpu.enqueue_indirect_dma source(%arg9 : memref<80x128xf32, #tpu.memory_space<vmem>>) target(%dma_start3A_71 : memref<10240x128xf32, #tpu.memory_space<vmem_shared>>) offsets(%arg7 : memref<80xi32, #tpu.memory_space<vmem>>) semaphore(%run_scoped3A : memref<!tpu.dma_semaphore, #tpu.memory_space<semaphore_mem>>) {add = true}
          %dma_wait3A_72 = arith.constant 0 : i32
          %dma_wait3A_73 = arith.constant 0 : i32
          %dma_wait3A_74 = tpu.memref_slice %arg15[%dma_wait3A_72, %dma_wait3A_73] : memref<10240x128xf32, #tpu.memory_space<vmem_shared>> -> memref<10240x128xf32, #tpu.memory_space<vmem_shared>>
          tpu.wait_indirect_dma semaphore(%run_scoped3A : memref<!tpu.dma_semaphore, #tpu.memory_space<semaphore_mem>>) src(%arg9 : memref<80x128xf32, #tpu.memory_space<vmem>>) dst(%dma_wait3A_74 : memref<10240x128xf32, #tpu.memory_space<vmem_shared>>)
          tpu.yield
        }) : () -> ()
        %add3A_62 = arith.constant 2 : i32
        %add3A_63 = arith.addi %add3A_42, %add3A_62 : i32
        %lt3A_64 = arith.constant 125 : i32
        %lt3A_65 = arith.cmpi slt, %add3A_63, %lt3A_64 : i32
        %convert_element_type3A_66 = arith.extui %lt3A_65 : i1 to i32
        %cond3A_67 = arith.constant 0 : i32
        %cond3A_68 = arith.cmpi ne, %convert_element_type3A_66, %cond3A_67 : i32
        scf.if %cond3A_68 {
          %add3A_69 = arith.constant 2 : i32
          %add3A_70 = arith.addi %add3A_42, %add3A_69 : i32
          %mul3A_71 = arith.constant 80 : i32
          %mul3A_72 = arith.muli %add3A_70, %mul3A_71 : i32
          %add3A_73 = arith.addi %mul3A_2, %mul3A_72 : i32
          %dma_start3A_74 = tpu.memref_slice %arg3[%add3A_73] : memref<320000xi32, #tpu.memory_space<hbm>> -> memref<80xi32, #tpu.memory_space<hbm>>
          %dma_start3A_75 = tpu.memref_slice %arg3[%add3A_73] : memref<320000xi32, #tpu.memory_space<hbm>> -> memref<80xi32, #tpu.memory_space<hbm>>
          tpu.enqueue_dma source(%dma_start3A_75 : memref<80xi32, #tpu.memory_space<hbm>>) target(%arg7 : memref<80xi32, #tpu.memory_space<vmem>>) target_semaphore(%arg11 : memref<!tpu.dma_semaphore, #tpu.memory_space<semaphore_mem>>)
          %dma_start3A_76 = arith.constant 0 : i32
          %dma_start3A_77 = tpu.memref_slice %arg2[%add3A_73, %dma_start3A_76] : memref<320000x128xf32, #tpu.memory_space<hbm>> -> memref<80x128xf32, #tpu.memory_space<hbm>>
          %dma_start3A_78 = arith.constant 0 : i32
          %dma_start3A_79 = tpu.memref_slice %arg2[%add3A_73, %dma_start3A_78] : memref<320000x128xf32, #tpu.memory_space<hbm>> -> memref<80x128xf32, #tpu.memory_space<hbm>>
          tpu.enqueue_dma source(%dma_start3A_79 : memref<80x128xf32, #tpu.memory_space<hbm>>) target(%arg9 : memref<80x128xf32, #tpu.memory_space<vmem>>) target_semaphore(%arg13 : memref<!tpu.dma_semaphore, #tpu.memory_space<semaphore_mem>>)
        } else {
        }
      } else {
      }
      %mul3A_45 = arith.constant 2 : i32
      %mul3A_46 = arith.muli %mul3A_45, %scan3A_38 : i32
      %add3A_47 = arith.constant 1 : i32
      %add3A_48 = arith.addi %mul3A_46, %add3A_47 : i32
      %lt3A_49 = arith.constant 125 : i32
      %lt3A_50 = arith.cmpi slt, %add3A_48, %lt3A_49 : i32
      %convert_element_type3A_51 = arith.extui %lt3A_50 : i1 to i32
      %cond3A_52 = arith.constant 0 : i32
      %cond3A_53 = arith.cmpi ne, %convert_element_type3A_51, %cond3A_52 : i32
      scf.if %cond3A_53 {
        %mul3A_54 = arith.constant 80 : i32
        %mul3A_55 = arith.muli %add3A_48, %mul3A_54 : i32
        %add3A_56 = arith.addi %mul3A_2, %mul3A_55 : i32
        %dma_wait3A = tpu.memref_slice %arg3[%add3A_56] : memref<320000xi32, #tpu.memory_space<hbm>> -> memref<80xi32, #tpu.memory_space<hbm>>
        %dma_wait3A_57 = tpu.memref_slice %arg3[%add3A_56] : memref<320000xi32, #tpu.memory_space<hbm>> -> memref<80xi32, #tpu.memory_space<hbm>>
        tpu.wait_dma2 semaphore(%arg12 : memref<!tpu.dma_semaphore, #tpu.memory_space<semaphore_mem>>) src(%dma_wait3A_57 : memref<80xi32, #tpu.memory_space<hbm>>) dst(%arg8 : memref<80xi32, #tpu.memory_space<vmem>>)
        %dma_wait3A_58 = arith.constant 0 : i32
        %dma_wait3A_59 = tpu.memref_slice %arg2[%add3A_56, %dma_wait3A_58] : memref<320000x128xf32, #tpu.memory_space<hbm>> -> memref<80x128xf32, #tpu.memory_space<hbm>>
        %dma_wait3A_60 = arith.constant 0 : i32
        %dma_wait3A_61 = tpu.memref_slice %arg2[%add3A_56, %dma_wait3A_60] : memref<320000x128xf32, #tpu.memory_space<hbm>> -> memref<80x128xf32, #tpu.memory_space<hbm>>
        tpu.wait_dma2 semaphore(%arg14 : memref<!tpu.dma_semaphore, #tpu.memory_space<semaphore_mem>>) src(%dma_wait3A_61 : memref<80x128xf32, #tpu.memory_space<hbm>>) dst(%arg10 : memref<80x128xf32, #tpu.memory_space<vmem>>)
        "tpu.region"() ({
          %run_scoped3A = tpu.sem_alloc : memref<!tpu.dma_semaphore, #tpu.memory_space<semaphore_mem>>
          %dma_start3A_69 = arith.constant 0 : i32
          %dma_start3A_70 = arith.constant 0 : i32
          %dma_start3A_71 = tpu.memref_slice %arg15[%dma_start3A_69, %dma_start3A_70] : memref<10240x128xf32, #tpu.memory_space<vmem_shared>> -> memref<10240x128xf32, #tpu.memory_space<vmem_shared>>
          tpu.enqueue_indirect_dma source(%arg10 : memref<80x128xf32, #tpu.memory_space<vmem>>) target(%dma_start3A_71 : memref<10240x128xf32, #tpu.memory_space<vmem_shared>>) offsets(%arg8 : memref<80xi32, #tpu.memory_space<vmem>>) semaphore(%run_scoped3A : memref<!tpu.dma_semaphore, #tpu.memory_space<semaphore_mem>>) {add = true}
          %dma_wait3A_72 = arith.constant 0 : i32
          %dma_wait3A_73 = arith.constant 0 : i32
          %dma_wait3A_74 = tpu.memref_slice %arg15[%dma_wait3A_72, %dma_wait3A_73] : memref<10240x128xf32, #tpu.memory_space<vmem_shared>> -> memref<10240x128xf32, #tpu.memory_space<vmem_shared>>
          tpu.wait_indirect_dma semaphore(%run_scoped3A : memref<!tpu.dma_semaphore, #tpu.memory_space<semaphore_mem>>) src(%arg10 : memref<80x128xf32, #tpu.memory_space<vmem>>) dst(%dma_wait3A_74 : memref<10240x128xf32, #tpu.memory_space<vmem_shared>>)
          tpu.yield
        }) : () -> ()
        %add3A_62 = arith.constant 2 : i32
        %add3A_63 = arith.addi %add3A_48, %add3A_62 : i32
        %lt3A_64 = arith.constant 125 : i32
        %lt3A_65 = arith.cmpi slt, %add3A_63, %lt3A_64 : i32
        %convert_element_type3A_66 = arith.extui %lt3A_65 : i1 to i32
        %cond3A_67 = arith.constant 0 : i32
        %cond3A_68 = arith.cmpi ne, %convert_element_type3A_66, %cond3A_67 : i32
        scf.if %cond3A_68 {
          %add3A_69 = arith.constant 2 : i32
          %add3A_70 = arith.addi %add3A_48, %add3A_69 : i32
          %mul3A_71 = arith.constant 80 : i32
          %mul3A_72 = arith.muli %add3A_70, %mul3A_71 : i32
          %add3A_73 = arith.addi %mul3A_2, %mul3A_72 : i32
          %dma_start3A_74 = tpu.memref_slice %arg3[%add3A_73] : memref<320000xi32, #tpu.memory_space<hbm>> -> memref<80xi32, #tpu.memory_space<hbm>>
          %dma_start3A_75 = tpu.memref_slice %arg3[%add3A_73] : memref<320000xi32, #tpu.memory_space<hbm>> -> memref<80xi32, #tpu.memory_space<hbm>>
          tpu.enqueue_dma source(%dma_start3A_75 : memref<80xi32, #tpu.memory_space<hbm>>) target(%arg8 : memref<80xi32, #tpu.memory_space<vmem>>) target_semaphore(%arg12 : memref<!tpu.dma_semaphore, #tpu.memory_space<semaphore_mem>>)
          %dma_start3A_76 = arith.constant 0 : i32
          %dma_start3A_77 = tpu.memref_slice %arg2[%add3A_73, %dma_start3A_76] : memref<320000x128xf32, #tpu.memory_space<hbm>> -> memref<80x128xf32, #tpu.memory_space<hbm>>
          %dma_start3A_78 = arith.constant 0 : i32
          %dma_start3A_79 = tpu.memref_slice %arg2[%add3A_73, %dma_start3A_78] : memref<320000x128xf32, #tpu.memory_space<hbm>> -> memref<80x128xf32, #tpu.memory_space<hbm>>
          tpu.enqueue_dma source(%dma_start3A_79 : memref<80x128xf32, #tpu.memory_space<hbm>>) target(%arg10 : memref<80x128xf32, #tpu.memory_space<vmem>>) target_semaphore(%arg14 : memref<!tpu.dma_semaphore, #tpu.memory_space<semaphore_mem>>)
        } else {
        }
      } else {
      }
    }
    %scan3A_30 = arith.constant 63 : i32
    %barrier3A_31 = arith.constant 0 : index
    tpu.barrier barrier_id(%barrier3A_31)
    %scan3A_32 = arith.constant 0 : i32
    %scan3A_33 = arith.constant 0 : i32
    %scan3A_34 = arith.constant 8 : i32
    %scan3A_35 = arith.addi %scan3A_33, %scan3A_34 : i32
    %scan3A_36 = arith.constant 1 : i32
    scf.for %scan3A_38 = %scan3A_33 to %scan3A_35 step %scan3A_36  : i32 {
      %mul3A_39 = arith.constant 80 : i32
      %mul3A_40 = arith.muli %scan3A_38, %mul3A_39 : i32
      %add3A_41 = arith.addi %mul3A_4, %mul3A_40 : i32
      "tpu.region"() ({
        %run_scoped3A = tpu.sem_alloc : memref<!tpu.dma_semaphore, #tpu.memory_space<semaphore_mem>>
        %dma_start3A_42 = arith.constant 0 : i32
        %dma_start3A_43 = tpu.memref_slice %arg15[%add3A_41, %dma_start3A_42] : memref<10240x128xf32, #tpu.memory_space<vmem_shared>> -> memref<80x128xf32, #tpu.memory_space<vmem_shared>>
        %dma_start3A_44 = arith.constant 0 : i32
        %dma_start3A_45 = tpu.memref_slice %arg15[%add3A_41, %dma_start3A_44] : memref<10240x128xf32, #tpu.memory_space<vmem_shared>> -> memref<80x128xf32, #tpu.memory_space<vmem_shared>>
        tpu.enqueue_dma source(%dma_start3A_45 : memref<80x128xf32, #tpu.memory_space<vmem_shared>>) target(%arg9 : memref<80x128xf32, #tpu.memory_space<vmem>>) target_semaphore(%run_scoped3A : memref<!tpu.dma_semaphore, #tpu.memory_space<semaphore_mem>>)
        %dma_wait3A = arith.constant 0 : i32
        %dma_wait3A_46 = tpu.memref_slice %arg15[%add3A_41, %dma_wait3A] : memref<10240x128xf32, #tpu.memory_space<vmem_shared>> -> memref<80x128xf32, #tpu.memory_space<vmem_shared>>
        %dma_wait3A_47 = arith.constant 0 : i32
        %dma_wait3A_48 = tpu.memref_slice %arg15[%add3A_41, %dma_wait3A_47] : memref<10240x128xf32, #tpu.memory_space<vmem_shared>> -> memref<80x128xf32, #tpu.memory_space<vmem_shared>>
        tpu.wait_dma2 semaphore(%run_scoped3A : memref<!tpu.dma_semaphore, #tpu.memory_space<semaphore_mem>>) src(%dma_wait3A_48 : memref<80x128xf32, #tpu.memory_space<vmem_shared>>) dst(%arg9 : memref<80x128xf32, #tpu.memory_space<vmem>>)
        tpu.yield
      }) : () -> ()
      "tpu.region"() ({
        %run_scoped3A = tpu.sem_alloc : memref<!tpu.dma_semaphore, #tpu.memory_space<semaphore_mem>>
        %dma_start3A_42 = arith.constant 0 : i32
        %dma_start3A_43 = tpu.memref_slice %arg6[%arg0, %add3A_41, %dma_start3A_42] : memref<2x10240x128xf32, #tpu.memory_space<hbm>> -> memref<1x80x128xf32, #tpu.memory_space<hbm>>
        %dma_start3A_44 = tpu.memref_squeeze %dma_start3A_43 : memref<1x80x128xf32, #tpu.memory_space<hbm>> -> memref<80x128xf32, #tpu.memory_space<hbm>>
        %dma_start3A_45 = arith.constant 0 : i32
        %dma_start3A_46 = tpu.memref_slice %arg6[%arg0, %add3A_41, %dma_start3A_45] : memref<2x10240x128xf32, #tpu.memory_space<hbm>> -> memref<1x80x128xf32, #tpu.memory_space<hbm>>
        %dma_start3A_47 = tpu.memref_squeeze %dma_start3A_46 : memref<1x80x128xf32, #tpu.memory_space<hbm>> -> memref<80x128xf32, #tpu.memory_space<hbm>>
        tpu.enqueue_dma source(%arg9 : memref<80x128xf32, #tpu.memory_space<vmem>>) target(%dma_start3A_47 : memref<80x128xf32, #tpu.memory_space<hbm>>) target_semaphore(%run_scoped3A : memref<!tpu.dma_semaphore, #tpu.memory_space<semaphore_mem>>)
        %dma_wait3A = arith.constant 0 : i32
        %dma_wait3A_48 = tpu.memref_slice %arg6[%arg0, %add3A_41, %dma_wait3A] : memref<2x10240x128xf32, #tpu.memory_space<hbm>> -> memref<1x80x128xf32, #tpu.memory_space<hbm>>
        %dma_wait3A_49 = tpu.memref_squeeze %dma_wait3A_48 : memref<1x80x128xf32, #tpu.memory_space<hbm>> -> memref<80x128xf32, #tpu.memory_space<hbm>>
        %dma_wait3A_50 = arith.constant 0 : i32
        %dma_wait3A_51 = tpu.memref_slice %arg6[%arg0, %add3A_41, %dma_wait3A_50] : memref<2x10240x128xf32, #tpu.memory_space<hbm>> -> memref<1x80x128xf32, #tpu.memory_space<hbm>>
        %dma_wait3A_52 = tpu.memref_squeeze %dma_wait3A_51 : memref<1x80x128xf32, #tpu.memory_space<hbm>> -> memref<80x128xf32, #tpu.memory_space<hbm>>
        tpu.wait_dma2 semaphore(%run_scoped3A : memref<!tpu.dma_semaphore, #tpu.memory_space<semaphore_mem>>) src(%arg9 : memref<80x128xf32, #tpu.memory_space<vmem>>) dst(%dma_wait3A_52 : memref<80x128xf32, #tpu.memory_space<hbm>>)
        tpu.yield
      }) : () -> ()
    }
    %scan3A_37 = arith.constant 8 : i32
    return
  }
}

#map = affine_map<(d0, d1) -> (0, 0)>
#map1 = affine_map<(d0, d1) -> (0)>
module attributes {stable_mosaic.version = 14 : i64} {
  func.func @gk(%arg0: i32, %arg1: i32, %arg2: memref<10000x128xf32, #tpu.memory_space<hbm>>, %arg3: memref<320000xi32, #tpu.memory_space<hbm>>, %arg4: memref<320000xi32, #tpu.memory_space<hbm>>, %arg5: memref<320000x128xf32, #tpu.memory_space<hbm>>, %arg6: memref<320000x128xf32, #tpu.memory_space<hbm>>, %arg7: memref<80xi32, #tpu.memory_space<vmem>>, %arg8: memref<80xi32, #tpu.memory_space<vmem>>, %arg9: memref<80xi32, #tpu.memory_space<vmem>>, %arg10: memref<80xi32, #tpu.memory_space<vmem>>, %arg11: memref<80x128xf32, #tpu.memory_space<vmem>>, %arg12: memref<80x128xf32, #tpu.memory_space<vmem>>, %arg13: memref<80x128xf32, #tpu.memory_space<vmem>>, %arg14: memref<80x128xf32, #tpu.memory_space<vmem>>, %arg15: memref<!tpu.dma_semaphore, #tpu.memory_space<semaphore_mem>>, %arg16: memref<!tpu.dma_semaphore, #tpu.memory_space<semaphore_mem>>, %arg17: memref<!tpu.dma_semaphore, #tpu.memory_space<semaphore_mem>>, %arg18: memref<!tpu.dma_semaphore, #tpu.memory_space<semaphore_mem>>, %arg19: memref<!tpu.dma_semaphore, #tpu.memory_space<semaphore_mem>>, %arg20: memref<!tpu.dma_semaphore, #tpu.memory_space<semaphore_mem>>, %arg21: memref<!tpu.dma_semaphore, #tpu.memory_space<semaphore_mem>>, %arg22: memref<!tpu.dma_semaphore, #tpu.memory_space<semaphore_mem>>, %arg23: memref<!tpu.dma_semaphore, #tpu.memory_space<semaphore_mem>>, %arg24: memref<!tpu.dma_semaphore, #tpu.memory_space<semaphore_mem>>, %arg25: memref<!tpu.dma_semaphore, #tpu.memory_space<semaphore_mem>>, %arg26: memref<!tpu.dma_semaphore, #tpu.memory_space<semaphore_mem>>) attributes {dimension_semantics = [#tpu.dimension_semantics<core_parallel>, #tpu.dimension_semantics<subcore_parallel>], iteration_bounds = array<i64: 2, 16>, scalar_prefetch = 0 : i64, scratch_operands = 20 : i64, tpu.core_type = #tpu.core_type<sc_vector_subcore>, window_params = [{transform_indices = #map}, {transform_indices = #map1}, {transform_indices = #map1}, {transform_indices = #map}, {transform_indices = #map}]} {
    %mul3A = arith.constant 2 : i32
    %mul3A_0 = arith.muli %arg1, %mul3A : i32
    %add3A = arith.addi %mul3A_0, %arg0 : i32
    %mul3A_1 = arith.constant 10000 : i32
    %mul3A_2 = arith.muli %add3A, %mul3A_1 : i32
    %add3A_3 = arith.constant 0 : i32
    %add3A_4 = arith.addi %mul3A_2, %add3A_3 : i32
    %dma_start3A = tpu.memref_slice %arg3[%add3A_4] : memref<320000xi32, #tpu.memory_space<hbm>> -> memref<80xi32, #tpu.memory_space<hbm>>
    %dma_start3A_5 = tpu.memref_slice %arg3[%add3A_4] : memref<320000xi32, #tpu.memory_space<hbm>> -> memref<80xi32, #tpu.memory_space<hbm>>
    tpu.enqueue_dma source(%dma_start3A_5 : memref<80xi32, #tpu.memory_space<hbm>>) target(%arg7 : memref<80xi32, #tpu.memory_space<vmem>>) target_semaphore(%arg15 : memref<!tpu.dma_semaphore, #tpu.memory_space<semaphore_mem>>)
    %dma_start3A_6 = tpu.memref_slice %arg4[%add3A_4] : memref<320000xi32, #tpu.memory_space<hbm>> -> memref<80xi32, #tpu.memory_space<hbm>>
    %dma_start3A_7 = tpu.memref_slice %arg4[%add3A_4] : memref<320000xi32, #tpu.memory_space<hbm>> -> memref<80xi32, #tpu.memory_space<hbm>>
    tpu.enqueue_dma source(%dma_start3A_7 : memref<80xi32, #tpu.memory_space<hbm>>) target(%arg8 : memref<80xi32, #tpu.memory_space<vmem>>) target_semaphore(%arg16 : memref<!tpu.dma_semaphore, #tpu.memory_space<semaphore_mem>>)
    %add3A_8 = arith.constant 80 : i32
    %add3A_9 = arith.addi %mul3A_2, %add3A_8 : i32
    %dma_start3A_10 = tpu.memref_slice %arg3[%add3A_9] : memref<320000xi32, #tpu.memory_space<hbm>> -> memref<80xi32, #tpu.memory_space<hbm>>
    %dma_start3A_11 = tpu.memref_slice %arg3[%add3A_9] : memref<320000xi32, #tpu.memory_space<hbm>> -> memref<80xi32, #tpu.memory_space<hbm>>
    tpu.enqueue_dma source(%dma_start3A_11 : memref<80xi32, #tpu.memory_space<hbm>>) target(%arg9 : memref<80xi32, #tpu.memory_space<vmem>>) target_semaphore(%arg17 : memref<!tpu.dma_semaphore, #tpu.memory_space<semaphore_mem>>)
    %dma_start3A_12 = tpu.memref_slice %arg4[%add3A_9] : memref<320000xi32, #tpu.memory_space<hbm>> -> memref<80xi32, #tpu.memory_space<hbm>>
    %dma_start3A_13 = tpu.memref_slice %arg4[%add3A_9] : memref<320000xi32, #tpu.memory_space<hbm>> -> memref<80xi32, #tpu.memory_space<hbm>>
    tpu.enqueue_dma source(%dma_start3A_13 : memref<80xi32, #tpu.memory_space<hbm>>) target(%arg10 : memref<80xi32, #tpu.memory_space<vmem>>) target_semaphore(%arg18 : memref<!tpu.dma_semaphore, #tpu.memory_space<semaphore_mem>>)
    %add3A_14 = arith.constant 0 : i32
    %add3A_15 = arith.addi %mul3A_2, %add3A_14 : i32
    %dma_wait3A = tpu.memref_slice %arg3[%add3A_15] : memref<320000xi32, #tpu.memory_space<hbm>> -> memref<80xi32, #tpu.memory_space<hbm>>
    %dma_wait3A_16 = tpu.memref_slice %arg3[%add3A_15] : memref<320000xi32, #tpu.memory_space<hbm>> -> memref<80xi32, #tpu.memory_space<hbm>>
    tpu.wait_dma2 semaphore(%arg15 : memref<!tpu.dma_semaphore, #tpu.memory_space<semaphore_mem>>) src(%dma_wait3A_16 : memref<80xi32, #tpu.memory_space<hbm>>) dst(%arg7 : memref<80xi32, #tpu.memory_space<vmem>>)
    %dma_wait3A_17 = tpu.memref_slice %arg4[%add3A_15] : memref<320000xi32, #tpu.memory_space<hbm>> -> memref<80xi32, #tpu.memory_space<hbm>>
    %dma_wait3A_18 = tpu.memref_slice %arg4[%add3A_15] : memref<320000xi32, #tpu.memory_space<hbm>> -> memref<80xi32, #tpu.memory_space<hbm>>
    tpu.wait_dma2 semaphore(%arg16 : memref<!tpu.dma_semaphore, #tpu.memory_space<semaphore_mem>>) src(%dma_wait3A_18 : memref<80xi32, #tpu.memory_space<hbm>>) dst(%arg8 : memref<80xi32, #tpu.memory_space<vmem>>)
    %dma_start3A_19 = arith.constant 0 : i32
    %dma_start3A_20 = arith.constant 0 : i32
    %dma_start3A_21 = tpu.memref_slice %arg2[%dma_start3A_19, %dma_start3A_20] : memref<10000x128xf32, #tpu.memory_space<hbm>> -> memref<10000x128xf32, #tpu.memory_space<hbm>>
    tpu.enqueue_indirect_dma source(%dma_start3A_21 : memref<10000x128xf32, #tpu.memory_space<hbm>>) target(%arg11 : memref<80x128xf32, #tpu.memory_space<vmem>>) offsets(%arg7 : memref<80xi32, #tpu.memory_space<vmem>>) semaphore(%arg19 : memref<!tpu.dma_semaphore, #tpu.memory_space<semaphore_mem>>)
    %dma_start3A_22 = arith.constant 0 : i32
    %dma_start3A_23 = arith.constant 0 : i32
    %dma_start3A_24 = tpu.memref_slice %arg2[%dma_start3A_22, %dma_start3A_23] : memref<10000x128xf32, #tpu.memory_space<hbm>> -> memref<10000x128xf32, #tpu.memory_space<hbm>>
    tpu.enqueue_indirect_dma source(%dma_start3A_24 : memref<10000x128xf32, #tpu.memory_space<hbm>>) target(%arg12 : memref<80x128xf32, #tpu.memory_space<vmem>>) offsets(%arg8 : memref<80xi32, #tpu.memory_space<vmem>>) semaphore(%arg20 : memref<!tpu.dma_semaphore, #tpu.memory_space<semaphore_mem>>)
    %scan3A = arith.constant 0 : i32
    %scan3A_25 = arith.constant 0 : i32
    %scan3A_26 = arith.constant 63 : i32
    %scan3A_27 = arith.addi %scan3A_25, %scan3A_26 : i32
    %scan3A_28 = arith.constant 1 : i32
    scf.for %scan3A_50 = %scan3A_25 to %scan3A_27 step %scan3A_28  : i32 {
      %mul3A_51 = arith.constant 2 : i32
      %mul3A_52 = arith.muli %mul3A_51, %scan3A_50 : i32
      %add3A_53 = arith.constant 0 : i32
      %add3A_54 = arith.addi %mul3A_52, %add3A_53 : i32
      %lt3A = arith.constant 125 : i32
      %lt3A_55 = arith.cmpi slt, %add3A_54, %lt3A : i32
      %convert_element_type3A = arith.extui %lt3A_55 : i1 to i32
      %cond3A = arith.constant 0 : i32
      %cond3A_56 = arith.cmpi ne, %convert_element_type3A, %cond3A : i32
      scf.if %cond3A_56 {
        %dma_wait3A_66 = arith.constant 0 : i32
        %dma_wait3A_67 = arith.constant 0 : i32
        %dma_wait3A_68 = tpu.memref_slice %arg2[%dma_wait3A_66, %dma_wait3A_67] : memref<10000x128xf32, #tpu.memory_space<hbm>> -> memref<10000x128xf32, #tpu.memory_space<hbm>>
        tpu.wait_indirect_dma semaphore(%arg19 : memref<!tpu.dma_semaphore, #tpu.memory_space<semaphore_mem>>) src(%dma_wait3A_68 : memref<10000x128xf32, #tpu.memory_space<hbm>>) dst(%arg11 : memref<80x128xf32, #tpu.memory_space<vmem>>)
        %dma_wait3A_69 = arith.constant 0 : i32
        %dma_wait3A_70 = arith.constant 0 : i32
        %dma_wait3A_71 = tpu.memref_slice %arg2[%dma_wait3A_69, %dma_wait3A_70] : memref<10000x128xf32, #tpu.memory_space<hbm>> -> memref<10000x128xf32, #tpu.memory_space<hbm>>
        tpu.wait_indirect_dma semaphore(%arg20 : memref<!tpu.dma_semaphore, #tpu.memory_space<semaphore_mem>>) src(%dma_wait3A_71 : memref<10000x128xf32, #tpu.memory_space<hbm>>) dst(%arg12 : memref<80x128xf32, #tpu.memory_space<vmem>>)
        %mul3A_72 = arith.constant 80 : i32
        %mul3A_73 = arith.muli %add3A_54, %mul3A_72 : i32
        %add3A_74 = arith.addi %mul3A_2, %mul3A_73 : i32
        %dma_start3A_75 = arith.constant 0 : i32
        %dma_start3A_76 = tpu.memref_slice %arg5[%add3A_74, %dma_start3A_75] : memref<320000x128xf32, #tpu.memory_space<hbm>> -> memref<80x128xf32, #tpu.memory_space<hbm>>
        %dma_start3A_77 = arith.constant 0 : i32
        %dma_start3A_78 = tpu.memref_slice %arg5[%add3A_74, %dma_start3A_77] : memref<320000x128xf32, #tpu.memory_space<hbm>> -> memref<80x128xf32, #tpu.memory_space<hbm>>
        tpu.enqueue_dma source(%arg11 : memref<80x128xf32, #tpu.memory_space<vmem>>) target(%dma_start3A_78 : memref<80x128xf32, #tpu.memory_space<hbm>>) target_semaphore(%arg23 : memref<!tpu.dma_semaphore, #tpu.memory_space<semaphore_mem>>)
        %dma_start3A_79 = arith.constant 0 : i32
        %dma_start3A_80 = tpu.memref_slice %arg6[%add3A_74, %dma_start3A_79] : memref<320000x128xf32, #tpu.memory_space<hbm>> -> memref<80x128xf32, #tpu.memory_space<hbm>>
        %dma_start3A_81 = arith.constant 0 : i32
        %dma_start3A_82 = tpu.memref_slice %arg6[%add3A_74, %dma_start3A_81] : memref<320000x128xf32, #tpu.memory_space<hbm>> -> memref<80x128xf32, #tpu.memory_space<hbm>>
        tpu.enqueue_dma source(%arg12 : memref<80x128xf32, #tpu.memory_space<vmem>>) target(%dma_start3A_82 : memref<80x128xf32, #tpu.memory_space<hbm>>) target_semaphore(%arg24 : memref<!tpu.dma_semaphore, #tpu.memory_space<semaphore_mem>>)
        %add3A_83 = arith.constant 2 : i32
        %add3A_84 = arith.addi %add3A_54, %add3A_83 : i32
        %lt3A_85 = arith.constant 125 : i32
        %lt3A_86 = arith.cmpi slt, %add3A_84, %lt3A_85 : i32
        %convert_element_type3A_87 = arith.extui %lt3A_86 : i1 to i32
        %cond3A_88 = arith.constant 0 : i32
        %cond3A_89 = arith.cmpi ne, %convert_element_type3A_87, %cond3A_88 : i32
        scf.if %cond3A_89 {
          %add3A_97 = arith.constant 2 : i32
          %add3A_98 = arith.addi %add3A_54, %add3A_97 : i32
          %mul3A_99 = arith.constant 80 : i32
          %mul3A_100 = arith.muli %add3A_98, %mul3A_99 : i32
          %add3A_101 = arith.addi %mul3A_2, %mul3A_100 : i32
          %dma_start3A_102 = tpu.memref_slice %arg3[%add3A_101] : memref<320000xi32, #tpu.memory_space<hbm>> -> memref<80xi32, #tpu.memory_space<hbm>>
          %dma_start3A_103 = tpu.memref_slice %arg3[%add3A_101] : memref<320000xi32, #tpu.memory_space<hbm>> -> memref<80xi32, #tpu.memory_space<hbm>>
          tpu.enqueue_dma source(%dma_start3A_103 : memref<80xi32, #tpu.memory_space<hbm>>) target(%arg7 : memref<80xi32, #tpu.memory_space<vmem>>) target_semaphore(%arg15 : memref<!tpu.dma_semaphore, #tpu.memory_space<semaphore_mem>>)
          %dma_start3A_104 = tpu.memref_slice %arg4[%add3A_101] : memref<320000xi32, #tpu.memory_space<hbm>> -> memref<80xi32, #tpu.memory_space<hbm>>
          %dma_start3A_105 = tpu.memref_slice %arg4[%add3A_101] : memref<320000xi32, #tpu.memory_space<hbm>> -> memref<80xi32, #tpu.memory_space<hbm>>
          tpu.enqueue_dma source(%dma_start3A_105 : memref<80xi32, #tpu.memory_space<hbm>>) target(%arg8 : memref<80xi32, #tpu.memory_space<vmem>>) target_semaphore(%arg16 : memref<!tpu.dma_semaphore, #tpu.memory_space<semaphore_mem>>)
        } else {
        }
        %add3A_90 = arith.constant 1 : i32
        %add3A_91 = arith.addi %add3A_54, %add3A_90 : i32
        %lt3A_92 = arith.constant 125 : i32
        %lt3A_93 = arith.cmpi slt, %add3A_91, %lt3A_92 : i32
        %convert_element_type3A_94 = arith.extui %lt3A_93 : i1 to i32
        %cond3A_95 = arith.constant 0 : i32
        %cond3A_96 = arith.cmpi ne, %convert_element_type3A_94, %cond3A_95 : i32
        scf.if %cond3A_96 {
          %ge3A = arith.constant 1 : i32
          %ge3A_97 = arith.cmpi sge, %add3A_54, %ge3A : i32
          %convert_element_type3A_98 = arith.extui %ge3A_97 : i1 to i32
          %cond3A_99 = arith.constant 0 : i32
          %cond3A_100 = arith.cmpi ne, %convert_element_type3A_98, %cond3A_99 : i32
          scf.if %cond3A_100 {
            %sub3A = arith.constant 1 : i32
            %sub3A_116 = arith.subi %add3A_54, %sub3A : i32
            %mul3A_117 = arith.constant 80 : i32
            %mul3A_118 = arith.muli %sub3A_116, %mul3A_117 : i32
            %add3A_119 = arith.addi %mul3A_2, %mul3A_118 : i32
            %dma_wait3A_120 = arith.constant 0 : i32
            %dma_wait3A_121 = tpu.memref_slice %arg5[%add3A_119, %dma_wait3A_120] : memref<320000x128xf32, #tpu.memory_space<hbm>> -> memref<80x128xf32, #tpu.memory_space<hbm>>
            %dma_wait3A_122 = arith.constant 0 : i32
            %dma_wait3A_123 = tpu.memref_slice %arg5[%add3A_119, %dma_wait3A_122] : memref<320000x128xf32, #tpu.memory_space<hbm>> -> memref<80x128xf32, #tpu.memory_space<hbm>>
            tpu.wait_dma2 semaphore(%arg25 : memref<!tpu.dma_semaphore, #tpu.memory_space<semaphore_mem>>) src(%arg13 : memref<80x128xf32, #tpu.memory_space<vmem>>) dst(%dma_wait3A_123 : memref<80x128xf32, #tpu.memory_space<hbm>>)
            %dma_wait3A_124 = arith.constant 0 : i32
            %dma_wait3A_125 = tpu.memref_slice %arg6[%add3A_119, %dma_wait3A_124] : memref<320000x128xf32, #tpu.memory_space<hbm>> -> memref<80x128xf32, #tpu.memory_space<hbm>>
            %dma_wait3A_126 = arith.constant 0 : i32
            %dma_wait3A_127 = tpu.memref_slice %arg6[%add3A_119, %dma_wait3A_126] : memref<320000x128xf32, #tpu.memory_space<hbm>> -> memref<80x128xf32, #tpu.memory_space<hbm>>
            tpu.wait_dma2 semaphore(%arg26 : memref<!tpu.dma_semaphore, #tpu.memory_space<semaphore_mem>>) src(%arg14 : memref<80x128xf32, #tpu.memory_space<vmem>>) dst(%dma_wait3A_127 : memref<80x128xf32, #tpu.memory_space<hbm>>)
          } else {
          }
          %add3A_101 = arith.constant 1 : i32
          %add3A_102 = arith.addi %add3A_54, %add3A_101 : i32
          %mul3A_103 = arith.constant 80 : i32
          %mul3A_104 = arith.muli %add3A_102, %mul3A_103 : i32
          %add3A_105 = arith.addi %mul3A_2, %mul3A_104 : i32
          %dma_wait3A_106 = tpu.memref_slice %arg3[%add3A_105] : memref<320000xi32, #tpu.memory_space<hbm>> -> memref<80xi32, #tpu.memory_space<hbm>>
          %dma_wait3A_107 = tpu.memref_slice %arg3[%add3A_105] : memref<320000xi32, #tpu.memory_space<hbm>> -> memref<80xi32, #tpu.memory_space<hbm>>
          tpu.wait_dma2 semaphore(%arg17 : memref<!tpu.dma_semaphore, #tpu.memory_space<semaphore_mem>>) src(%dma_wait3A_107 : memref<80xi32, #tpu.memory_space<hbm>>) dst(%arg9 : memref<80xi32, #tpu.memory_space<vmem>>)
          %dma_wait3A_108 = tpu.memref_slice %arg4[%add3A_105] : memref<320000xi32, #tpu.memory_space<hbm>> -> memref<80xi32, #tpu.memory_space<hbm>>
          %dma_wait3A_109 = tpu.memref_slice %arg4[%add3A_105] : memref<320000xi32, #tpu.memory_space<hbm>> -> memref<80xi32, #tpu.memory_space<hbm>>
          tpu.wait_dma2 semaphore(%arg18 : memref<!tpu.dma_semaphore, #tpu.memory_space<semaphore_mem>>) src(%dma_wait3A_109 : memref<80xi32, #tpu.memory_space<hbm>>) dst(%arg10 : memref<80xi32, #tpu.memory_space<vmem>>)
          %dma_start3A_110 = arith.constant 0 : i32
          %dma_start3A_111 = arith.constant 0 : i32
          %dma_start3A_112 = tpu.memref_slice %arg2[%dma_start3A_110, %dma_start3A_111] : memref<10000x128xf32, #tpu.memory_space<hbm>> -> memref<10000x128xf32, #tpu.memory_space<hbm>>
          tpu.enqueue_indirect_dma source(%dma_start3A_112 : memref<10000x128xf32, #tpu.memory_space<hbm>>) target(%arg13 : memref<80x128xf32, #tpu.memory_space<vmem>>) offsets(%arg9 : memref<80xi32, #tpu.memory_space<vmem>>) semaphore(%arg21 : memref<!tpu.dma_semaphore, #tpu.memory_space<semaphore_mem>>)
          %dma_start3A_113 = arith.constant 0 : i32
          %dma_start3A_114 = arith.constant 0 : i32
          %dma_start3A_115 = tpu.memref_slice %arg2[%dma_start3A_113, %dma_start3A_114] : memref<10000x128xf32, #tpu.memory_space<hbm>> -> memref<10000x128xf32, #tpu.memory_space<hbm>>
          tpu.enqueue_indirect_dma source(%dma_start3A_115 : memref<10000x128xf32, #tpu.memory_space<hbm>>) target(%arg14 : memref<80x128xf32, #tpu.memory_space<vmem>>) offsets(%arg10 : memref<80xi32, #tpu.memory_space<vmem>>) semaphore(%arg22 : memref<!tpu.dma_semaphore, #tpu.memory_space<semaphore_mem>>)
        } else {
        }
      } else {
      }
      %mul3A_57 = arith.constant 2 : i32
      %mul3A_58 = arith.muli %mul3A_57, %scan3A_50 : i32
      %add3A_59 = arith.constant 1 : i32
      %add3A_60 = arith.addi %mul3A_58, %add3A_59 : i32
      %lt3A_61 = arith.constant 125 : i32
      %lt3A_62 = arith.cmpi slt, %add3A_60, %lt3A_61 : i32
      %convert_element_type3A_63 = arith.extui %lt3A_62 : i1 to i32
      %cond3A_64 = arith.constant 0 : i32
      %cond3A_65 = arith.cmpi ne, %convert_element_type3A_63, %cond3A_64 : i32
      scf.if %cond3A_65 {
        %dma_wait3A_66 = arith.constant 0 : i32
        %dma_wait3A_67 = arith.constant 0 : i32
        %dma_wait3A_68 = tpu.memref_slice %arg2[%dma_wait3A_66, %dma_wait3A_67] : memref<10000x128xf32, #tpu.memory_space<hbm>> -> memref<10000x128xf32, #tpu.memory_space<hbm>>
        tpu.wait_indirect_dma semaphore(%arg21 : memref<!tpu.dma_semaphore, #tpu.memory_space<semaphore_mem>>) src(%dma_wait3A_68 : memref<10000x128xf32, #tpu.memory_space<hbm>>) dst(%arg13 : memref<80x128xf32, #tpu.memory_space<vmem>>)
        %dma_wait3A_69 = arith.constant 0 : i32
        %dma_wait3A_70 = arith.constant 0 : i32
        %dma_wait3A_71 = tpu.memref_slice %arg2[%dma_wait3A_69, %dma_wait3A_70] : memref<10000x128xf32, #tpu.memory_space<hbm>> -> memref<10000x128xf32, #tpu.memory_space<hbm>>
        tpu.wait_indirect_dma semaphore(%arg22 : memref<!tpu.dma_semaphore, #tpu.memory_space<semaphore_mem>>) src(%dma_wait3A_71 : memref<10000x128xf32, #tpu.memory_space<hbm>>) dst(%arg14 : memref<80x128xf32, #tpu.memory_space<vmem>>)
        %mul3A_72 = arith.constant 80 : i32
        %mul3A_73 = arith.muli %add3A_60, %mul3A_72 : i32
        %add3A_74 = arith.addi %mul3A_2, %mul3A_73 : i32
        %dma_start3A_75 = arith.constant 0 : i32
        %dma_start3A_76 = tpu.memref_slice %arg5[%add3A_74, %dma_start3A_75] : memref<320000x128xf32, #tpu.memory_space<hbm>> -> memref<80x128xf32, #tpu.memory_space<hbm>>
        %dma_start3A_77 = arith.constant 0 : i32
        %dma_start3A_78 = tpu.memref_slice %arg5[%add3A_74, %dma_start3A_77] : memref<320000x128xf32, #tpu.memory_space<hbm>> -> memref<80x128xf32, #tpu.memory_space<hbm>>
        tpu.enqueue_dma source(%arg13 : memref<80x128xf32, #tpu.memory_space<vmem>>) target(%dma_start3A_78 : memref<80x128xf32, #tpu.memory_space<hbm>>) target_semaphore(%arg25 : memref<!tpu.dma_semaphore, #tpu.memory_space<semaphore_mem>>)
        %dma_start3A_79 = arith.constant 0 : i32
        %dma_start3A_80 = tpu.memref_slice %arg6[%add3A_74, %dma_start3A_79] : memref<320000x128xf32, #tpu.memory_space<hbm>> -> memref<80x128xf32, #tpu.memory_space<hbm>>
        %dma_start3A_81 = arith.constant 0 : i32
        %dma_start3A_82 = tpu.memref_slice %arg6[%add3A_74, %dma_start3A_81] : memref<320000x128xf32, #tpu.memory_space<hbm>> -> memref<80x128xf32, #tpu.memory_space<hbm>>
        tpu.enqueue_dma source(%arg14 : memref<80x128xf32, #tpu.memory_space<vmem>>) target(%dma_start3A_82 : memref<80x128xf32, #tpu.memory_space<hbm>>) target_semaphore(%arg26 : memref<!tpu.dma_semaphore, #tpu.memory_space<semaphore_mem>>)
        %add3A_83 = arith.constant 2 : i32
        %add3A_84 = arith.addi %add3A_60, %add3A_83 : i32
        %lt3A_85 = arith.constant 125 : i32
        %lt3A_86 = arith.cmpi slt, %add3A_84, %lt3A_85 : i32
        %convert_element_type3A_87 = arith.extui %lt3A_86 : i1 to i32
        %cond3A_88 = arith.constant 0 : i32
        %cond3A_89 = arith.cmpi ne, %convert_element_type3A_87, %cond3A_88 : i32
        scf.if %cond3A_89 {
          %add3A_97 = arith.constant 2 : i32
          %add3A_98 = arith.addi %add3A_60, %add3A_97 : i32
          %mul3A_99 = arith.constant 80 : i32
          %mul3A_100 = arith.muli %add3A_98, %mul3A_99 : i32
          %add3A_101 = arith.addi %mul3A_2, %mul3A_100 : i32
          %dma_start3A_102 = tpu.memref_slice %arg3[%add3A_101] : memref<320000xi32, #tpu.memory_space<hbm>> -> memref<80xi32, #tpu.memory_space<hbm>>
          %dma_start3A_103 = tpu.memref_slice %arg3[%add3A_101] : memref<320000xi32, #tpu.memory_space<hbm>> -> memref<80xi32, #tpu.memory_space<hbm>>
          tpu.enqueue_dma source(%dma_start3A_103 : memref<80xi32, #tpu.memory_space<hbm>>) target(%arg9 : memref<80xi32, #tpu.memory_space<vmem>>) target_semaphore(%arg17 : memref<!tpu.dma_semaphore, #tpu.memory_space<semaphore_mem>>)
          %dma_start3A_104 = tpu.memref_slice %arg4[%add3A_101] : memref<320000xi32, #tpu.memory_space<hbm>> -> memref<80xi32, #tpu.memory_space<hbm>>
          %dma_start3A_105 = tpu.memref_slice %arg4[%add3A_101] : memref<320000xi32, #tpu.memory_space<hbm>> -> memref<80xi32, #tpu.memory_space<hbm>>
          tpu.enqueue_dma source(%dma_start3A_105 : memref<80xi32, #tpu.memory_space<hbm>>) target(%arg10 : memref<80xi32, #tpu.memory_space<vmem>>) target_semaphore(%arg18 : memref<!tpu.dma_semaphore, #tpu.memory_space<semaphore_mem>>)
        } else {
        }
        %add3A_90 = arith.constant 1 : i32
        %add3A_91 = arith.addi %add3A_60, %add3A_90 : i32
        %lt3A_92 = arith.constant 125 : i32
        %lt3A_93 = arith.cmpi slt, %add3A_91, %lt3A_92 : i32
        %convert_element_type3A_94 = arith.extui %lt3A_93 : i1 to i32
        %cond3A_95 = arith.constant 0 : i32
        %cond3A_96 = arith.cmpi ne, %convert_element_type3A_94, %cond3A_95 : i32
        scf.if %cond3A_96 {
          %ge3A = arith.constant 1 : i32
          %ge3A_97 = arith.cmpi sge, %add3A_60, %ge3A : i32
          %convert_element_type3A_98 = arith.extui %ge3A_97 : i1 to i32
          %cond3A_99 = arith.constant 0 : i32
          %cond3A_100 = arith.cmpi ne, %convert_element_type3A_98, %cond3A_99 : i32
          scf.if %cond3A_100 {
            %sub3A = arith.constant 1 : i32
            %sub3A_116 = arith.subi %add3A_60, %sub3A : i32
            %mul3A_117 = arith.constant 80 : i32
            %mul3A_118 = arith.muli %sub3A_116, %mul3A_117 : i32
            %add3A_119 = arith.addi %mul3A_2, %mul3A_118 : i32
            %dma_wait3A_120 = arith.constant 0 : i32
            %dma_wait3A_121 = tpu.memref_slice %arg5[%add3A_119, %dma_wait3A_120] : memref<320000x128xf32, #tpu.memory_space<hbm>> -> memref<80x128xf32, #tpu.memory_space<hbm>>
            %dma_wait3A_122 = arith.constant 0 : i32
            %dma_wait3A_123 = tpu.memref_slice %arg5[%add3A_119, %dma_wait3A_122] : memref<320000x128xf32, #tpu.memory_space<hbm>> -> memref<80x128xf32, #tpu.memory_space<hbm>>
            tpu.wait_dma2 semaphore(%arg23 : memref<!tpu.dma_semaphore, #tpu.memory_space<semaphore_mem>>) src(%arg11 : memref<80x128xf32, #tpu.memory_space<vmem>>) dst(%dma_wait3A_123 : memref<80x128xf32, #tpu.memory_space<hbm>>)
            %dma_wait3A_124 = arith.constant 0 : i32
            %dma_wait3A_125 = tpu.memref_slice %arg6[%add3A_119, %dma_wait3A_124] : memref<320000x128xf32, #tpu.memory_space<hbm>> -> memref<80x128xf32, #tpu.memory_space<hbm>>
            %dma_wait3A_126 = arith.constant 0 : i32
            %dma_wait3A_127 = tpu.memref_slice %arg6[%add3A_119, %dma_wait3A_126] : memref<320000x128xf32, #tpu.memory_space<hbm>> -> memref<80x128xf32, #tpu.memory_space<hbm>>
            tpu.wait_dma2 semaphore(%arg24 : memref<!tpu.dma_semaphore, #tpu.memory_space<semaphore_mem>>) src(%arg12 : memref<80x128xf32, #tpu.memory_space<vmem>>) dst(%dma_wait3A_127 : memref<80x128xf32, #tpu.memory_space<hbm>>)
          } else {
          }
          %add3A_101 = arith.constant 1 : i32
          %add3A_102 = arith.addi %add3A_60, %add3A_101 : i32
          %mul3A_103 = arith.constant 80 : i32
          %mul3A_104 = arith.muli %add3A_102, %mul3A_103 : i32
          %add3A_105 = arith.addi %mul3A_2, %mul3A_104 : i32
          %dma_wait3A_106 = tpu.memref_slice %arg3[%add3A_105] : memref<320000xi32, #tpu.memory_space<hbm>> -> memref<80xi32, #tpu.memory_space<hbm>>
          %dma_wait3A_107 = tpu.memref_slice %arg3[%add3A_105] : memref<320000xi32, #tpu.memory_space<hbm>> -> memref<80xi32, #tpu.memory_space<hbm>>
          tpu.wait_dma2 semaphore(%arg15 : memref<!tpu.dma_semaphore, #tpu.memory_space<semaphore_mem>>) src(%dma_wait3A_107 : memref<80xi32, #tpu.memory_space<hbm>>) dst(%arg7 : memref<80xi32, #tpu.memory_space<vmem>>)
          %dma_wait3A_108 = tpu.memref_slice %arg4[%add3A_105] : memref<320000xi32, #tpu.memory_space<hbm>> -> memref<80xi32, #tpu.memory_space<hbm>>
          %dma_wait3A_109 = tpu.memref_slice %arg4[%add3A_105] : memref<320000xi32, #tpu.memory_space<hbm>> -> memref<80xi32, #tpu.memory_space<hbm>>
          tpu.wait_dma2 semaphore(%arg16 : memref<!tpu.dma_semaphore, #tpu.memory_space<semaphore_mem>>) src(%dma_wait3A_109 : memref<80xi32, #tpu.memory_space<hbm>>) dst(%arg8 : memref<80xi32, #tpu.memory_space<vmem>>)
          %dma_start3A_110 = arith.constant 0 : i32
          %dma_start3A_111 = arith.constant 0 : i32
          %dma_start3A_112 = tpu.memref_slice %arg2[%dma_start3A_110, %dma_start3A_111] : memref<10000x128xf32, #tpu.memory_space<hbm>> -> memref<10000x128xf32, #tpu.memory_space<hbm>>
          tpu.enqueue_indirect_dma source(%dma_start3A_112 : memref<10000x128xf32, #tpu.memory_space<hbm>>) target(%arg11 : memref<80x128xf32, #tpu.memory_space<vmem>>) offsets(%arg7 : memref<80xi32, #tpu.memory_space<vmem>>) semaphore(%arg19 : memref<!tpu.dma_semaphore, #tpu.memory_space<semaphore_mem>>)
          %dma_start3A_113 = arith.constant 0 : i32
          %dma_start3A_114 = arith.constant 0 : i32
          %dma_start3A_115 = tpu.memref_slice %arg2[%dma_start3A_113, %dma_start3A_114] : memref<10000x128xf32, #tpu.memory_space<hbm>> -> memref<10000x128xf32, #tpu.memory_space<hbm>>
          tpu.enqueue_indirect_dma source(%dma_start3A_115 : memref<10000x128xf32, #tpu.memory_space<hbm>>) target(%arg12 : memref<80x128xf32, #tpu.memory_space<vmem>>) offsets(%arg8 : memref<80xi32, #tpu.memory_space<vmem>>) semaphore(%arg20 : memref<!tpu.dma_semaphore, #tpu.memory_space<semaphore_mem>>)
        } else {
        }
      } else {
      }
    }
    %scan3A_29 = arith.constant 63 : i32
    %add3A_30 = arith.constant 9840 : i32
    %add3A_31 = arith.addi %mul3A_2, %add3A_30 : i32
    %dma_wait3A_32 = arith.constant 0 : i32
    %dma_wait3A_33 = tpu.memref_slice %arg5[%add3A_31, %dma_wait3A_32] : memref<320000x128xf32, #tpu.memory_space<hbm>> -> memref<80x128xf32, #tpu.memory_space<hbm>>
    %dma_wait3A_34 = arith.constant 0 : i32
    %dma_wait3A_35 = tpu.memref_slice %arg5[%add3A_31, %dma_wait3A_34] : memref<320000x128xf32, #tpu.memory_space<hbm>> -> memref<80x128xf32, #tpu.memory_space<hbm>>
    tpu.wait_dma2 semaphore(%arg25 : memref<!tpu.dma_semaphore, #tpu.memory_space<semaphore_mem>>) src(%arg13 : memref<80x128xf32, #tpu.memory_space<vmem>>) dst(%dma_wait3A_35 : memref<80x128xf32, #tpu.memory_space<hbm>>)
    %dma_wait3A_36 = arith.constant 0 : i32
    %dma_wait3A_37 = tpu.memref_slice %arg6[%add3A_31, %dma_wait3A_36] : memref<320000x128xf32, #tpu.memory_space<hbm>> -> memref<80x128xf32, #tpu.memory_space<hbm>>
    %dma_wait3A_38 = arith.constant 0 : i32
    %dma_wait3A_39 = tpu.memref_slice %arg6[%add3A_31, %dma_wait3A_38] : memref<320000x128xf32, #tpu.memory_space<hbm>> -> memref<80x128xf32, #tpu.memory_space<hbm>>
    tpu.wait_dma2 semaphore(%arg26 : memref<!tpu.dma_semaphore, #tpu.memory_space<semaphore_mem>>) src(%arg14 : memref<80x128xf32, #tpu.memory_space<vmem>>) dst(%dma_wait3A_39 : memref<80x128xf32, #tpu.memory_space<hbm>>)
    %add3A_40 = arith.constant 9920 : i32
    %add3A_41 = arith.addi %mul3A_2, %add3A_40 : i32
    %dma_wait3A_42 = arith.constant 0 : i32
    %dma_wait3A_43 = tpu.memref_slice %arg5[%add3A_41, %dma_wait3A_42] : memref<320000x128xf32, #tpu.memory_space<hbm>> -> memref<80x128xf32, #tpu.memory_space<hbm>>
    %dma_wait3A_44 = arith.constant 0 : i32
    %dma_wait3A_45 = tpu.memref_slice %arg5[%add3A_41, %dma_wait3A_44] : memref<320000x128xf32, #tpu.memory_space<hbm>> -> memref<80x128xf32, #tpu.memory_space<hbm>>
    tpu.wait_dma2 semaphore(%arg23 : memref<!tpu.dma_semaphore, #tpu.memory_space<semaphore_mem>>) src(%arg11 : memref<80x128xf32, #tpu.memory_space<vmem>>) dst(%dma_wait3A_45 : memref<80x128xf32, #tpu.memory_space<hbm>>)
    %dma_wait3A_46 = arith.constant 0 : i32
    %dma_wait3A_47 = tpu.memref_slice %arg6[%add3A_41, %dma_wait3A_46] : memref<320000x128xf32, #tpu.memory_space<hbm>> -> memref<80x128xf32, #tpu.memory_space<hbm>>
    %dma_wait3A_48 = arith.constant 0 : i32
    %dma_wait3A_49 = tpu.memref_slice %arg6[%add3A_41, %dma_wait3A_48] : memref<320000x128xf32, #tpu.memory_space<hbm>> -> memref<80x128xf32, #tpu.memory_space<hbm>>
    tpu.wait_dma2 semaphore(%arg24 : memref<!tpu.dma_semaphore, #tpu.memory_space<semaphore_mem>>) src(%arg12 : memref<80x128xf32, #tpu.memory_space<vmem>>) dst(%dma_wait3A_49 : memref<80x128xf32, #tpu.memory_space<hbm>>)
    return
  }
}

#map = affine_map<(d0, d1) -> (0, 0)>
#map1 = affine_map<(d0, d1) -> (0)>
module attributes {stable_mosaic.version = 14 : i64} {
  func.func @gk(%arg0: i32, %arg1: i32, %arg2: memref<10000x128xf32, #tpu.memory_space<hbm>>, %arg3: memref<320000xi32, #tpu.memory_space<hbm>>, %arg4: memref<320000xi32, #tpu.memory_space<hbm>>, %arg5: memref<320000x128xf32, #tpu.memory_space<hbm>>, %arg6: memref<320000x128xf32, #tpu.memory_space<hbm>>, %arg7: memref<80xi32, #tpu.memory_space<vmem>>, %arg8: memref<80xi32, #tpu.memory_space<vmem>>, %arg9: memref<80xi32, #tpu.memory_space<vmem>>, %arg10: memref<80xi32, #tpu.memory_space<vmem>>, %arg11: memref<80x128xf32, #tpu.memory_space<vmem>>, %arg12: memref<80x128xf32, #tpu.memory_space<vmem>>, %arg13: memref<80x128xf32, #tpu.memory_space<vmem>>, %arg14: memref<80x128xf32, #tpu.memory_space<vmem>>, %arg15: memref<!tpu.dma_semaphore, #tpu.memory_space<semaphore_mem>>, %arg16: memref<!tpu.dma_semaphore, #tpu.memory_space<semaphore_mem>>, %arg17: memref<!tpu.dma_semaphore, #tpu.memory_space<semaphore_mem>>, %arg18: memref<!tpu.dma_semaphore, #tpu.memory_space<semaphore_mem>>, %arg19: memref<!tpu.dma_semaphore, #tpu.memory_space<semaphore_mem>>, %arg20: memref<!tpu.dma_semaphore, #tpu.memory_space<semaphore_mem>>, %arg21: memref<!tpu.dma_semaphore, #tpu.memory_space<semaphore_mem>>, %arg22: memref<!tpu.dma_semaphore, #tpu.memory_space<semaphore_mem>>, %arg23: memref<!tpu.dma_semaphore, #tpu.memory_space<semaphore_mem>>, %arg24: memref<!tpu.dma_semaphore, #tpu.memory_space<semaphore_mem>>, %arg25: memref<!tpu.dma_semaphore, #tpu.memory_space<semaphore_mem>>, %arg26: memref<!tpu.dma_semaphore, #tpu.memory_space<semaphore_mem>>) attributes {dimension_semantics = [#tpu.dimension_semantics<core_parallel>, #tpu.dimension_semantics<subcore_parallel>], iteration_bounds = array<i64: 2, 16>, scalar_prefetch = 0 : i64, scratch_operands = 20 : i64, tpu.core_type = #tpu.core_type<sc_vector_subcore>, window_params = [{transform_indices = #map}, {transform_indices = #map1}, {transform_indices = #map1}, {transform_indices = #map}, {transform_indices = #map}]} {
    %mul3A = arith.constant 2 : i32
    %mul3A_0 = arith.muli %arg1, %mul3A : i32
    %add3A = arith.addi %mul3A_0, %arg0 : i32
    %mul3A_1 = arith.constant 10000 : i32
    %mul3A_2 = arith.muli %add3A, %mul3A_1 : i32
    %add3A_3 = arith.constant 0 : i32
    %add3A_4 = arith.addi %mul3A_2, %add3A_3 : i32
    %dma_start3A = tpu.memref_slice %arg3[%add3A_4] : memref<320000xi32, #tpu.memory_space<hbm>> -> memref<80xi32, #tpu.memory_space<hbm>>
    %dma_start3A_5 = tpu.memref_slice %arg3[%add3A_4] : memref<320000xi32, #tpu.memory_space<hbm>> -> memref<80xi32, #tpu.memory_space<hbm>>
    tpu.enqueue_dma source(%dma_start3A_5 : memref<80xi32, #tpu.memory_space<hbm>>) target(%arg7 : memref<80xi32, #tpu.memory_space<vmem>>) target_semaphore(%arg15 : memref<!tpu.dma_semaphore, #tpu.memory_space<semaphore_mem>>)
    %dma_start3A_6 = tpu.memref_slice %arg4[%add3A_4] : memref<320000xi32, #tpu.memory_space<hbm>> -> memref<80xi32, #tpu.memory_space<hbm>>
    %dma_start3A_7 = tpu.memref_slice %arg4[%add3A_4] : memref<320000xi32, #tpu.memory_space<hbm>> -> memref<80xi32, #tpu.memory_space<hbm>>
    tpu.enqueue_dma source(%dma_start3A_7 : memref<80xi32, #tpu.memory_space<hbm>>) target(%arg8 : memref<80xi32, #tpu.memory_space<vmem>>) target_semaphore(%arg16 : memref<!tpu.dma_semaphore, #tpu.memory_space<semaphore_mem>>)
    %add3A_8 = arith.constant 80 : i32
    %add3A_9 = arith.addi %mul3A_2, %add3A_8 : i32
    %dma_start3A_10 = tpu.memref_slice %arg3[%add3A_9] : memref<320000xi32, #tpu.memory_space<hbm>> -> memref<80xi32, #tpu.memory_space<hbm>>
    %dma_start3A_11 = tpu.memref_slice %arg3[%add3A_9] : memref<320000xi32, #tpu.memory_space<hbm>> -> memref<80xi32, #tpu.memory_space<hbm>>
    tpu.enqueue_dma source(%dma_start3A_11 : memref<80xi32, #tpu.memory_space<hbm>>) target(%arg9 : memref<80xi32, #tpu.memory_space<vmem>>) target_semaphore(%arg17 : memref<!tpu.dma_semaphore, #tpu.memory_space<semaphore_mem>>)
    %dma_start3A_12 = tpu.memref_slice %arg4[%add3A_9] : memref<320000xi32, #tpu.memory_space<hbm>> -> memref<80xi32, #tpu.memory_space<hbm>>
    %dma_start3A_13 = tpu.memref_slice %arg4[%add3A_9] : memref<320000xi32, #tpu.memory_space<hbm>> -> memref<80xi32, #tpu.memory_space<hbm>>
    tpu.enqueue_dma source(%dma_start3A_13 : memref<80xi32, #tpu.memory_space<hbm>>) target(%arg10 : memref<80xi32, #tpu.memory_space<vmem>>) target_semaphore(%arg18 : memref<!tpu.dma_semaphore, #tpu.memory_space<semaphore_mem>>)
    %add3A_14 = arith.constant 0 : i32
    %add3A_15 = arith.addi %mul3A_2, %add3A_14 : i32
    %dma_wait3A = tpu.memref_slice %arg3[%add3A_15] : memref<320000xi32, #tpu.memory_space<hbm>> -> memref<80xi32, #tpu.memory_space<hbm>>
    %dma_wait3A_16 = tpu.memref_slice %arg3[%add3A_15] : memref<320000xi32, #tpu.memory_space<hbm>> -> memref<80xi32, #tpu.memory_space<hbm>>
    tpu.wait_dma2 semaphore(%arg15 : memref<!tpu.dma_semaphore, #tpu.memory_space<semaphore_mem>>) src(%dma_wait3A_16 : memref<80xi32, #tpu.memory_space<hbm>>) dst(%arg7 : memref<80xi32, #tpu.memory_space<vmem>>)
    %dma_wait3A_17 = tpu.memref_slice %arg4[%add3A_15] : memref<320000xi32, #tpu.memory_space<hbm>> -> memref<80xi32, #tpu.memory_space<hbm>>
    %dma_wait3A_18 = tpu.memref_slice %arg4[%add3A_15] : memref<320000xi32, #tpu.memory_space<hbm>> -> memref<80xi32, #tpu.memory_space<hbm>>
    tpu.wait_dma2 semaphore(%arg16 : memref<!tpu.dma_semaphore, #tpu.memory_space<semaphore_mem>>) src(%dma_wait3A_18 : memref<80xi32, #tpu.memory_space<hbm>>) dst(%arg8 : memref<80xi32, #tpu.memory_space<vmem>>)
    %dma_start3A_19 = arith.constant 0 : i32
    %dma_start3A_20 = arith.constant 0 : i32
    %dma_start3A_21 = tpu.memref_slice %arg2[%dma_start3A_19, %dma_start3A_20] : memref<10000x128xf32, #tpu.memory_space<hbm>> -> memref<10000x128xf32, #tpu.memory_space<hbm>>
    tpu.enqueue_indirect_dma source(%dma_start3A_21 : memref<10000x128xf32, #tpu.memory_space<hbm>>) target(%arg11 : memref<80x128xf32, #tpu.memory_space<vmem>>) offsets(%arg7 : memref<80xi32, #tpu.memory_space<vmem>>) semaphore(%arg19 : memref<!tpu.dma_semaphore, #tpu.memory_space<semaphore_mem>>)
    %dma_start3A_22 = arith.constant 0 : i32
    %dma_start3A_23 = arith.constant 0 : i32
    %dma_start3A_24 = tpu.memref_slice %arg2[%dma_start3A_22, %dma_start3A_23] : memref<10000x128xf32, #tpu.memory_space<hbm>> -> memref<10000x128xf32, #tpu.memory_space<hbm>>
    tpu.enqueue_indirect_dma source(%dma_start3A_24 : memref<10000x128xf32, #tpu.memory_space<hbm>>) target(%arg12 : memref<80x128xf32, #tpu.memory_space<vmem>>) offsets(%arg8 : memref<80xi32, #tpu.memory_space<vmem>>) semaphore(%arg20 : memref<!tpu.dma_semaphore, #tpu.memory_space<semaphore_mem>>)
    %scan3A = arith.constant 0 : i32
    %scan3A_25 = arith.constant 0 : i32
    %scan3A_26 = arith.constant 63 : i32
    %scan3A_27 = arith.addi %scan3A_25, %scan3A_26 : i32
    %scan3A_28 = arith.constant 1 : i32
    scf.for %scan3A_50 = %scan3A_25 to %scan3A_27 step %scan3A_28  : i32 {
      %mul3A_51 = arith.constant 2 : i32
      %mul3A_52 = arith.muli %mul3A_51, %scan3A_50 : i32
      %add3A_53 = arith.constant 0 : i32
      %add3A_54 = arith.addi %mul3A_52, %add3A_53 : i32
      %lt3A = arith.constant 125 : i32
      %lt3A_55 = arith.cmpi slt, %add3A_54, %lt3A : i32
      %convert_element_type3A = arith.extui %lt3A_55 : i1 to i32
      %cond3A = arith.constant 0 : i32
      %cond3A_56 = arith.cmpi ne, %convert_element_type3A, %cond3A : i32
      scf.if %cond3A_56 {
        %dma_wait3A_66 = arith.constant 0 : i32
        %dma_wait3A_67 = arith.constant 0 : i32
        %dma_wait3A_68 = tpu.memref_slice %arg2[%dma_wait3A_66, %dma_wait3A_67] : memref<10000x128xf32, #tpu.memory_space<hbm>> -> memref<10000x128xf32, #tpu.memory_space<hbm>>
        tpu.wait_indirect_dma semaphore(%arg19 : memref<!tpu.dma_semaphore, #tpu.memory_space<semaphore_mem>>) src(%dma_wait3A_68 : memref<10000x128xf32, #tpu.memory_space<hbm>>) dst(%arg11 : memref<80x128xf32, #tpu.memory_space<vmem>>)
        %dma_wait3A_69 = arith.constant 0 : i32
        %dma_wait3A_70 = arith.constant 0 : i32
        %dma_wait3A_71 = tpu.memref_slice %arg2[%dma_wait3A_69, %dma_wait3A_70] : memref<10000x128xf32, #tpu.memory_space<hbm>> -> memref<10000x128xf32, #tpu.memory_space<hbm>>
        tpu.wait_indirect_dma semaphore(%arg20 : memref<!tpu.dma_semaphore, #tpu.memory_space<semaphore_mem>>) src(%dma_wait3A_71 : memref<10000x128xf32, #tpu.memory_space<hbm>>) dst(%arg12 : memref<80x128xf32, #tpu.memory_space<vmem>>)
        %mul3A_72 = arith.constant 80 : i32
        %mul3A_73 = arith.muli %add3A_54, %mul3A_72 : i32
        %add3A_74 = arith.addi %mul3A_2, %mul3A_73 : i32
        %dma_start3A_75 = arith.constant 0 : i32
        %dma_start3A_76 = tpu.memref_slice %arg5[%add3A_74, %dma_start3A_75] : memref<320000x128xf32, #tpu.memory_space<hbm>> -> memref<80x128xf32, #tpu.memory_space<hbm>>
        %dma_start3A_77 = arith.constant 0 : i32
        %dma_start3A_78 = tpu.memref_slice %arg5[%add3A_74, %dma_start3A_77] : memref<320000x128xf32, #tpu.memory_space<hbm>> -> memref<80x128xf32, #tpu.memory_space<hbm>>
        tpu.enqueue_dma source(%arg11 : memref<80x128xf32, #tpu.memory_space<vmem>>) target(%dma_start3A_78 : memref<80x128xf32, #tpu.memory_space<hbm>>) target_semaphore(%arg23 : memref<!tpu.dma_semaphore, #tpu.memory_space<semaphore_mem>>)
        %dma_start3A_79 = arith.constant 0 : i32
        %dma_start3A_80 = tpu.memref_slice %arg6[%add3A_74, %dma_start3A_79] : memref<320000x128xf32, #tpu.memory_space<hbm>> -> memref<80x128xf32, #tpu.memory_space<hbm>>
        %dma_start3A_81 = arith.constant 0 : i32
        %dma_start3A_82 = tpu.memref_slice %arg6[%add3A_74, %dma_start3A_81] : memref<320000x128xf32, #tpu.memory_space<hbm>> -> memref<80x128xf32, #tpu.memory_space<hbm>>
        tpu.enqueue_dma source(%arg12 : memref<80x128xf32, #tpu.memory_space<vmem>>) target(%dma_start3A_82 : memref<80x128xf32, #tpu.memory_space<hbm>>) target_semaphore(%arg24 : memref<!tpu.dma_semaphore, #tpu.memory_space<semaphore_mem>>)
        %add3A_83 = arith.constant 2 : i32
        %add3A_84 = arith.addi %add3A_54, %add3A_83 : i32
        %lt3A_85 = arith.constant 125 : i32
        %lt3A_86 = arith.cmpi slt, %add3A_84, %lt3A_85 : i32
        %convert_element_type3A_87 = arith.extui %lt3A_86 : i1 to i32
        %cond3A_88 = arith.constant 0 : i32
        %cond3A_89 = arith.cmpi ne, %convert_element_type3A_87, %cond3A_88 : i32
        scf.if %cond3A_89 {
          %add3A_97 = arith.constant 2 : i32
          %add3A_98 = arith.addi %add3A_54, %add3A_97 : i32
          %mul3A_99 = arith.constant 80 : i32
          %mul3A_100 = arith.muli %add3A_98, %mul3A_99 : i32
          %add3A_101 = arith.addi %mul3A_2, %mul3A_100 : i32
          %dma_start3A_102 = tpu.memref_slice %arg3[%add3A_101] : memref<320000xi32, #tpu.memory_space<hbm>> -> memref<80xi32, #tpu.memory_space<hbm>>
          %dma_start3A_103 = tpu.memref_slice %arg3[%add3A_101] : memref<320000xi32, #tpu.memory_space<hbm>> -> memref<80xi32, #tpu.memory_space<hbm>>
          tpu.enqueue_dma source(%dma_start3A_103 : memref<80xi32, #tpu.memory_space<hbm>>) target(%arg7 : memref<80xi32, #tpu.memory_space<vmem>>) target_semaphore(%arg15 : memref<!tpu.dma_semaphore, #tpu.memory_space<semaphore_mem>>)
          %dma_start3A_104 = tpu.memref_slice %arg4[%add3A_101] : memref<320000xi32, #tpu.memory_space<hbm>> -> memref<80xi32, #tpu.memory_space<hbm>>
          %dma_start3A_105 = tpu.memref_slice %arg4[%add3A_101] : memref<320000xi32, #tpu.memory_space<hbm>> -> memref<80xi32, #tpu.memory_space<hbm>>
          tpu.enqueue_dma source(%dma_start3A_105 : memref<80xi32, #tpu.memory_space<hbm>>) target(%arg8 : memref<80xi32, #tpu.memory_space<vmem>>) target_semaphore(%arg16 : memref<!tpu.dma_semaphore, #tpu.memory_space<semaphore_mem>>)
        } else {
        }
        %add3A_90 = arith.constant 1 : i32
        %add3A_91 = arith.addi %add3A_54, %add3A_90 : i32
        %lt3A_92 = arith.constant 125 : i32
        %lt3A_93 = arith.cmpi slt, %add3A_91, %lt3A_92 : i32
        %convert_element_type3A_94 = arith.extui %lt3A_93 : i1 to i32
        %cond3A_95 = arith.constant 0 : i32
        %cond3A_96 = arith.cmpi ne, %convert_element_type3A_94, %cond3A_95 : i32
        scf.if %cond3A_96 {
          %ge3A = arith.constant 1 : i32
          %ge3A_97 = arith.cmpi sge, %add3A_54, %ge3A : i32
          %convert_element_type3A_98 = arith.extui %ge3A_97 : i1 to i32
          %cond3A_99 = arith.constant 0 : i32
          %cond3A_100 = arith.cmpi ne, %convert_element_type3A_98, %cond3A_99 : i32
          scf.if %cond3A_100 {
            %sub3A = arith.constant 1 : i32
            %sub3A_116 = arith.subi %add3A_54, %sub3A : i32
            %mul3A_117 = arith.constant 80 : i32
            %mul3A_118 = arith.muli %sub3A_116, %mul3A_117 : i32
            %add3A_119 = arith.addi %mul3A_2, %mul3A_118 : i32
            %dma_wait3A_120 = arith.constant 0 : i32
            %dma_wait3A_121 = tpu.memref_slice %arg5[%add3A_119, %dma_wait3A_120] : memref<320000x128xf32, #tpu.memory_space<hbm>> -> memref<80x128xf32, #tpu.memory_space<hbm>>
            %dma_wait3A_122 = arith.constant 0 : i32
            %dma_wait3A_123 = tpu.memref_slice %arg5[%add3A_119, %dma_wait3A_122] : memref<320000x128xf32, #tpu.memory_space<hbm>> -> memref<80x128xf32, #tpu.memory_space<hbm>>
            tpu.wait_dma2 semaphore(%arg25 : memref<!tpu.dma_semaphore, #tpu.memory_space<semaphore_mem>>) src(%arg13 : memref<80x128xf32, #tpu.memory_space<vmem>>) dst(%dma_wait3A_123 : memref<80x128xf32, #tpu.memory_space<hbm>>)
            %dma_wait3A_124 = arith.constant 0 : i32
            %dma_wait3A_125 = tpu.memref_slice %arg6[%add3A_119, %dma_wait3A_124] : memref<320000x128xf32, #tpu.memory_space<hbm>> -> memref<80x128xf32, #tpu.memory_space<hbm>>
            %dma_wait3A_126 = arith.constant 0 : i32
            %dma_wait3A_127 = tpu.memref_slice %arg6[%add3A_119, %dma_wait3A_126] : memref<320000x128xf32, #tpu.memory_space<hbm>> -> memref<80x128xf32, #tpu.memory_space<hbm>>
            tpu.wait_dma2 semaphore(%arg26 : memref<!tpu.dma_semaphore, #tpu.memory_space<semaphore_mem>>) src(%arg14 : memref<80x128xf32, #tpu.memory_space<vmem>>) dst(%dma_wait3A_127 : memref<80x128xf32, #tpu.memory_space<hbm>>)
          } else {
          }
          %add3A_101 = arith.constant 1 : i32
          %add3A_102 = arith.addi %add3A_54, %add3A_101 : i32
          %mul3A_103 = arith.constant 80 : i32
          %mul3A_104 = arith.muli %add3A_102, %mul3A_103 : i32
          %add3A_105 = arith.addi %mul3A_2, %mul3A_104 : i32
          %dma_wait3A_106 = tpu.memref_slice %arg3[%add3A_105] : memref<320000xi32, #tpu.memory_space<hbm>> -> memref<80xi32, #tpu.memory_space<hbm>>
          %dma_wait3A_107 = tpu.memref_slice %arg3[%add3A_105] : memref<320000xi32, #tpu.memory_space<hbm>> -> memref<80xi32, #tpu.memory_space<hbm>>
          tpu.wait_dma2 semaphore(%arg17 : memref<!tpu.dma_semaphore, #tpu.memory_space<semaphore_mem>>) src(%dma_wait3A_107 : memref<80xi32, #tpu.memory_space<hbm>>) dst(%arg9 : memref<80xi32, #tpu.memory_space<vmem>>)
          %dma_wait3A_108 = tpu.memref_slice %arg4[%add3A_105] : memref<320000xi32, #tpu.memory_space<hbm>> -> memref<80xi32, #tpu.memory_space<hbm>>
          %dma_wait3A_109 = tpu.memref_slice %arg4[%add3A_105] : memref<320000xi32, #tpu.memory_space<hbm>> -> memref<80xi32, #tpu.memory_space<hbm>>
          tpu.wait_dma2 semaphore(%arg18 : memref<!tpu.dma_semaphore, #tpu.memory_space<semaphore_mem>>) src(%dma_wait3A_109 : memref<80xi32, #tpu.memory_space<hbm>>) dst(%arg10 : memref<80xi32, #tpu.memory_space<vmem>>)
          %dma_start3A_110 = arith.constant 0 : i32
          %dma_start3A_111 = arith.constant 0 : i32
          %dma_start3A_112 = tpu.memref_slice %arg2[%dma_start3A_110, %dma_start3A_111] : memref<10000x128xf32, #tpu.memory_space<hbm>> -> memref<10000x128xf32, #tpu.memory_space<hbm>>
          tpu.enqueue_indirect_dma source(%dma_start3A_112 : memref<10000x128xf32, #tpu.memory_space<hbm>>) target(%arg13 : memref<80x128xf32, #tpu.memory_space<vmem>>) offsets(%arg9 : memref<80xi32, #tpu.memory_space<vmem>>) semaphore(%arg21 : memref<!tpu.dma_semaphore, #tpu.memory_space<semaphore_mem>>)
          %dma_start3A_113 = arith.constant 0 : i32
          %dma_start3A_114 = arith.constant 0 : i32
          %dma_start3A_115 = tpu.memref_slice %arg2[%dma_start3A_113, %dma_start3A_114] : memref<10000x128xf32, #tpu.memory_space<hbm>> -> memref<10000x128xf32, #tpu.memory_space<hbm>>
          tpu.enqueue_indirect_dma source(%dma_start3A_115 : memref<10000x128xf32, #tpu.memory_space<hbm>>) target(%arg14 : memref<80x128xf32, #tpu.memory_space<vmem>>) offsets(%arg10 : memref<80xi32, #tpu.memory_space<vmem>>) semaphore(%arg22 : memref<!tpu.dma_semaphore, #tpu.memory_space<semaphore_mem>>)
        } else {
        }
      } else {
      }
      %mul3A_57 = arith.constant 2 : i32
      %mul3A_58 = arith.muli %mul3A_57, %scan3A_50 : i32
      %add3A_59 = arith.constant 1 : i32
      %add3A_60 = arith.addi %mul3A_58, %add3A_59 : i32
      %lt3A_61 = arith.constant 125 : i32
      %lt3A_62 = arith.cmpi slt, %add3A_60, %lt3A_61 : i32
      %convert_element_type3A_63 = arith.extui %lt3A_62 : i1 to i32
      %cond3A_64 = arith.constant 0 : i32
      %cond3A_65 = arith.cmpi ne, %convert_element_type3A_63, %cond3A_64 : i32
      scf.if %cond3A_65 {
        %dma_wait3A_66 = arith.constant 0 : i32
        %dma_wait3A_67 = arith.constant 0 : i32
        %dma_wait3A_68 = tpu.memref_slice %arg2[%dma_wait3A_66, %dma_wait3A_67] : memref<10000x128xf32, #tpu.memory_space<hbm>> -> memref<10000x128xf32, #tpu.memory_space<hbm>>
        tpu.wait_indirect_dma semaphore(%arg21 : memref<!tpu.dma_semaphore, #tpu.memory_space<semaphore_mem>>) src(%dma_wait3A_68 : memref<10000x128xf32, #tpu.memory_space<hbm>>) dst(%arg13 : memref<80x128xf32, #tpu.memory_space<vmem>>)
        %dma_wait3A_69 = arith.constant 0 : i32
        %dma_wait3A_70 = arith.constant 0 : i32
        %dma_wait3A_71 = tpu.memref_slice %arg2[%dma_wait3A_69, %dma_wait3A_70] : memref<10000x128xf32, #tpu.memory_space<hbm>> -> memref<10000x128xf32, #tpu.memory_space<hbm>>
        tpu.wait_indirect_dma semaphore(%arg22 : memref<!tpu.dma_semaphore, #tpu.memory_space<semaphore_mem>>) src(%dma_wait3A_71 : memref<10000x128xf32, #tpu.memory_space<hbm>>) dst(%arg14 : memref<80x128xf32, #tpu.memory_space<vmem>>)
        %mul3A_72 = arith.constant 80 : i32
        %mul3A_73 = arith.muli %add3A_60, %mul3A_72 : i32
        %add3A_74 = arith.addi %mul3A_2, %mul3A_73 : i32
        %dma_start3A_75 = arith.constant 0 : i32
        %dma_start3A_76 = tpu.memref_slice %arg5[%add3A_74, %dma_start3A_75] : memref<320000x128xf32, #tpu.memory_space<hbm>> -> memref<80x128xf32, #tpu.memory_space<hbm>>
        %dma_start3A_77 = arith.constant 0 : i32
        %dma_start3A_78 = tpu.memref_slice %arg5[%add3A_74, %dma_start3A_77] : memref<320000x128xf32, #tpu.memory_space<hbm>> -> memref<80x128xf32, #tpu.memory_space<hbm>>
        tpu.enqueue_dma source(%arg13 : memref<80x128xf32, #tpu.memory_space<vmem>>) target(%dma_start3A_78 : memref<80x128xf32, #tpu.memory_space<hbm>>) target_semaphore(%arg25 : memref<!tpu.dma_semaphore, #tpu.memory_space<semaphore_mem>>)
        %dma_start3A_79 = arith.constant 0 : i32
        %dma_start3A_80 = tpu.memref_slice %arg6[%add3A_74, %dma_start3A_79] : memref<320000x128xf32, #tpu.memory_space<hbm>> -> memref<80x128xf32, #tpu.memory_space<hbm>>
        %dma_start3A_81 = arith.constant 0 : i32
        %dma_start3A_82 = tpu.memref_slice %arg6[%add3A_74, %dma_start3A_81] : memref<320000x128xf32, #tpu.memory_space<hbm>> -> memref<80x128xf32, #tpu.memory_space<hbm>>
        tpu.enqueue_dma source(%arg14 : memref<80x128xf32, #tpu.memory_space<vmem>>) target(%dma_start3A_82 : memref<80x128xf32, #tpu.memory_space<hbm>>) target_semaphore(%arg26 : memref<!tpu.dma_semaphore, #tpu.memory_space<semaphore_mem>>)
        %add3A_83 = arith.constant 2 : i32
        %add3A_84 = arith.addi %add3A_60, %add3A_83 : i32
        %lt3A_85 = arith.constant 125 : i32
        %lt3A_86 = arith.cmpi slt, %add3A_84, %lt3A_85 : i32
        %convert_element_type3A_87 = arith.extui %lt3A_86 : i1 to i32
        %cond3A_88 = arith.constant 0 : i32
        %cond3A_89 = arith.cmpi ne, %convert_element_type3A_87, %cond3A_88 : i32
        scf.if %cond3A_89 {
          %add3A_97 = arith.constant 2 : i32
          %add3A_98 = arith.addi %add3A_60, %add3A_97 : i32
          %mul3A_99 = arith.constant 80 : i32
          %mul3A_100 = arith.muli %add3A_98, %mul3A_99 : i32
          %add3A_101 = arith.addi %mul3A_2, %mul3A_100 : i32
          %dma_start3A_102 = tpu.memref_slice %arg3[%add3A_101] : memref<320000xi32, #tpu.memory_space<hbm>> -> memref<80xi32, #tpu.memory_space<hbm>>
          %dma_start3A_103 = tpu.memref_slice %arg3[%add3A_101] : memref<320000xi32, #tpu.memory_space<hbm>> -> memref<80xi32, #tpu.memory_space<hbm>>
          tpu.enqueue_dma source(%dma_start3A_103 : memref<80xi32, #tpu.memory_space<hbm>>) target(%arg9 : memref<80xi32, #tpu.memory_space<vmem>>) target_semaphore(%arg17 : memref<!tpu.dma_semaphore, #tpu.memory_space<semaphore_mem>>)
          %dma_start3A_104 = tpu.memref_slice %arg4[%add3A_101] : memref<320000xi32, #tpu.memory_space<hbm>> -> memref<80xi32, #tpu.memory_space<hbm>>
          %dma_start3A_105 = tpu.memref_slice %arg4[%add3A_101] : memref<320000xi32, #tpu.memory_space<hbm>> -> memref<80xi32, #tpu.memory_space<hbm>>
          tpu.enqueue_dma source(%dma_start3A_105 : memref<80xi32, #tpu.memory_space<hbm>>) target(%arg10 : memref<80xi32, #tpu.memory_space<vmem>>) target_semaphore(%arg18 : memref<!tpu.dma_semaphore, #tpu.memory_space<semaphore_mem>>)
        } else {
        }
        %add3A_90 = arith.constant 1 : i32
        %add3A_91 = arith.addi %add3A_60, %add3A_90 : i32
        %lt3A_92 = arith.constant 125 : i32
        %lt3A_93 = arith.cmpi slt, %add3A_91, %lt3A_92 : i32
        %convert_element_type3A_94 = arith.extui %lt3A_93 : i1 to i32
        %cond3A_95 = arith.constant 0 : i32
        %cond3A_96 = arith.cmpi ne, %convert_element_type3A_94, %cond3A_95 : i32
        scf.if %cond3A_96 {
          %ge3A = arith.constant 1 : i32
          %ge3A_97 = arith.cmpi sge, %add3A_60, %ge3A : i32
          %convert_element_type3A_98 = arith.extui %ge3A_97 : i1 to i32
          %cond3A_99 = arith.constant 0 : i32
          %cond3A_100 = arith.cmpi ne, %convert_element_type3A_98, %cond3A_99 : i32
          scf.if %cond3A_100 {
            %sub3A = arith.constant 1 : i32
            %sub3A_116 = arith.subi %add3A_60, %sub3A : i32
            %mul3A_117 = arith.constant 80 : i32
            %mul3A_118 = arith.muli %sub3A_116, %mul3A_117 : i32
            %add3A_119 = arith.addi %mul3A_2, %mul3A_118 : i32
            %dma_wait3A_120 = arith.constant 0 : i32
            %dma_wait3A_121 = tpu.memref_slice %arg5[%add3A_119, %dma_wait3A_120] : memref<320000x128xf32, #tpu.memory_space<hbm>> -> memref<80x128xf32, #tpu.memory_space<hbm>>
            %dma_wait3A_122 = arith.constant 0 : i32
            %dma_wait3A_123 = tpu.memref_slice %arg5[%add3A_119, %dma_wait3A_122] : memref<320000x128xf32, #tpu.memory_space<hbm>> -> memref<80x128xf32, #tpu.memory_space<hbm>>
            tpu.wait_dma2 semaphore(%arg23 : memref<!tpu.dma_semaphore, #tpu.memory_space<semaphore_mem>>) src(%arg11 : memref<80x128xf32, #tpu.memory_space<vmem>>) dst(%dma_wait3A_123 : memref<80x128xf32, #tpu.memory_space<hbm>>)
            %dma_wait3A_124 = arith.constant 0 : i32
            %dma_wait3A_125 = tpu.memref_slice %arg6[%add3A_119, %dma_wait3A_124] : memref<320000x128xf32, #tpu.memory_space<hbm>> -> memref<80x128xf32, #tpu.memory_space<hbm>>
            %dma_wait3A_126 = arith.constant 0 : i32
            %dma_wait3A_127 = tpu.memref_slice %arg6[%add3A_119, %dma_wait3A_126] : memref<320000x128xf32, #tpu.memory_space<hbm>> -> memref<80x128xf32, #tpu.memory_space<hbm>>
            tpu.wait_dma2 semaphore(%arg24 : memref<!tpu.dma_semaphore, #tpu.memory_space<semaphore_mem>>) src(%arg12 : memref<80x128xf32, #tpu.memory_space<vmem>>) dst(%dma_wait3A_127 : memref<80x128xf32, #tpu.memory_space<hbm>>)
          } else {
          }
          %add3A_101 = arith.constant 1 : i32
          %add3A_102 = arith.addi %add3A_60, %add3A_101 : i32
          %mul3A_103 = arith.constant 80 : i32
          %mul3A_104 = arith.muli %add3A_102, %mul3A_103 : i32
          %add3A_105 = arith.addi %mul3A_2, %mul3A_104 : i32
          %dma_wait3A_106 = tpu.memref_slice %arg3[%add3A_105] : memref<320000xi32, #tpu.memory_space<hbm>> -> memref<80xi32, #tpu.memory_space<hbm>>
          %dma_wait3A_107 = tpu.memref_slice %arg3[%add3A_105] : memref<320000xi32, #tpu.memory_space<hbm>> -> memref<80xi32, #tpu.memory_space<hbm>>
          tpu.wait_dma2 semaphore(%arg15 : memref<!tpu.dma_semaphore, #tpu.memory_space<semaphore_mem>>) src(%dma_wait3A_107 : memref<80xi32, #tpu.memory_space<hbm>>) dst(%arg7 : memref<80xi32, #tpu.memory_space<vmem>>)
          %dma_wait3A_108 = tpu.memref_slice %arg4[%add3A_105] : memref<320000xi32, #tpu.memory_space<hbm>> -> memref<80xi32, #tpu.memory_space<hbm>>
          %dma_wait3A_109 = tpu.memref_slice %arg4[%add3A_105] : memref<320000xi32, #tpu.memory_space<hbm>> -> memref<80xi32, #tpu.memory_space<hbm>>
          tpu.wait_dma2 semaphore(%arg16 : memref<!tpu.dma_semaphore, #tpu.memory_space<semaphore_mem>>) src(%dma_wait3A_109 : memref<80xi32, #tpu.memory_space<hbm>>) dst(%arg8 : memref<80xi32, #tpu.memory_space<vmem>>)
          %dma_start3A_110 = arith.constant 0 : i32
          %dma_start3A_111 = arith.constant 0 : i32
          %dma_start3A_112 = tpu.memref_slice %arg2[%dma_start3A_110, %dma_start3A_111] : memref<10000x128xf32, #tpu.memory_space<hbm>> -> memref<10000x128xf32, #tpu.memory_space<hbm>>
          tpu.enqueue_indirect_dma source(%dma_start3A_112 : memref<10000x128xf32, #tpu.memory_space<hbm>>) target(%arg11 : memref<80x128xf32, #tpu.memory_space<vmem>>) offsets(%arg7 : memref<80xi32, #tpu.memory_space<vmem>>) semaphore(%arg19 : memref<!tpu.dma_semaphore, #tpu.memory_space<semaphore_mem>>)
          %dma_start3A_113 = arith.constant 0 : i32
          %dma_start3A_114 = arith.constant 0 : i32
          %dma_start3A_115 = tpu.memref_slice %arg2[%dma_start3A_113, %dma_start3A_114] : memref<10000x128xf32, #tpu.memory_space<hbm>> -> memref<10000x128xf32, #tpu.memory_space<hbm>>
          tpu.enqueue_indirect_dma source(%dma_start3A_115 : memref<10000x128xf32, #tpu.memory_space<hbm>>) target(%arg12 : memref<80x128xf32, #tpu.memory_space<vmem>>) offsets(%arg8 : memref<80xi32, #tpu.memory_space<vmem>>) semaphore(%arg20 : memref<!tpu.dma_semaphore, #tpu.memory_space<semaphore_mem>>)
        } else {
        }
      } else {
      }
    }
    %scan3A_29 = arith.constant 63 : i32
    %add3A_30 = arith.constant 9840 : i32
    %add3A_31 = arith.addi %mul3A_2, %add3A_30 : i32
    %dma_wait3A_32 = arith.constant 0 : i32
    %dma_wait3A_33 = tpu.memref_slice %arg5[%add3A_31, %dma_wait3A_32] : memref<320000x128xf32, #tpu.memory_space<hbm>> -> memref<80x128xf32, #tpu.memory_space<hbm>>
    %dma_wait3A_34 = arith.constant 0 : i32
    %dma_wait3A_35 = tpu.memref_slice %arg5[%add3A_31, %dma_wait3A_34] : memref<320000x128xf32, #tpu.memory_space<hbm>> -> memref<80x128xf32, #tpu.memory_space<hbm>>
    tpu.wait_dma2 semaphore(%arg25 : memref<!tpu.dma_semaphore, #tpu.memory_space<semaphore_mem>>) src(%arg13 : memref<80x128xf32, #tpu.memory_space<vmem>>) dst(%dma_wait3A_35 : memref<80x128xf32, #tpu.memory_space<hbm>>)
    %dma_wait3A_36 = arith.constant 0 : i32
    %dma_wait3A_37 = tpu.memref_slice %arg6[%add3A_31, %dma_wait3A_36] : memref<320000x128xf32, #tpu.memory_space<hbm>> -> memref<80x128xf32, #tpu.memory_space<hbm>>
    %dma_wait3A_38 = arith.constant 0 : i32
    %dma_wait3A_39 = tpu.memref_slice %arg6[%add3A_31, %dma_wait3A_38] : memref<320000x128xf32, #tpu.memory_space<hbm>> -> memref<80x128xf32, #tpu.memory_space<hbm>>
    tpu.wait_dma2 semaphore(%arg26 : memref<!tpu.dma_semaphore, #tpu.memory_space<semaphore_mem>>) src(%arg14 : memref<80x128xf32, #tpu.memory_space<vmem>>) dst(%dma_wait3A_39 : memref<80x128xf32, #tpu.memory_space<hbm>>)
    %add3A_40 = arith.constant 9920 : i32
    %add3A_41 = arith.addi %mul3A_2, %add3A_40 : i32
    %dma_wait3A_42 = arith.constant 0 : i32
    %dma_wait3A_43 = tpu.memref_slice %arg5[%add3A_41, %dma_wait3A_42] : memref<320000x128xf32, #tpu.memory_space<hbm>> -> memref<80x128xf32, #tpu.memory_space<hbm>>
    %dma_wait3A_44 = arith.constant 0 : i32
    %dma_wait3A_45 = tpu.memref_slice %arg5[%add3A_41, %dma_wait3A_44] : memref<320000x128xf32, #tpu.memory_space<hbm>> -> memref<80x128xf32, #tpu.memory_space<hbm>>
    tpu.wait_dma2 semaphore(%arg23 : memref<!tpu.dma_semaphore, #tpu.memory_space<semaphore_mem>>) src(%arg11 : memref<80x128xf32, #tpu.memory_space<vmem>>) dst(%dma_wait3A_45 : memref<80x128xf32, #tpu.memory_space<hbm>>)
    %dma_wait3A_46 = arith.constant 0 : i32
    %dma_wait3A_47 = tpu.memref_slice %arg6[%add3A_41, %dma_wait3A_46] : memref<320000x128xf32, #tpu.memory_space<hbm>> -> memref<80x128xf32, #tpu.memory_space<hbm>>
    %dma_wait3A_48 = arith.constant 0 : i32
    %dma_wait3A_49 = tpu.memref_slice %arg6[%add3A_41, %dma_wait3A_48] : memref<320000x128xf32, #tpu.memory_space<hbm>> -> memref<80x128xf32, #tpu.memory_space<hbm>>
    tpu.wait_dma2 semaphore(%arg24 : memref<!tpu.dma_semaphore, #tpu.memory_space<semaphore_mem>>) src(%arg12 : memref<80x128xf32, #tpu.memory_space<vmem>>) dst(%dma_wait3A_49 : memref<80x128xf32, #tpu.memory_space<hbm>>)
    return
  }
}

#map = affine_map<(d0, d1) -> (0)>
#map1 = affine_map<(d0, d1) -> (0, 0)>
#map2 = affine_map<(d0, d1) -> (0, 0, 0)>
module attributes {stable_mosaic.version = 14 : i64} {
  func.func @ck(%arg0: i32, %arg1: i32, %arg2: memref<320000xi32, #tpu.memory_space<hbm>>, %arg3: memref<10240x128xf32, #tpu.memory_space<hbm>>, %arg4: memref<80x128xf32, #tpu.memory_space<hbm>>, %arg5: memref<320000x128xf32, #tpu.memory_space<hbm>>, %arg6: memref<2x10240x128xf32, #tpu.memory_space<hbm>>, %arg7: memref<80xi32, #tpu.memory_space<vmem>>, %arg8: memref<80xi32, #tpu.memory_space<vmem>>, %arg9: memref<80x128xf32, #tpu.memory_space<vmem>>, %arg10: memref<80x128xf32, #tpu.memory_space<vmem>>, %arg11: memref<!tpu.dma_semaphore, #tpu.memory_space<semaphore_mem>>, %arg12: memref<!tpu.dma_semaphore, #tpu.memory_space<semaphore_mem>>, %arg13: memref<10240x128xf32, #tpu.memory_space<vmem_shared>>) attributes {dimension_semantics = [#tpu.dimension_semantics<core_parallel>, #tpu.dimension_semantics<subcore_parallel>], iteration_bounds = array<i64: 2, 16>, scalar_prefetch = 0 : i64, scratch_operands = 7 : i64, tpu.core_type = #tpu.core_type<sc_vector_subcore>, window_params = [{transform_indices = #map}, {transform_indices = #map1}, {transform_indices = #map1}, {transform_indices = #map1}, {transform_indices = #map2}]} {
    %mul3A = arith.constant 2 : i32
    %mul3A_0 = arith.muli %arg1, %mul3A : i32
    %add3A = arith.addi %mul3A_0, %arg0 : i32
    %mul3A_1 = arith.constant 10000 : i32
    %mul3A_2 = arith.muli %add3A, %mul3A_1 : i32
    %mul3A_3 = arith.constant 640 : i32
    %mul3A_4 = arith.muli %arg1, %mul3A_3 : i32
    "tpu.region"() ({
      %run_scoped3A = tpu.sem_alloc : memref<!tpu.dma_semaphore, #tpu.memory_space<semaphore_mem>>
      %dma_start3A_30 = arith.constant 0 : i32
      %dma_start3A_31 = arith.constant 0 : i32
      %dma_start3A_32 = tpu.memref_slice %arg3[%dma_start3A_30, %dma_start3A_31] : memref<10240x128xf32, #tpu.memory_space<hbm>> -> memref<80x128xf32, #tpu.memory_space<hbm>>
      %dma_start3A_33 = arith.constant 0 : i32
      %dma_start3A_34 = arith.constant 0 : i32
      %dma_start3A_35 = tpu.memref_slice %arg3[%dma_start3A_33, %dma_start3A_34] : memref<10240x128xf32, #tpu.memory_space<hbm>> -> memref<80x128xf32, #tpu.memory_space<hbm>>
      tpu.enqueue_dma source(%dma_start3A_35 : memref<80x128xf32, #tpu.memory_space<hbm>>) target(%arg10 : memref<80x128xf32, #tpu.memory_space<vmem>>) target_semaphore(%run_scoped3A : memref<!tpu.dma_semaphore, #tpu.memory_space<semaphore_mem>>)
      %dma_wait3A = arith.constant 0 : i32
      %dma_wait3A_36 = arith.constant 0 : i32
      %dma_wait3A_37 = tpu.memref_slice %arg3[%dma_wait3A, %dma_wait3A_36] : memref<10240x128xf32, #tpu.memory_space<hbm>> -> memref<80x128xf32, #tpu.memory_space<hbm>>
      %dma_wait3A_38 = arith.constant 0 : i32
      %dma_wait3A_39 = arith.constant 0 : i32
      %dma_wait3A_40 = tpu.memref_slice %arg3[%dma_wait3A_38, %dma_wait3A_39] : memref<10240x128xf32, #tpu.memory_space<hbm>> -> memref<80x128xf32, #tpu.memory_space<hbm>>
      tpu.wait_dma2 semaphore(%run_scoped3A : memref<!tpu.dma_semaphore, #tpu.memory_space<semaphore_mem>>) src(%dma_wait3A_40 : memref<80x128xf32, #tpu.memory_space<hbm>>) dst(%arg10 : memref<80x128xf32, #tpu.memory_space<vmem>>)
      tpu.yield
    }) : () -> ()
    %scan3A = arith.constant 0 : i32
    %scan3A_5 = arith.constant 0 : i32
    %scan3A_6 = arith.constant 8 : i32
    %scan3A_7 = arith.addi %scan3A_5, %scan3A_6 : i32
    %scan3A_8 = arith.constant 1 : i32
    scf.for %scan3A_30 = %scan3A_5 to %scan3A_7 step %scan3A_8  : i32 {
      %mul3A_31 = arith.constant 80 : i32
      %mul3A_32 = arith.muli %scan3A_30, %mul3A_31 : i32
      %add3A_33 = arith.addi %mul3A_4, %mul3A_32 : i32
      "tpu.region"() ({
        %run_scoped3A = tpu.sem_alloc : memref<!tpu.dma_semaphore, #tpu.memory_space<semaphore_mem>>
        %dma_start3A_34 = arith.constant 0 : i32
        %dma_start3A_35 = tpu.memref_slice %arg13[%add3A_33, %dma_start3A_34] : memref<10240x128xf32, #tpu.memory_space<vmem_shared>> -> memref<80x128xf32, #tpu.memory_space<vmem_shared>>
        %dma_start3A_36 = arith.constant 0 : i32
        %dma_start3A_37 = tpu.memref_slice %arg13[%add3A_33, %dma_start3A_36] : memref<10240x128xf32, #tpu.memory_space<vmem_shared>> -> memref<80x128xf32, #tpu.memory_space<vmem_shared>>
        tpu.enqueue_dma source(%arg10 : memref<80x128xf32, #tpu.memory_space<vmem>>) target(%dma_start3A_37 : memref<80x128xf32, #tpu.memory_space<vmem_shared>>) target_semaphore(%run_scoped3A : memref<!tpu.dma_semaphore, #tpu.memory_space<semaphore_mem>>)
        %dma_wait3A = arith.constant 0 : i32
        %dma_wait3A_38 = tpu.memref_slice %arg13[%add3A_33, %dma_wait3A] : memref<10240x128xf32, #tpu.memory_space<vmem_shared>> -> memref<80x128xf32, #tpu.memory_space<vmem_shared>>
        %dma_wait3A_39 = arith.constant 0 : i32
        %dma_wait3A_40 = tpu.memref_slice %arg13[%add3A_33, %dma_wait3A_39] : memref<10240x128xf32, #tpu.memory_space<vmem_shared>> -> memref<80x128xf32, #tpu.memory_space<vmem_shared>>
        tpu.wait_dma2 semaphore(%run_scoped3A : memref<!tpu.dma_semaphore, #tpu.memory_space<semaphore_mem>>) src(%arg10 : memref<80x128xf32, #tpu.memory_space<vmem>>) dst(%dma_wait3A_40 : memref<80x128xf32, #tpu.memory_space<vmem_shared>>)
        tpu.yield
      }) : () -> ()
    }
    %scan3A_9 = arith.constant 8 : i32
    "tpu.region"() ({
      %run_scoped3A = tpu.sem_alloc : memref<!tpu.dma_semaphore, #tpu.memory_space<semaphore_mem>>
      tpu.enqueue_dma source(%arg4 : memref<80x128xf32, #tpu.memory_space<hbm>>) target(%arg9 : memref<80x128xf32, #tpu.memory_space<vmem>>) target_semaphore(%run_scoped3A : memref<!tpu.dma_semaphore, #tpu.memory_space<semaphore_mem>>)
      tpu.wait_dma2 semaphore(%run_scoped3A : memref<!tpu.dma_semaphore, #tpu.memory_space<semaphore_mem>>) src(%arg4 : memref<80x128xf32, #tpu.memory_space<hbm>>) dst(%arg9 : memref<80x128xf32, #tpu.memory_space<vmem>>)
      tpu.yield
    }) : () -> ()
    %barrier3A = arith.constant 0 : index
    tpu.barrier barrier_id(%barrier3A)
    %add3A_10 = arith.constant 0 : i32
    %add3A_11 = arith.addi %mul3A_2, %add3A_10 : i32
    %dma_start3A = tpu.memref_slice %arg2[%add3A_11] : memref<320000xi32, #tpu.memory_space<hbm>> -> memref<80xi32, #tpu.memory_space<hbm>>
    %dma_start3A_12 = tpu.memref_slice %arg2[%add3A_11] : memref<320000xi32, #tpu.memory_space<hbm>> -> memref<80xi32, #tpu.memory_space<hbm>>
    tpu.enqueue_dma source(%dma_start3A_12 : memref<80xi32, #tpu.memory_space<hbm>>) target(%arg7 : memref<80xi32, #tpu.memory_space<vmem>>) target_semaphore(%arg11 : memref<!tpu.dma_semaphore, #tpu.memory_space<semaphore_mem>>)
    %add3A_13 = arith.constant 80 : i32
    %add3A_14 = arith.addi %mul3A_2, %add3A_13 : i32
    %dma_start3A_15 = tpu.memref_slice %arg2[%add3A_14] : memref<320000xi32, #tpu.memory_space<hbm>> -> memref<80xi32, #tpu.memory_space<hbm>>
    %dma_start3A_16 = tpu.memref_slice %arg2[%add3A_14] : memref<320000xi32, #tpu.memory_space<hbm>> -> memref<80xi32, #tpu.memory_space<hbm>>
    tpu.enqueue_dma source(%dma_start3A_16 : memref<80xi32, #tpu.memory_space<hbm>>) target(%arg8 : memref<80xi32, #tpu.memory_space<vmem>>) target_semaphore(%arg12 : memref<!tpu.dma_semaphore, #tpu.memory_space<semaphore_mem>>)
    %scan3A_17 = arith.constant 0 : i32
    %scan3A_18 = arith.constant 0 : i32
    %scan3A_19 = arith.constant 63 : i32
    %scan3A_20 = arith.addi %scan3A_18, %scan3A_19 : i32
    %scan3A_21 = arith.constant 1 : i32
    scf.for %scan3A_30 = %scan3A_18 to %scan3A_20 step %scan3A_21  : i32 {
      %mul3A_31 = arith.constant 2 : i32
      %mul3A_32 = arith.muli %mul3A_31, %scan3A_30 : i32
      %add3A_33 = arith.constant 0 : i32
      %add3A_34 = arith.addi %mul3A_32, %add3A_33 : i32
      %lt3A = arith.constant 125 : i32
      %lt3A_35 = arith.cmpi slt, %add3A_34, %lt3A : i32
      %convert_element_type3A = arith.extui %lt3A_35 : i1 to i32
      %cond3A = arith.constant 0 : i32
      %cond3A_36 = arith.cmpi ne, %convert_element_type3A, %cond3A : i32
      scf.if %cond3A_36 {
        %mul3A_46 = arith.constant 80 : i32
        %mul3A_47 = arith.muli %add3A_34, %mul3A_46 : i32
        %add3A_48 = arith.addi %mul3A_2, %mul3A_47 : i32
        %dma_wait3A = tpu.memref_slice %arg2[%add3A_48] : memref<320000xi32, #tpu.memory_space<hbm>> -> memref<80xi32, #tpu.memory_space<hbm>>
        %dma_wait3A_49 = tpu.memref_slice %arg2[%add3A_48] : memref<320000xi32, #tpu.memory_space<hbm>> -> memref<80xi32, #tpu.memory_space<hbm>>
        tpu.wait_dma2 semaphore(%arg11 : memref<!tpu.dma_semaphore, #tpu.memory_space<semaphore_mem>>) src(%dma_wait3A_49 : memref<80xi32, #tpu.memory_space<hbm>>) dst(%arg7 : memref<80xi32, #tpu.memory_space<vmem>>)
        "tpu.region"() ({
          %run_scoped3A = tpu.sem_alloc : memref<!tpu.dma_semaphore, #tpu.memory_space<semaphore_mem>>
          %dma_start3A_57 = arith.constant 0 : i32
          %dma_start3A_58 = arith.constant 0 : i32
          %dma_start3A_59 = tpu.memref_slice %arg13[%dma_start3A_57, %dma_start3A_58] : memref<10240x128xf32, #tpu.memory_space<vmem_shared>> -> memref<10240x128xf32, #tpu.memory_space<vmem_shared>>
          tpu.enqueue_indirect_dma source(%arg9 : memref<80x128xf32, #tpu.memory_space<vmem>>) target(%dma_start3A_59 : memref<10240x128xf32, #tpu.memory_space<vmem_shared>>) offsets(%arg7 : memref<80xi32, #tpu.memory_space<vmem>>) semaphore(%run_scoped3A : memref<!tpu.dma_semaphore, #tpu.memory_space<semaphore_mem>>) {add = true}
          %dma_wait3A_60 = arith.constant 0 : i32
          %dma_wait3A_61 = arith.constant 0 : i32
          %dma_wait3A_62 = tpu.memref_slice %arg13[%dma_wait3A_60, %dma_wait3A_61] : memref<10240x128xf32, #tpu.memory_space<vmem_shared>> -> memref<10240x128xf32, #tpu.memory_space<vmem_shared>>
          tpu.wait_indirect_dma semaphore(%run_scoped3A : memref<!tpu.dma_semaphore, #tpu.memory_space<semaphore_mem>>) src(%arg9 : memref<80x128xf32, #tpu.memory_space<vmem>>) dst(%dma_wait3A_62 : memref<10240x128xf32, #tpu.memory_space<vmem_shared>>)
          tpu.yield
        }) : () -> ()
        %add3A_50 = arith.constant 2 : i32
        %add3A_51 = arith.addi %add3A_34, %add3A_50 : i32
        %lt3A_52 = arith.constant 125 : i32
        %lt3A_53 = arith.cmpi slt, %add3A_51, %lt3A_52 : i32
        %convert_element_type3A_54 = arith.extui %lt3A_53 : i1 to i32
        %cond3A_55 = arith.constant 0 : i32
        %cond3A_56 = arith.cmpi ne, %convert_element_type3A_54, %cond3A_55 : i32
        scf.if %cond3A_56 {
          %add3A_57 = arith.constant 2 : i32
          %add3A_58 = arith.addi %add3A_34, %add3A_57 : i32
          %mul3A_59 = arith.constant 80 : i32
          %mul3A_60 = arith.muli %add3A_58, %mul3A_59 : i32
          %add3A_61 = arith.addi %mul3A_2, %mul3A_60 : i32
          %dma_start3A_62 = tpu.memref_slice %arg2[%add3A_61] : memref<320000xi32, #tpu.memory_space<hbm>> -> memref<80xi32, #tpu.memory_space<hbm>>
          %dma_start3A_63 = tpu.memref_slice %arg2[%add3A_61] : memref<320000xi32, #tpu.memory_space<hbm>> -> memref<80xi32, #tpu.memory_space<hbm>>
          tpu.enqueue_dma source(%dma_start3A_63 : memref<80xi32, #tpu.memory_space<hbm>>) target(%arg7 : memref<80xi32, #tpu.memory_space<vmem>>) target_semaphore(%arg11 : memref<!tpu.dma_semaphore, #tpu.memory_space<semaphore_mem>>)
        } else {
        }
      } else {
      }
      %mul3A_37 = arith.constant 2 : i32
      %mul3A_38 = arith.muli %mul3A_37, %scan3A_30 : i32
      %add3A_39 = arith.constant 1 : i32
      %add3A_40 = arith.addi %mul3A_38, %add3A_39 : i32
      %lt3A_41 = arith.constant 125 : i32
      %lt3A_42 = arith.cmpi slt, %add3A_40, %lt3A_41 : i32
      %convert_element_type3A_43 = arith.extui %lt3A_42 : i1 to i32
      %cond3A_44 = arith.constant 0 : i32
      %cond3A_45 = arith.cmpi ne, %convert_element_type3A_43, %cond3A_44 : i32
      scf.if %cond3A_45 {
        %mul3A_46 = arith.constant 80 : i32
        %mul3A_47 = arith.muli %add3A_40, %mul3A_46 : i32
        %add3A_48 = arith.addi %mul3A_2, %mul3A_47 : i32
        %dma_wait3A = tpu.memref_slice %arg2[%add3A_48] : memref<320000xi32, #tpu.memory_space<hbm>> -> memref<80xi32, #tpu.memory_space<hbm>>
        %dma_wait3A_49 = tpu.memref_slice %arg2[%add3A_48] : memref<320000xi32, #tpu.memory_space<hbm>> -> memref<80xi32, #tpu.memory_space<hbm>>
        tpu.wait_dma2 semaphore(%arg12 : memref<!tpu.dma_semaphore, #tpu.memory_space<semaphore_mem>>) src(%dma_wait3A_49 : memref<80xi32, #tpu.memory_space<hbm>>) dst(%arg8 : memref<80xi32, #tpu.memory_space<vmem>>)
        "tpu.region"() ({
          %run_scoped3A = tpu.sem_alloc : memref<!tpu.dma_semaphore, #tpu.memory_space<semaphore_mem>>
          %dma_start3A_57 = arith.constant 0 : i32
          %dma_start3A_58 = arith.constant 0 : i32
          %dma_start3A_59 = tpu.memref_slice %arg13[%dma_start3A_57, %dma_start3A_58] : memref<10240x128xf32, #tpu.memory_space<vmem_shared>> -> memref<10240x128xf32, #tpu.memory_space<vmem_shared>>
          tpu.enqueue_indirect_dma source(%arg9 : memref<80x128xf32, #tpu.memory_space<vmem>>) target(%dma_start3A_59 : memref<10240x128xf32, #tpu.memory_space<vmem_shared>>) offsets(%arg8 : memref<80xi32, #tpu.memory_space<vmem>>) semaphore(%run_scoped3A : memref<!tpu.dma_semaphore, #tpu.memory_space<semaphore_mem>>) {add = true}
          %dma_wait3A_60 = arith.constant 0 : i32
          %dma_wait3A_61 = arith.constant 0 : i32
          %dma_wait3A_62 = tpu.memref_slice %arg13[%dma_wait3A_60, %dma_wait3A_61] : memref<10240x128xf32, #tpu.memory_space<vmem_shared>> -> memref<10240x128xf32, #tpu.memory_space<vmem_shared>>
          tpu.wait_indirect_dma semaphore(%run_scoped3A : memref<!tpu.dma_semaphore, #tpu.memory_space<semaphore_mem>>) src(%arg9 : memref<80x128xf32, #tpu.memory_space<vmem>>) dst(%dma_wait3A_62 : memref<10240x128xf32, #tpu.memory_space<vmem_shared>>)
          tpu.yield
        }) : () -> ()
        %add3A_50 = arith.constant 2 : i32
        %add3A_51 = arith.addi %add3A_40, %add3A_50 : i32
        %lt3A_52 = arith.constant 125 : i32
        %lt3A_53 = arith.cmpi slt, %add3A_51, %lt3A_52 : i32
        %convert_element_type3A_54 = arith.extui %lt3A_53 : i1 to i32
        %cond3A_55 = arith.constant 0 : i32
        %cond3A_56 = arith.cmpi ne, %convert_element_type3A_54, %cond3A_55 : i32
        scf.if %cond3A_56 {
          %add3A_57 = arith.constant 2 : i32
          %add3A_58 = arith.addi %add3A_40, %add3A_57 : i32
          %mul3A_59 = arith.constant 80 : i32
          %mul3A_60 = arith.muli %add3A_58, %mul3A_59 : i32
          %add3A_61 = arith.addi %mul3A_2, %mul3A_60 : i32
          %dma_start3A_62 = tpu.memref_slice %arg2[%add3A_61] : memref<320000xi32, #tpu.memory_space<hbm>> -> memref<80xi32, #tpu.memory_space<hbm>>
          %dma_start3A_63 = tpu.memref_slice %arg2[%add3A_61] : memref<320000xi32, #tpu.memory_space<hbm>> -> memref<80xi32, #tpu.memory_space<hbm>>
          tpu.enqueue_dma source(%dma_start3A_63 : memref<80xi32, #tpu.memory_space<hbm>>) target(%arg8 : memref<80xi32, #tpu.memory_space<vmem>>) target_semaphore(%arg12 : memref<!tpu.dma_semaphore, #tpu.memory_space<semaphore_mem>>)
        } else {
        }
      } else {
      }
    }
    %scan3A_22 = arith.constant 63 : i32
    %barrier3A_23 = arith.constant 0 : index
    tpu.barrier barrier_id(%barrier3A_23)
    %scan3A_24 = arith.constant 0 : i32
    %scan3A_25 = arith.constant 0 : i32
    %scan3A_26 = arith.constant 8 : i32
    %scan3A_27 = arith.addi %scan3A_25, %scan3A_26 : i32
    %scan3A_28 = arith.constant 1 : i32
    scf.for %scan3A_30 = %scan3A_25 to %scan3A_27 step %scan3A_28  : i32 {
      %mul3A_31 = arith.constant 80 : i32
      %mul3A_32 = arith.muli %scan3A_30, %mul3A_31 : i32
      %add3A_33 = arith.addi %mul3A_4, %mul3A_32 : i32
      "tpu.region"() ({
        %run_scoped3A = tpu.sem_alloc : memref<!tpu.dma_semaphore, #tpu.memory_space<semaphore_mem>>
        %dma_start3A_34 = arith.constant 0 : i32
        %dma_start3A_35 = tpu.memref_slice %arg13[%add3A_33, %dma_start3A_34] : memref<10240x128xf32, #tpu.memory_space<vmem_shared>> -> memref<80x128xf32, #tpu.memory_space<vmem_shared>>
        %dma_start3A_36 = arith.constant 0 : i32
        %dma_start3A_37 = tpu.memref_slice %arg13[%add3A_33, %dma_start3A_36] : memref<10240x128xf32, #tpu.memory_space<vmem_shared>> -> memref<80x128xf32, #tpu.memory_space<vmem_shared>>
        tpu.enqueue_dma source(%dma_start3A_37 : memref<80x128xf32, #tpu.memory_space<vmem_shared>>) target(%arg10 : memref<80x128xf32, #tpu.memory_space<vmem>>) target_semaphore(%run_scoped3A : memref<!tpu.dma_semaphore, #tpu.memory_space<semaphore_mem>>)
        %dma_wait3A = arith.constant 0 : i32
        %dma_wait3A_38 = tpu.memref_slice %arg13[%add3A_33, %dma_wait3A] : memref<10240x128xf32, #tpu.memory_space<vmem_shared>> -> memref<80x128xf32, #tpu.memory_space<vmem_shared>>
        %dma_wait3A_39 = arith.constant 0 : i32
        %dma_wait3A_40 = tpu.memref_slice %arg13[%add3A_33, %dma_wait3A_39] : memref<10240x128xf32, #tpu.memory_space<vmem_shared>> -> memref<80x128xf32, #tpu.memory_space<vmem_shared>>
        tpu.wait_dma2 semaphore(%run_scoped3A : memref<!tpu.dma_semaphore, #tpu.memory_space<semaphore_mem>>) src(%dma_wait3A_40 : memref<80x128xf32, #tpu.memory_space<vmem_shared>>) dst(%arg10 : memref<80x128xf32, #tpu.memory_space<vmem>>)
        tpu.yield
      }) : () -> ()
      "tpu.region"() ({
        %run_scoped3A = tpu.sem_alloc : memref<!tpu.dma_semaphore, #tpu.memory_space<semaphore_mem>>
        %dma_start3A_34 = arith.constant 0 : i32
        %dma_start3A_35 = tpu.memref_slice %arg6[%arg0, %add3A_33, %dma_start3A_34] : memref<2x10240x128xf32, #tpu.memory_space<hbm>> -> memref<1x80x128xf32, #tpu.memory_space<hbm>>
        %dma_start3A_36 = tpu.memref_squeeze %dma_start3A_35 : memref<1x80x128xf32, #tpu.memory_space<hbm>> -> memref<80x128xf32, #tpu.memory_space<hbm>>
        %dma_start3A_37 = arith.constant 0 : i32
        %dma_start3A_38 = tpu.memref_slice %arg6[%arg0, %add3A_33, %dma_start3A_37] : memref<2x10240x128xf32, #tpu.memory_space<hbm>> -> memref<1x80x128xf32, #tpu.memory_space<hbm>>
        %dma_start3A_39 = tpu.memref_squeeze %dma_start3A_38 : memref<1x80x128xf32, #tpu.memory_space<hbm>> -> memref<80x128xf32, #tpu.memory_space<hbm>>
        tpu.enqueue_dma source(%arg10 : memref<80x128xf32, #tpu.memory_space<vmem>>) target(%dma_start3A_39 : memref<80x128xf32, #tpu.memory_space<hbm>>) target_semaphore(%run_scoped3A : memref<!tpu.dma_semaphore, #tpu.memory_space<semaphore_mem>>)
        %dma_wait3A = arith.constant 0 : i32
        %dma_wait3A_40 = tpu.memref_slice %arg6[%arg0, %add3A_33, %dma_wait3A] : memref<2x10240x128xf32, #tpu.memory_space<hbm>> -> memref<1x80x128xf32, #tpu.memory_space<hbm>>
        %dma_wait3A_41 = tpu.memref_squeeze %dma_wait3A_40 : memref<1x80x128xf32, #tpu.memory_space<hbm>> -> memref<80x128xf32, #tpu.memory_space<hbm>>
        %dma_wait3A_42 = arith.constant 0 : i32
        %dma_wait3A_43 = tpu.memref_slice %arg6[%arg0, %add3A_33, %dma_wait3A_42] : memref<2x10240x128xf32, #tpu.memory_space<hbm>> -> memref<1x80x128xf32, #tpu.memory_space<hbm>>
        %dma_wait3A_44 = tpu.memref_squeeze %dma_wait3A_43 : memref<1x80x128xf32, #tpu.memory_space<hbm>> -> memref<80x128xf32, #tpu.memory_space<hbm>>
        tpu.wait_dma2 semaphore(%run_scoped3A : memref<!tpu.dma_semaphore, #tpu.memory_space<semaphore_mem>>) src(%arg10 : memref<80x128xf32, #tpu.memory_space<vmem>>) dst(%dma_wait3A_44 : memref<80x128xf32, #tpu.memory_space<hbm>>)
        tpu.yield
      }) : () -> ()
    }
    %scan3A_29 = arith.constant 8 : i32
    return
  }
}

#map = affine_map<(d0, d1) -> (0, 0)>
#map1 = affine_map<(d0, d1) -> (0)>
#map2 = affine_map<(d0, d1) -> (0, 0, 0)>
module attributes {stable_mosaic.version = 14 : i64} {
  func.func @sk(%arg0: i32, %arg1: i32, %arg2: memref<320000x128xf32, #tpu.memory_space<hbm>>, %arg3: memref<320000xi32, #tpu.memory_space<hbm>>, %arg4: memref<10240x128xf32, #tpu.memory_space<hbm>>, %arg5: memref<320000x128xf32, #tpu.memory_space<hbm>>, %arg6: memref<2x10240x128xf32, #tpu.memory_space<hbm>>, %arg7: memref<80xi32, #tpu.memory_space<vmem>>, %arg8: memref<80xi32, #tpu.memory_space<vmem>>, %arg9: memref<80x128xf32, #tpu.memory_space<vmem>>, %arg10: memref<80x128xf32, #tpu.memory_space<vmem>>, %arg11: memref<!tpu.dma_semaphore, #tpu.memory_space<semaphore_mem>>, %arg12: memref<!tpu.dma_semaphore, #tpu.memory_space<semaphore_mem>>, %arg13: memref<!tpu.dma_semaphore, #tpu.memory_space<semaphore_mem>>, %arg14: memref<!tpu.dma_semaphore, #tpu.memory_space<semaphore_mem>>, %arg15: memref<10240x128xf32, #tpu.memory_space<vmem_shared>>) attributes {dimension_semantics = [#tpu.dimension_semantics<core_parallel>, #tpu.dimension_semantics<subcore_parallel>], iteration_bounds = array<i64: 2, 16>, scalar_prefetch = 0 : i64, scratch_operands = 9 : i64, tpu.core_type = #tpu.core_type<sc_vector_subcore>, window_params = [{transform_indices = #map}, {transform_indices = #map1}, {transform_indices = #map}, {transform_indices = #map}, {transform_indices = #map2}]} {
    %mul3A = arith.constant 2 : i32
    %mul3A_0 = arith.muli %arg1, %mul3A : i32
    %add3A = arith.addi %mul3A_0, %arg0 : i32
    %mul3A_1 = arith.constant 10000 : i32
    %mul3A_2 = arith.muli %add3A, %mul3A_1 : i32
    %mul3A_3 = arith.constant 640 : i32
    %mul3A_4 = arith.muli %arg1, %mul3A_3 : i32
    "tpu.region"() ({
      %run_scoped3A = tpu.sem_alloc : memref<!tpu.dma_semaphore, #tpu.memory_space<semaphore_mem>>
      %dma_start3A_38 = arith.constant 0 : i32
      %dma_start3A_39 = arith.constant 0 : i32
      %dma_start3A_40 = tpu.memref_slice %arg4[%dma_start3A_38, %dma_start3A_39] : memref<10240x128xf32, #tpu.memory_space<hbm>> -> memref<80x128xf32, #tpu.memory_space<hbm>>
      %dma_start3A_41 = arith.constant 0 : i32
      %dma_start3A_42 = arith.constant 0 : i32
      %dma_start3A_43 = tpu.memref_slice %arg4[%dma_start3A_41, %dma_start3A_42] : memref<10240x128xf32, #tpu.memory_space<hbm>> -> memref<80x128xf32, #tpu.memory_space<hbm>>
      tpu.enqueue_dma source(%dma_start3A_43 : memref<80x128xf32, #tpu.memory_space<hbm>>) target(%arg9 : memref<80x128xf32, #tpu.memory_space<vmem>>) target_semaphore(%run_scoped3A : memref<!tpu.dma_semaphore, #tpu.memory_space<semaphore_mem>>)
      %dma_wait3A = arith.constant 0 : i32
      %dma_wait3A_44 = arith.constant 0 : i32
      %dma_wait3A_45 = tpu.memref_slice %arg4[%dma_wait3A, %dma_wait3A_44] : memref<10240x128xf32, #tpu.memory_space<hbm>> -> memref<80x128xf32, #tpu.memory_space<hbm>>
      %dma_wait3A_46 = arith.constant 0 : i32
      %dma_wait3A_47 = arith.constant 0 : i32
      %dma_wait3A_48 = tpu.memref_slice %arg4[%dma_wait3A_46, %dma_wait3A_47] : memref<10240x128xf32, #tpu.memory_space<hbm>> -> memref<80x128xf32, #tpu.memory_space<hbm>>
      tpu.wait_dma2 semaphore(%run_scoped3A : memref<!tpu.dma_semaphore, #tpu.memory_space<semaphore_mem>>) src(%dma_wait3A_48 : memref<80x128xf32, #tpu.memory_space<hbm>>) dst(%arg9 : memref<80x128xf32, #tpu.memory_space<vmem>>)
      tpu.yield
    }) : () -> ()
    %scan3A = arith.constant 0 : i32
    %scan3A_5 = arith.constant 0 : i32
    %scan3A_6 = arith.constant 8 : i32
    %scan3A_7 = arith.addi %scan3A_5, %scan3A_6 : i32
    %scan3A_8 = arith.constant 1 : i32
    scf.for %scan3A_38 = %scan3A_5 to %scan3A_7 step %scan3A_8  : i32 {
      %mul3A_39 = arith.constant 80 : i32
      %mul3A_40 = arith.muli %scan3A_38, %mul3A_39 : i32
      %add3A_41 = arith.addi %mul3A_4, %mul3A_40 : i32
      "tpu.region"() ({
        %run_scoped3A = tpu.sem_alloc : memref<!tpu.dma_semaphore, #tpu.memory_space<semaphore_mem>>
        %dma_start3A_42 = arith.constant 0 : i32
        %dma_start3A_43 = tpu.memref_slice %arg15[%add3A_41, %dma_start3A_42] : memref<10240x128xf32, #tpu.memory_space<vmem_shared>> -> memref<80x128xf32, #tpu.memory_space<vmem_shared>>
        %dma_start3A_44 = arith.constant 0 : i32
        %dma_start3A_45 = tpu.memref_slice %arg15[%add3A_41, %dma_start3A_44] : memref<10240x128xf32, #tpu.memory_space<vmem_shared>> -> memref<80x128xf32, #tpu.memory_space<vmem_shared>>
        tpu.enqueue_dma source(%arg9 : memref<80x128xf32, #tpu.memory_space<vmem>>) target(%dma_start3A_45 : memref<80x128xf32, #tpu.memory_space<vmem_shared>>) target_semaphore(%run_scoped3A : memref<!tpu.dma_semaphore, #tpu.memory_space<semaphore_mem>>)
        %dma_wait3A = arith.constant 0 : i32
        %dma_wait3A_46 = tpu.memref_slice %arg15[%add3A_41, %dma_wait3A] : memref<10240x128xf32, #tpu.memory_space<vmem_shared>> -> memref<80x128xf32, #tpu.memory_space<vmem_shared>>
        %dma_wait3A_47 = arith.constant 0 : i32
        %dma_wait3A_48 = tpu.memref_slice %arg15[%add3A_41, %dma_wait3A_47] : memref<10240x128xf32, #tpu.memory_space<vmem_shared>> -> memref<80x128xf32, #tpu.memory_space<vmem_shared>>
        tpu.wait_dma2 semaphore(%run_scoped3A : memref<!tpu.dma_semaphore, #tpu.memory_space<semaphore_mem>>) src(%arg9 : memref<80x128xf32, #tpu.memory_space<vmem>>) dst(%dma_wait3A_48 : memref<80x128xf32, #tpu.memory_space<vmem_shared>>)
        tpu.yield
      }) : () -> ()
    }
    %scan3A_9 = arith.constant 8 : i32
    %barrier3A = arith.constant 0 : index
    tpu.barrier barrier_id(%barrier3A)
    %add3A_10 = arith.constant 0 : i32
    %add3A_11 = arith.addi %mul3A_2, %add3A_10 : i32
    %dma_start3A = tpu.memref_slice %arg3[%add3A_11] : memref<320000xi32, #tpu.memory_space<hbm>> -> memref<80xi32, #tpu.memory_space<hbm>>
    %dma_start3A_12 = tpu.memref_slice %arg3[%add3A_11] : memref<320000xi32, #tpu.memory_space<hbm>> -> memref<80xi32, #tpu.memory_space<hbm>>
    tpu.enqueue_dma source(%dma_start3A_12 : memref<80xi32, #tpu.memory_space<hbm>>) target(%arg7 : memref<80xi32, #tpu.memory_space<vmem>>) target_semaphore(%arg11 : memref<!tpu.dma_semaphore, #tpu.memory_space<semaphore_mem>>)
    %dma_start3A_13 = arith.constant 0 : i32
    %dma_start3A_14 = tpu.memref_slice %arg2[%add3A_11, %dma_start3A_13] : memref<320000x128xf32, #tpu.memory_space<hbm>> -> memref<80x128xf32, #tpu.memory_space<hbm>>
    %dma_start3A_15 = arith.constant 0 : i32
    %dma_start3A_16 = tpu.memref_slice %arg2[%add3A_11, %dma_start3A_15] : memref<320000x128xf32, #tpu.memory_space<hbm>> -> memref<80x128xf32, #tpu.memory_space<hbm>>
    tpu.enqueue_dma source(%dma_start3A_16 : memref<80x128xf32, #tpu.memory_space<hbm>>) target(%arg9 : memref<80x128xf32, #tpu.memory_space<vmem>>) target_semaphore(%arg13 : memref<!tpu.dma_semaphore, #tpu.memory_space<semaphore_mem>>)
    %add3A_17 = arith.constant 80 : i32
    %add3A_18 = arith.addi %mul3A_2, %add3A_17 : i32
    %dma_start3A_19 = tpu.memref_slice %arg3[%add3A_18] : memref<320000xi32, #tpu.memory_space<hbm>> -> memref<80xi32, #tpu.memory_space<hbm>>
    %dma_start3A_20 = tpu.memref_slice %arg3[%add3A_18] : memref<320000xi32, #tpu.memory_space<hbm>> -> memref<80xi32, #tpu.memory_space<hbm>>
    tpu.enqueue_dma source(%dma_start3A_20 : memref<80xi32, #tpu.memory_space<hbm>>) target(%arg8 : memref<80xi32, #tpu.memory_space<vmem>>) target_semaphore(%arg12 : memref<!tpu.dma_semaphore, #tpu.memory_space<semaphore_mem>>)
    %dma_start3A_21 = arith.constant 0 : i32
    %dma_start3A_22 = tpu.memref_slice %arg2[%add3A_18, %dma_start3A_21] : memref<320000x128xf32, #tpu.memory_space<hbm>> -> memref<80x128xf32, #tpu.memory_space<hbm>>
    %dma_start3A_23 = arith.constant 0 : i32
    %dma_start3A_24 = tpu.memref_slice %arg2[%add3A_18, %dma_start3A_23] : memref<320000x128xf32, #tpu.memory_space<hbm>> -> memref<80x128xf32, #tpu.memory_space<hbm>>
    tpu.enqueue_dma source(%dma_start3A_24 : memref<80x128xf32, #tpu.memory_space<hbm>>) target(%arg10 : memref<80x128xf32, #tpu.memory_space<vmem>>) target_semaphore(%arg14 : memref<!tpu.dma_semaphore, #tpu.memory_space<semaphore_mem>>)
    %scan3A_25 = arith.constant 0 : i32
    %scan3A_26 = arith.constant 0 : i32
    %scan3A_27 = arith.constant 63 : i32
    %scan3A_28 = arith.addi %scan3A_26, %scan3A_27 : i32
    %scan3A_29 = arith.constant 1 : i32
    scf.for %scan3A_38 = %scan3A_26 to %scan3A_28 step %scan3A_29  : i32 {
      %mul3A_39 = arith.constant 2 : i32
      %mul3A_40 = arith.muli %mul3A_39, %scan3A_38 : i32
      %add3A_41 = arith.constant 0 : i32
      %add3A_42 = arith.addi %mul3A_40, %add3A_41 : i32
      %lt3A = arith.constant 125 : i32
      %lt3A_43 = arith.cmpi slt, %add3A_42, %lt3A : i32
      %convert_element_type3A = arith.extui %lt3A_43 : i1 to i32
      %cond3A = arith.constant 0 : i32
      %cond3A_44 = arith.cmpi ne, %convert_element_type3A, %cond3A : i32
      scf.if %cond3A_44 {
        %mul3A_54 = arith.constant 80 : i32
        %mul3A_55 = arith.muli %add3A_42, %mul3A_54 : i32
        %add3A_56 = arith.addi %mul3A_2, %mul3A_55 : i32
        %dma_wait3A = tpu.memref_slice %arg3[%add3A_56] : memref<320000xi32, #tpu.memory_space<hbm>> -> memref<80xi32, #tpu.memory_space<hbm>>
        %dma_wait3A_57 = tpu.memref_slice %arg3[%add3A_56] : memref<320000xi32, #tpu.memory_space<hbm>> -> memref<80xi32, #tpu.memory_space<hbm>>
        tpu.wait_dma2 semaphore(%arg11 : memref<!tpu.dma_semaphore, #tpu.memory_space<semaphore_mem>>) src(%dma_wait3A_57 : memref<80xi32, #tpu.memory_space<hbm>>) dst(%arg7 : memref<80xi32, #tpu.memory_space<vmem>>)
        %dma_wait3A_58 = arith.constant 0 : i32
        %dma_wait3A_59 = tpu.memref_slice %arg2[%add3A_56, %dma_wait3A_58] : memref<320000x128xf32, #tpu.memory_space<hbm>> -> memref<80x128xf32, #tpu.memory_space<hbm>>
        %dma_wait3A_60 = arith.constant 0 : i32
        %dma_wait3A_61 = tpu.memref_slice %arg2[%add3A_56, %dma_wait3A_60] : memref<320000x128xf32, #tpu.memory_space<hbm>> -> memref<80x128xf32, #tpu.memory_space<hbm>>
        tpu.wait_dma2 semaphore(%arg13 : memref<!tpu.dma_semaphore, #tpu.memory_space<semaphore_mem>>) src(%dma_wait3A_61 : memref<80x128xf32, #tpu.memory_space<hbm>>) dst(%arg9 : memref<80x128xf32, #tpu.memory_space<vmem>>)
        "tpu.region"() ({
          %run_scoped3A = tpu.sem_alloc : memref<!tpu.dma_semaphore, #tpu.memory_space<semaphore_mem>>
          %dma_start3A_69 = arith.constant 0 : i32
          %dma_start3A_70 = arith.constant 0 : i32
          %dma_start3A_71 = tpu.memref_slice %arg15[%dma_start3A_69, %dma_start3A_70] : memref<10240x128xf32, #tpu.memory_space<vmem_shared>> -> memref<10240x128xf32, #tpu.memory_space<vmem_shared>>
          tpu.enqueue_indirect_dma source(%arg9 : memref<80x128xf32, #tpu.memory_space<vmem>>) target(%dma_start3A_71 : memref<10240x128xf32, #tpu.memory_space<vmem_shared>>) offsets(%arg7 : memref<80xi32, #tpu.memory_space<vmem>>) semaphore(%run_scoped3A : memref<!tpu.dma_semaphore, #tpu.memory_space<semaphore_mem>>) {add = true}
          %dma_wait3A_72 = arith.constant 0 : i32
          %dma_wait3A_73 = arith.constant 0 : i32
          %dma_wait3A_74 = tpu.memref_slice %arg15[%dma_wait3A_72, %dma_wait3A_73] : memref<10240x128xf32, #tpu.memory_space<vmem_shared>> -> memref<10240x128xf32, #tpu.memory_space<vmem_shared>>
          tpu.wait_indirect_dma semaphore(%run_scoped3A : memref<!tpu.dma_semaphore, #tpu.memory_space<semaphore_mem>>) src(%arg9 : memref<80x128xf32, #tpu.memory_space<vmem>>) dst(%dma_wait3A_74 : memref<10240x128xf32, #tpu.memory_space<vmem_shared>>)
          tpu.yield
        }) : () -> ()
        %add3A_62 = arith.constant 2 : i32
        %add3A_63 = arith.addi %add3A_42, %add3A_62 : i32
        %lt3A_64 = arith.constant 125 : i32
        %lt3A_65 = arith.cmpi slt, %add3A_63, %lt3A_64 : i32
        %convert_element_type3A_66 = arith.extui %lt3A_65 : i1 to i32
        %cond3A_67 = arith.constant 0 : i32
        %cond3A_68 = arith.cmpi ne, %convert_element_type3A_66, %cond3A_67 : i32
        scf.if %cond3A_68 {
          %add3A_69 = arith.constant 2 : i32
          %add3A_70 = arith.addi %add3A_42, %add3A_69 : i32
          %mul3A_71 = arith.constant 80 : i32
          %mul3A_72 = arith.muli %add3A_70, %mul3A_71 : i32
          %add3A_73 = arith.addi %mul3A_2, %mul3A_72 : i32
          %dma_start3A_74 = tpu.memref_slice %arg3[%add3A_73] : memref<320000xi32, #tpu.memory_space<hbm>> -> memref<80xi32, #tpu.memory_space<hbm>>
          %dma_start3A_75 = tpu.memref_slice %arg3[%add3A_73] : memref<320000xi32, #tpu.memory_space<hbm>> -> memref<80xi32, #tpu.memory_space<hbm>>
          tpu.enqueue_dma source(%dma_start3A_75 : memref<80xi32, #tpu.memory_space<hbm>>) target(%arg7 : memref<80xi32, #tpu.memory_space<vmem>>) target_semaphore(%arg11 : memref<!tpu.dma_semaphore, #tpu.memory_space<semaphore_mem>>)
          %dma_start3A_76 = arith.constant 0 : i32
          %dma_start3A_77 = tpu.memref_slice %arg2[%add3A_73, %dma_start3A_76] : memref<320000x128xf32, #tpu.memory_space<hbm>> -> memref<80x128xf32, #tpu.memory_space<hbm>>
          %dma_start3A_78 = arith.constant 0 : i32
          %dma_start3A_79 = tpu.memref_slice %arg2[%add3A_73, %dma_start3A_78] : memref<320000x128xf32, #tpu.memory_space<hbm>> -> memref<80x128xf32, #tpu.memory_space<hbm>>
          tpu.enqueue_dma source(%dma_start3A_79 : memref<80x128xf32, #tpu.memory_space<hbm>>) target(%arg9 : memref<80x128xf32, #tpu.memory_space<vmem>>) target_semaphore(%arg13 : memref<!tpu.dma_semaphore, #tpu.memory_space<semaphore_mem>>)
        } else {
        }
      } else {
      }
      %mul3A_45 = arith.constant 2 : i32
      %mul3A_46 = arith.muli %mul3A_45, %scan3A_38 : i32
      %add3A_47 = arith.constant 1 : i32
      %add3A_48 = arith.addi %mul3A_46, %add3A_47 : i32
      %lt3A_49 = arith.constant 125 : i32
      %lt3A_50 = arith.cmpi slt, %add3A_48, %lt3A_49 : i32
      %convert_element_type3A_51 = arith.extui %lt3A_50 : i1 to i32
      %cond3A_52 = arith.constant 0 : i32
      %cond3A_53 = arith.cmpi ne, %convert_element_type3A_51, %cond3A_52 : i32
      scf.if %cond3A_53 {
        %mul3A_54 = arith.constant 80 : i32
        %mul3A_55 = arith.muli %add3A_48, %mul3A_54 : i32
        %add3A_56 = arith.addi %mul3A_2, %mul3A_55 : i32
        %dma_wait3A = tpu.memref_slice %arg3[%add3A_56] : memref<320000xi32, #tpu.memory_space<hbm>> -> memref<80xi32, #tpu.memory_space<hbm>>
        %dma_wait3A_57 = tpu.memref_slice %arg3[%add3A_56] : memref<320000xi32, #tpu.memory_space<hbm>> -> memref<80xi32, #tpu.memory_space<hbm>>
        tpu.wait_dma2 semaphore(%arg12 : memref<!tpu.dma_semaphore, #tpu.memory_space<semaphore_mem>>) src(%dma_wait3A_57 : memref<80xi32, #tpu.memory_space<hbm>>) dst(%arg8 : memref<80xi32, #tpu.memory_space<vmem>>)
        %dma_wait3A_58 = arith.constant 0 : i32
        %dma_wait3A_59 = tpu.memref_slice %arg2[%add3A_56, %dma_wait3A_58] : memref<320000x128xf32, #tpu.memory_space<hbm>> -> memref<80x128xf32, #tpu.memory_space<hbm>>
        %dma_wait3A_60 = arith.constant 0 : i32
        %dma_wait3A_61 = tpu.memref_slice %arg2[%add3A_56, %dma_wait3A_60] : memref<320000x128xf32, #tpu.memory_space<hbm>> -> memref<80x128xf32, #tpu.memory_space<hbm>>
        tpu.wait_dma2 semaphore(%arg14 : memref<!tpu.dma_semaphore, #tpu.memory_space<semaphore_mem>>) src(%dma_wait3A_61 : memref<80x128xf32, #tpu.memory_space<hbm>>) dst(%arg10 : memref<80x128xf32, #tpu.memory_space<vmem>>)
        "tpu.region"() ({
          %run_scoped3A = tpu.sem_alloc : memref<!tpu.dma_semaphore, #tpu.memory_space<semaphore_mem>>
          %dma_start3A_69 = arith.constant 0 : i32
          %dma_start3A_70 = arith.constant 0 : i32
          %dma_start3A_71 = tpu.memref_slice %arg15[%dma_start3A_69, %dma_start3A_70] : memref<10240x128xf32, #tpu.memory_space<vmem_shared>> -> memref<10240x128xf32, #tpu.memory_space<vmem_shared>>
          tpu.enqueue_indirect_dma source(%arg10 : memref<80x128xf32, #tpu.memory_space<vmem>>) target(%dma_start3A_71 : memref<10240x128xf32, #tpu.memory_space<vmem_shared>>) offsets(%arg8 : memref<80xi32, #tpu.memory_space<vmem>>) semaphore(%run_scoped3A : memref<!tpu.dma_semaphore, #tpu.memory_space<semaphore_mem>>) {add = true}
          %dma_wait3A_72 = arith.constant 0 : i32
          %dma_wait3A_73 = arith.constant 0 : i32
          %dma_wait3A_74 = tpu.memref_slice %arg15[%dma_wait3A_72, %dma_wait3A_73] : memref<10240x128xf32, #tpu.memory_space<vmem_shared>> -> memref<10240x128xf32, #tpu.memory_space<vmem_shared>>
          tpu.wait_indirect_dma semaphore(%run_scoped3A : memref<!tpu.dma_semaphore, #tpu.memory_space<semaphore_mem>>) src(%arg10 : memref<80x128xf32, #tpu.memory_space<vmem>>) dst(%dma_wait3A_74 : memref<10240x128xf32, #tpu.memory_space<vmem_shared>>)
          tpu.yield
        }) : () -> ()
        %add3A_62 = arith.constant 2 : i32
        %add3A_63 = arith.addi %add3A_48, %add3A_62 : i32
        %lt3A_64 = arith.constant 125 : i32
        %lt3A_65 = arith.cmpi slt, %add3A_63, %lt3A_64 : i32
        %convert_element_type3A_66 = arith.extui %lt3A_65 : i1 to i32
        %cond3A_67 = arith.constant 0 : i32
        %cond3A_68 = arith.cmpi ne, %convert_element_type3A_66, %cond3A_67 : i32
        scf.if %cond3A_68 {
          %add3A_69 = arith.constant 2 : i32
          %add3A_70 = arith.addi %add3A_48, %add3A_69 : i32
          %mul3A_71 = arith.constant 80 : i32
          %mul3A_72 = arith.muli %add3A_70, %mul3A_71 : i32
          %add3A_73 = arith.addi %mul3A_2, %mul3A_72 : i32
          %dma_start3A_74 = tpu.memref_slice %arg3[%add3A_73] : memref<320000xi32, #tpu.memory_space<hbm>> -> memref<80xi32, #tpu.memory_space<hbm>>
          %dma_start3A_75 = tpu.memref_slice %arg3[%add3A_73] : memref<320000xi32, #tpu.memory_space<hbm>> -> memref<80xi32, #tpu.memory_space<hbm>>
          tpu.enqueue_dma source(%dma_start3A_75 : memref<80xi32, #tpu.memory_space<hbm>>) target(%arg8 : memref<80xi32, #tpu.memory_space<vmem>>) target_semaphore(%arg12 : memref<!tpu.dma_semaphore, #tpu.memory_space<semaphore_mem>>)
          %dma_start3A_76 = arith.constant 0 : i32
          %dma_start3A_77 = tpu.memref_slice %arg2[%add3A_73, %dma_start3A_76] : memref<320000x128xf32, #tpu.memory_space<hbm>> -> memref<80x128xf32, #tpu.memory_space<hbm>>
          %dma_start3A_78 = arith.constant 0 : i32
          %dma_start3A_79 = tpu.memref_slice %arg2[%add3A_73, %dma_start3A_78] : memref<320000x128xf32, #tpu.memory_space<hbm>> -> memref<80x128xf32, #tpu.memory_space<hbm>>
          tpu.enqueue_dma source(%dma_start3A_79 : memref<80x128xf32, #tpu.memory_space<hbm>>) target(%arg10 : memref<80x128xf32, #tpu.memory_space<vmem>>) target_semaphore(%arg14 : memref<!tpu.dma_semaphore, #tpu.memory_space<semaphore_mem>>)
        } else {
        }
      } else {
      }
    }
    %scan3A_30 = arith.constant 63 : i32
    %barrier3A_31 = arith.constant 0 : index
    tpu.barrier barrier_id(%barrier3A_31)
    %scan3A_32 = arith.constant 0 : i32
    %scan3A_33 = arith.constant 0 : i32
    %scan3A_34 = arith.constant 8 : i32
    %scan3A_35 = arith.addi %scan3A_33, %scan3A_34 : i32
    %scan3A_36 = arith.constant 1 : i32
    scf.for %scan3A_38 = %scan3A_33 to %scan3A_35 step %scan3A_36  : i32 {
      %mul3A_39 = arith.constant 80 : i32
      %mul3A_40 = arith.muli %scan3A_38, %mul3A_39 : i32
      %add3A_41 = arith.addi %mul3A_4, %mul3A_40 : i32
      "tpu.region"() ({
        %run_scoped3A = tpu.sem_alloc : memref<!tpu.dma_semaphore, #tpu.memory_space<semaphore_mem>>
        %dma_start3A_42 = arith.constant 0 : i32
        %dma_start3A_43 = tpu.memref_slice %arg15[%add3A_41, %dma_start3A_42] : memref<10240x128xf32, #tpu.memory_space<vmem_shared>> -> memref<80x128xf32, #tpu.memory_space<vmem_shared>>
        %dma_start3A_44 = arith.constant 0 : i32
        %dma_start3A_45 = tpu.memref_slice %arg15[%add3A_41, %dma_start3A_44] : memref<10240x128xf32, #tpu.memory_space<vmem_shared>> -> memref<80x128xf32, #tpu.memory_space<vmem_shared>>
        tpu.enqueue_dma source(%dma_start3A_45 : memref<80x128xf32, #tpu.memory_space<vmem_shared>>) target(%arg9 : memref<80x128xf32, #tpu.memory_space<vmem>>) target_semaphore(%run_scoped3A : memref<!tpu.dma_semaphore, #tpu.memory_space<semaphore_mem>>)
        %dma_wait3A = arith.constant 0 : i32
        %dma_wait3A_46 = tpu.memref_slice %arg15[%add3A_41, %dma_wait3A] : memref<10240x128xf32, #tpu.memory_space<vmem_shared>> -> memref<80x128xf32, #tpu.memory_space<vmem_shared>>
        %dma_wait3A_47 = arith.constant 0 : i32
        %dma_wait3A_48 = tpu.memref_slice %arg15[%add3A_41, %dma_wait3A_47] : memref<10240x128xf32, #tpu.memory_space<vmem_shared>> -> memref<80x128xf32, #tpu.memory_space<vmem_shared>>
        tpu.wait_dma2 semaphore(%run_scoped3A : memref<!tpu.dma_semaphore, #tpu.memory_space<semaphore_mem>>) src(%dma_wait3A_48 : memref<80x128xf32, #tpu.memory_space<vmem_shared>>) dst(%arg9 : memref<80x128xf32, #tpu.memory_space<vmem>>)
        tpu.yield
      }) : () -> ()
      "tpu.region"() ({
        %run_scoped3A = tpu.sem_alloc : memref<!tpu.dma_semaphore, #tpu.memory_space<semaphore_mem>>
        %dma_start3A_42 = arith.constant 0 : i32
        %dma_start3A_43 = tpu.memref_slice %arg6[%arg0, %add3A_41, %dma_start3A_42] : memref<2x10240x128xf32, #tpu.memory_space<hbm>> -> memref<1x80x128xf32, #tpu.memory_space<hbm>>
        %dma_start3A_44 = tpu.memref_squeeze %dma_start3A_43 : memref<1x80x128xf32, #tpu.memory_space<hbm>> -> memref<80x128xf32, #tpu.memory_space<hbm>>
        %dma_start3A_45 = arith.constant 0 : i32
        %dma_start3A_46 = tpu.memref_slice %arg6[%arg0, %add3A_41, %dma_start3A_45] : memref<2x10240x128xf32, #tpu.memory_space<hbm>> -> memref<1x80x128xf32, #tpu.memory_space<hbm>>
        %dma_start3A_47 = tpu.memref_squeeze %dma_start3A_46 : memref<1x80x128xf32, #tpu.memory_space<hbm>> -> memref<80x128xf32, #tpu.memory_space<hbm>>
        tpu.enqueue_dma source(%arg9 : memref<80x128xf32, #tpu.memory_space<vmem>>) target(%dma_start3A_47 : memref<80x128xf32, #tpu.memory_space<hbm>>) target_semaphore(%run_scoped3A : memref<!tpu.dma_semaphore, #tpu.memory_space<semaphore_mem>>)
        %dma_wait3A = arith.constant 0 : i32
        %dma_wait3A_48 = tpu.memref_slice %arg6[%arg0, %add3A_41, %dma_wait3A] : memref<2x10240x128xf32, #tpu.memory_space<hbm>> -> memref<1x80x128xf32, #tpu.memory_space<hbm>>
        %dma_wait3A_49 = tpu.memref_squeeze %dma_wait3A_48 : memref<1x80x128xf32, #tpu.memory_space<hbm>> -> memref<80x128xf32, #tpu.memory_space<hbm>>
        %dma_wait3A_50 = arith.constant 0 : i32
        %dma_wait3A_51 = tpu.memref_slice %arg6[%arg0, %add3A_41, %dma_wait3A_50] : memref<2x10240x128xf32, #tpu.memory_space<hbm>> -> memref<1x80x128xf32, #tpu.memory_space<hbm>>
        %dma_wait3A_52 = tpu.memref_squeeze %dma_wait3A_51 : memref<1x80x128xf32, #tpu.memory_space<hbm>> -> memref<80x128xf32, #tpu.memory_space<hbm>>
        tpu.wait_dma2 semaphore(%run_scoped3A : memref<!tpu.dma_semaphore, #tpu.memory_space<semaphore_mem>>) src(%arg9 : memref<80x128xf32, #tpu.memory_space<vmem>>) dst(%dma_wait3A_52 : memref<80x128xf32, #tpu.memory_space<hbm>>)
        tpu.yield
      }) : () -> ()
    }
    %scan3A_37 = arith.constant 8 : i32
    return
  }
}

module attributes {stable_mosaic.version = 14 : i64} {
  func.func @body(%arg0: i32, %arg1: memref<3200x128xf32, #tpu.memory_space<vmem>>, %arg2: memref<3200x128xf32, #tpu.memory_space<vmem>>, %arg3: memref<3200x16xf32, #tpu.memory_space<vmem>>, %arg4: memref<128x128xf32, #tpu.memory_space<vmem>>, %arg5: memref<128x128xf32, #tpu.memory_space<vmem>>, %arg6: memref<16x128xf32, #tpu.memory_space<vmem>>, %arg7: memref<1x128xf32, #tpu.memory_space<vmem>>, %arg8: memref<128x128xf32, #tpu.memory_space<vmem>>, %arg9: memref<1x128xf32, #tpu.memory_space<vmem>>, %arg10: memref<128x128xf32, #tpu.memory_space<vmem>>, %arg11: memref<128x128xf32, #tpu.memory_space<vmem>>, %arg12: memref<1x128xf32, #tpu.memory_space<vmem>>, %arg13: memref<128x128xf32, #tpu.memory_space<vmem>>, %arg14: memref<1x128xf32, #tpu.memory_space<vmem>>, %arg15: memref<3200x128xf32, #tpu.memory_space<vmem>>, %arg16: memref<3200x128xf32, #tpu.memory_space<vmem>>) attributes {dimension_semantics = [#tpu.dimension_semantics<arbitrary>], iteration_bounds = array<i64: 100>, scalar_prefetch = 0 : i64, scratch_operands = 0 : i64, tpu.core_type = #tpu.core_type<tc>, window_params = [{transform_indices = @transform_0, window_bounds = array<i64: 3200, 128>}, {transform_indices = @transform_1, window_bounds = array<i64: 3200, 128>}, {transform_indices = @transform_2, window_bounds = array<i64: 3200, 16>}, {pipeline_mode = #tpu.pipeline_mode<synchronous>, transform_indices = @transform_3, window_bounds = array<i64: 128, 128>}, {pipeline_mode = #tpu.pipeline_mode<synchronous>, transform_indices = @transform_4, window_bounds = array<i64: 128, 128>}, {pipeline_mode = #tpu.pipeline_mode<synchronous>, transform_indices = @transform_5, window_bounds = array<i64: 16, 128>}, {pipeline_mode = #tpu.pipeline_mode<synchronous>, transform_indices = @transform_6, window_bounds = array<i64: 1, 128>}, {pipeline_mode = #tpu.pipeline_mode<synchronous>, transform_indices = @transform_7, window_bounds = array<i64: 128, 128>}, {pipeline_mode = #tpu.pipeline_mode<synchronous>, transform_indices = @transform_8, window_bounds = array<i64: 1, 128>}, {pipeline_mode = #tpu.pipeline_mode<synchronous>, transform_indices = @transform_9, window_bounds = array<i64: 128, 128>}, {pipeline_mode = #tpu.pipeline_mode<synchronous>, transform_indices = @transform_10, window_bounds = array<i64: 128, 128>}, {pipeline_mode = #tpu.pipeline_mode<synchronous>, transform_indices = @transform_11, window_bounds = array<i64: 1, 128>}, {pipeline_mode = #tpu.pipeline_mode<synchronous>, transform_indices = @transform_12, window_bounds = array<i64: 128, 128>}, {pipeline_mode = #tpu.pipeline_mode<synchronous>, transform_indices = @transform_13, window_bounds = array<i64: 1, 128>}, {transform_indices = @transform_14, window_bounds = array<i64: 3200, 128>}, {transform_indices = @transform_15, window_bounds = array<i64: 3200, 128>}]} {
    %get3A = arith.constant 0 : index
    %get3A_0 = arith.constant 0 : index
    %get3A_1 = vector.load %arg1[%get3A, %get3A_0] : memref<3200x128xf32, #tpu.memory_space<vmem>>, vector<3200x128xf32>
    %get3A_2 = arith.constant 0 : index
    %get3A_3 = arith.constant 0 : index
    %get3A_4 = vector.load %arg2[%get3A_2, %get3A_3] : memref<3200x128xf32, #tpu.memory_space<vmem>>, vector<3200x128xf32>
    %get3A_5 = arith.constant 0 : index
    %get3A_6 = arith.constant 0 : index
    %get3A_7 = vector.load %arg4[%get3A_5, %get3A_6] : memref<128x128xf32, #tpu.memory_space<vmem>>, vector<128x128xf32>
    %dot_general3A = arith.constant dense<0.000000e+00> : vector<3200x128xf32>
    %dot_general3A_8 = tpu.matmul %get3A_1, %get3A_7, %dot_general3A {dimension_numbers = #tpu.dot_dimension_numbers<[1], [0], [0], [1], [0, 0, 1, 1], [], []>, transpose_lhs_hint = false} : vector<3200x128xf32>, vector<128x128xf32>, vector<3200x128xf32> -> vector<3200x128xf32>
    %get3A_9 = arith.constant 0 : index
    %get3A_10 = arith.constant 0 : index
    %get3A_11 = vector.load %arg5[%get3A_9, %get3A_10] : memref<128x128xf32, #tpu.memory_space<vmem>>, vector<128x128xf32>
    %dot_general3A_12 = arith.constant dense<0.000000e+00> : vector<3200x128xf32>
    %dot_general3A_13 = tpu.matmul %get3A_4, %get3A_11, %dot_general3A_12 {dimension_numbers = #tpu.dot_dimension_numbers<[1], [0], [0], [1], [0, 0, 1, 1], [], []>, transpose_lhs_hint = false} : vector<3200x128xf32>, vector<128x128xf32>, vector<3200x128xf32> -> vector<3200x128xf32>
    %add3A = arith.addf %dot_general3A_8, %dot_general3A_13 : vector<3200x128xf32>
    %get3A_14 = arith.constant 0 : index
    %get3A_15 = arith.constant 0 : index
    %get3A_16 = vector.load %arg3[%get3A_14, %get3A_15] : memref<3200x16xf32, #tpu.memory_space<vmem>>, vector<3200x16xf32>
    %get3A_17 = arith.constant 0 : index
    %get3A_18 = arith.constant 0 : index
    %get3A_19 = vector.load %arg6[%get3A_17, %get3A_18] : memref<16x128xf32, #tpu.memory_space<vmem>>, vector<16x128xf32>
    %dot_general3A_20 = arith.constant dense<0.000000e+00> : vector<3200x128xf32>
    %dot_general3A_21 = tpu.matmul %get3A_16, %get3A_19, %dot_general3A_20 {dimension_numbers = #tpu.dot_dimension_numbers<[1], [0], [0], [1], [0, 0, 1, 1], [], []>, transpose_lhs_hint = false} : vector<3200x16xf32>, vector<16x128xf32>, vector<3200x128xf32> -> vector<3200x128xf32>
    %add3A_22 = arith.addf %add3A, %dot_general3A_21 : vector<3200x128xf32>
    %get3A_23 = arith.constant 0 : index
    %get3A_24 = arith.constant 0 : index
    %get3A_25 = vector.load %arg7[%get3A_23, %get3A_24] : memref<1x128xf32, #tpu.memory_space<vmem>>, vector<1x128xf32>
    %add3A_26 = vector.broadcast %get3A_25 : vector<1x128xf32> to vector<3200x128xf32>
    %add3A_27 = arith.addf %add3A_22, %add3A_26 : vector<3200x128xf32>
    %max3A = arith.constant 0.000000e+00 : f32
    %max3A_28 = vector.broadcast %max3A : f32 to vector<3200x128xf32>
    %max3A_29 = arith.maximumf %add3A_27, %max3A_28 : vector<3200x128xf32>
    %get3A_30 = arith.constant 0 : index
    %get3A_31 = arith.constant 0 : index
    %get3A_32 = vector.load %arg8[%get3A_30, %get3A_31] : memref<128x128xf32, #tpu.memory_space<vmem>>, vector<128x128xf32>
    %dot_general3A_33 = arith.constant dense<0.000000e+00> : vector<3200x128xf32>
    %dot_general3A_34 = tpu.matmul %max3A_29, %get3A_32, %dot_general3A_33 {dimension_numbers = #tpu.dot_dimension_numbers<[1], [0], [0], [1], [0, 0, 1, 1], [], []>, transpose_lhs_hint = false} : vector<3200x128xf32>, vector<128x128xf32>, vector<3200x128xf32> -> vector<3200x128xf32>
    %get3A_35 = arith.constant 0 : index
    %get3A_36 = arith.constant 0 : index
    %get3A_37 = vector.load %arg9[%get3A_35, %get3A_36] : memref<1x128xf32, #tpu.memory_space<vmem>>, vector<1x128xf32>
    %add3A_38 = vector.broadcast %get3A_37 : vector<1x128xf32> to vector<3200x128xf32>
    %add3A_39 = arith.addf %dot_general3A_34, %add3A_38 : vector<3200x128xf32>
    %swap3A = arith.constant 0 : index
    %swap3A_40 = arith.constant 0 : index
    %swap3A_41 = vector.load %arg15[%swap3A, %swap3A_40] : memref<3200x128xf32, #tpu.memory_space<vmem>>, vector<3200x128xf32>
    tpu.vector_store %arg15[%swap3A, %swap3A_40], %add3A_39 {strides = array<i32>} : memref<3200x128xf32, #tpu.memory_space<vmem>>, vector<3200x128xf32>,
    %get3A_42 = arith.constant 0 : index
    %get3A_43 = arith.constant 0 : index
    %get3A_44 = vector.load %arg10[%get3A_42, %get3A_43] : memref<128x128xf32, #tpu.memory_space<vmem>>, vector<128x128xf32>
    %dot_general3A_45 = arith.constant dense<0.000000e+00> : vector<3200x128xf32>
    %dot_general3A_46 = tpu.matmul %get3A_4, %get3A_44, %dot_general3A_45 {dimension_numbers = #tpu.dot_dimension_numbers<[1], [0], [0], [1], [0, 0, 1, 1], [], []>, transpose_lhs_hint = false} : vector<3200x128xf32>, vector<128x128xf32>, vector<3200x128xf32> -> vector<3200x128xf32>
    %get3A_47 = arith.constant 0 : index
    %get3A_48 = arith.constant 0 : index
    %get3A_49 = vector.load %arg11[%get3A_47, %get3A_48] : memref<128x128xf32, #tpu.memory_space<vmem>>, vector<128x128xf32>
    %dot_general3A_50 = arith.constant dense<0.000000e+00> : vector<3200x128xf32>
    %dot_general3A_51 = tpu.matmul %add3A_39, %get3A_49, %dot_general3A_50 {dimension_numbers = #tpu.dot_dimension_numbers<[1], [0], [0], [1], [0, 0, 1, 1], [], []>, transpose_lhs_hint = false} : vector<3200x128xf32>, vector<128x128xf32>, vector<3200x128xf32> -> vector<3200x128xf32>
    %add3A_52 = arith.addf %dot_general3A_46, %dot_general3A_51 : vector<3200x128xf32>
    %get3A_53 = arith.constant 0 : index
    %get3A_54 = arith.constant 0 : index
    %get3A_55 = vector.load %arg12[%get3A_53, %get3A_54] : memref<1x128xf32, #tpu.memory_space<vmem>>, vector<1x128xf32>
    %add3A_56 = vector.broadcast %get3A_55 : vector<1x128xf32> to vector<3200x128xf32>
    %add3A_57 = arith.addf %add3A_52, %add3A_56 : vector<3200x128xf32>
    %max3A_58 = arith.constant 0.000000e+00 : f32
    %max3A_59 = vector.broadcast %max3A_58 : f32 to vector<3200x128xf32>
    %max3A_60 = arith.maximumf %add3A_57, %max3A_59 : vector<3200x128xf32>
    %get3A_61 = arith.constant 0 : index
    %get3A_62 = arith.constant 0 : index
    %get3A_63 = vector.load %arg13[%get3A_61, %get3A_62] : memref<128x128xf32, #tpu.memory_space<vmem>>, vector<128x128xf32>
    %dot_general3A_64 = arith.constant dense<0.000000e+00> : vector<3200x128xf32>
    %dot_general3A_65 = tpu.matmul %max3A_60, %get3A_63, %dot_general3A_64 {dimension_numbers = #tpu.dot_dimension_numbers<[1], [0], [0], [1], [0, 0, 1, 1], [], []>, transpose_lhs_hint = false} : vector<3200x128xf32>, vector<128x128xf32>, vector<3200x128xf32> -> vector<3200x128xf32>
    %get3A_66 = arith.constant 0 : index
    %get3A_67 = arith.constant 0 : index
    %get3A_68 = vector.load %arg14[%get3A_66, %get3A_67] : memref<1x128xf32, #tpu.memory_space<vmem>>, vector<1x128xf32>
    %add3A_69 = vector.broadcast %get3A_68 : vector<1x128xf32> to vector<3200x128xf32>
    %add3A_70 = arith.addf %dot_general3A_65, %add3A_69 : vector<3200x128xf32>
    %swap3A_71 = arith.constant 0 : index
    %swap3A_72 = arith.constant 0 : index
    %swap3A_73 = vector.load %arg16[%swap3A_71, %swap3A_72] : memref<3200x128xf32, #tpu.memory_space<vmem>>, vector<3200x128xf32>
    tpu.vector_store %arg16[%swap3A_71, %swap3A_72], %add3A_70 {strides = array<i32>} : memref<3200x128xf32, #tpu.memory_space<vmem>>, vector<3200x128xf32>,
    return
  }
  func.func @transform_0(%arg0: i32) -> (i32, i32) {
    %c0_i32 = arith.constant 0 : i32
    %c0_i32_0 = arith.constant 0 : i32
    return %arg0, %c0_i32 : i32, i32
  }
  func.func @transform_1(%arg0: i32) -> (i32, i32) {
    %c0_i32 = arith.constant 0 : i32
    %c0_i32_0 = arith.constant 0 : i32
    return %arg0, %c0_i32 : i32, i32
  }
  func.func @transform_2(%arg0: i32) -> (i32, i32) {
    %c0_i32 = arith.constant 0 : i32
    %c0_i32_0 = arith.constant 0 : i32
    return %arg0, %c0_i32 : i32, i32
  }
  func.func @transform_3(%arg0: i32) -> (i32, i32) {
    %c0_i32 = arith.constant 0 : i32
    %c0_i32_0 = arith.constant 0 : i32
    %c0_i32_1 = arith.constant 0 : i32
    return %c0_i32, %c0_i32_0 : i32, i32
  }
  func.func @transform_4(%arg0: i32) -> (i32, i32) {
    %c0_i32 = arith.constant 0 : i32
    %c0_i32_0 = arith.constant 0 : i32
    %c0_i32_1 = arith.constant 0 : i32
    return %c0_i32, %c0_i32_0 : i32, i32
  }
  func.func @transform_5(%arg0: i32) -> (i32, i32) {
    %c0_i32 = arith.constant 0 : i32
    %c0_i32_0 = arith.constant 0 : i32
    %c0_i32_1 = arith.constant 0 : i32
    return %c0_i32, %c0_i32_0 : i32, i32
  }
  func.func @transform_6(%arg0: i32) -> (i32, i32) {
    %c0_i32 = arith.constant 0 : i32
    %c0_i32_0 = arith.constant 0 : i32
    %c0_i32_1 = arith.constant 0 : i32
    return %c0_i32, %c0_i32_0 : i32, i32
  }
  func.func @transform_7(%arg0: i32) -> (i32, i32) {
    %c0_i32 = arith.constant 0 : i32
    %c0_i32_0 = arith.constant 0 : i32
    %c0_i32_1 = arith.constant 0 : i32
    return %c0_i32, %c0_i32_0 : i32, i32
  }
  func.func @transform_8(%arg0: i32) -> (i32, i32) {
    %c0_i32 = arith.constant 0 : i32
    %c0_i32_0 = arith.constant 0 : i32
    %c0_i32_1 = arith.constant 0 : i32
    return %c0_i32, %c0_i32_0 : i32, i32
  }
  func.func @transform_9(%arg0: i32) -> (i32, i32) {
    %c0_i32 = arith.constant 0 : i32
    %c0_i32_0 = arith.constant 0 : i32
    %c0_i32_1 = arith.constant 0 : i32
    return %c0_i32, %c0_i32_0 : i32, i32
  }
  func.func @transform_10(%arg0: i32) -> (i32, i32) {
    %c0_i32 = arith.constant 0 : i32
    %c0_i32_0 = arith.constant 0 : i32
    %c0_i32_1 = arith.constant 0 : i32
    return %c0_i32, %c0_i32_0 : i32, i32
  }
  func.func @transform_11(%arg0: i32) -> (i32, i32) {
    %c0_i32 = arith.constant 0 : i32
    %c0_i32_0 = arith.constant 0 : i32
    %c0_i32_1 = arith.constant 0 : i32
    return %c0_i32, %c0_i32_0 : i32, i32
  }
  func.func @transform_12(%arg0: i32) -> (i32, i32) {
    %c0_i32 = arith.constant 0 : i32
    %c0_i32_0 = arith.constant 0 : i32
    %c0_i32_1 = arith.constant 0 : i32
    return %c0_i32, %c0_i32_0 : i32, i32
  }
  func.func @transform_13(%arg0: i32) -> (i32, i32) {
    %c0_i32 = arith.constant 0 : i32
    %c0_i32_0 = arith.constant 0 : i32
    %c0_i32_1 = arith.constant 0 : i32
    return %c0_i32, %c0_i32_0 : i32, i32
  }
  func.func @transform_14(%arg0: i32) -> (i32, i32) {
    %c0_i32 = arith.constant 0 : i32
    %c0_i32_0 = arith.constant 0 : i32
    return %arg0, %c0_i32 : i32, i32
  }
  func.func @transform_15(%arg0: i32) -> (i32, i32) {
    %c0_i32 = arith.constant 0 : i32
    %c0_i32_0 = arith.constant 0 : i32
    return %arg0, %c0_i32 : i32, i32
  }
}

module attributes {stable_mosaic.version = 14 : i64} {
  func.func @body(%arg0: i32, %arg1: memref<2000x128xf32, #tpu.memory_space<vmem>>, %arg2: memref<2x2000x128xf32, #tpu.memory_space<vmem>>, %arg3: memref<2x2000x128xf32, #tpu.memory_space<vmem>>, %arg4: memref<128x128xf32, #tpu.memory_space<vmem>>, %arg5: memref<128x128xf32, #tpu.memory_space<vmem>>, %arg6: memref<1x128xf32, #tpu.memory_space<vmem>>, %arg7: memref<128x128xf32, #tpu.memory_space<vmem>>, %arg8: memref<1x128xf32, #tpu.memory_space<vmem>>, %arg9: memref<2000x128xf32, #tpu.memory_space<vmem>>) attributes {dimension_semantics = [#tpu.dimension_semantics<arbitrary>], iteration_bounds = array<i64: 5>, scalar_prefetch = 0 : i64, scratch_operands = 0 : i64, tpu.core_type = #tpu.core_type<tc>, window_params = [{transform_indices = @transform_0, window_bounds = array<i64: 2000, 128>}, {transform_indices = @transform_1, window_bounds = array<i64: 2, 2000, 128>}, {transform_indices = @transform_2, window_bounds = array<i64: 2, 2000, 128>}, {pipeline_mode = #tpu.pipeline_mode<synchronous>, transform_indices = @transform_3, window_bounds = array<i64: 128, 128>}, {pipeline_mode = #tpu.pipeline_mode<synchronous>, transform_indices = @transform_4, window_bounds = array<i64: 128, 128>}, {pipeline_mode = #tpu.pipeline_mode<synchronous>, transform_indices = @transform_5, window_bounds = array<i64: 1, 128>}, {pipeline_mode = #tpu.pipeline_mode<synchronous>, transform_indices = @transform_6, window_bounds = array<i64: 128, 128>}, {pipeline_mode = #tpu.pipeline_mode<synchronous>, transform_indices = @transform_7, window_bounds = array<i64: 1, 128>}, {transform_indices = @transform_8, window_bounds = array<i64: 2000, 128>}]} {
    %get3A = arith.constant 0 : index
    %get3A_0 = arith.constant 0 : index
    %get3A_1 = arith.constant 0 : index
    %get3A_2 = vector.load %arg2[%get3A, %get3A_0, %get3A_1] : memref<2x2000x128xf32, #tpu.memory_space<vmem>>, vector<1x2000x128xf32>
    %get3A_3 = vector.shape_cast %get3A_2 : vector<1x2000x128xf32> to vector<2000x128xf32>
    %get3A_4 = arith.constant 1 : index
    %get3A_5 = arith.constant 0 : index
    %get3A_6 = arith.constant 0 : index
    %get3A_7 = vector.load %arg2[%get3A_4, %get3A_5, %get3A_6] : memref<2x2000x128xf32, #tpu.memory_space<vmem>>, vector<1x2000x128xf32>
    %get3A_8 = vector.shape_cast %get3A_7 : vector<1x2000x128xf32> to vector<2000x128xf32>
    %add3A = arith.addf %get3A_3, %get3A_8 : vector<2000x128xf32>
    %get3A_9 = arith.constant 0 : index
    %get3A_10 = arith.constant 0 : index
    %get3A_11 = arith.constant 0 : index
    %get3A_12 = vector.load %arg3[%get3A_9, %get3A_10, %get3A_11] : memref<2x2000x128xf32, #tpu.memory_space<vmem>>, vector<1x2000x128xf32>
    %get3A_13 = vector.shape_cast %get3A_12 : vector<1x2000x128xf32> to vector<2000x128xf32>
    %get3A_14 = arith.constant 1 : index
    %get3A_15 = arith.constant 0 : index
    %get3A_16 = arith.constant 0 : index
    %get3A_17 = vector.load %arg3[%get3A_14, %get3A_15, %get3A_16] : memref<2x2000x128xf32, #tpu.memory_space<vmem>>, vector<1x2000x128xf32>
    %get3A_18 = vector.shape_cast %get3A_17 : vector<1x2000x128xf32> to vector<2000x128xf32>
    %add3A_19 = arith.addf %get3A_13, %get3A_18 : vector<2000x128xf32>
    %slice3A = vector.extract_strided_slice %add3A_19 {offsets = [0, 0], sizes = [2000, 1], strides = [1, 1]} : vector<2000x128xf32> to vector<2000x1xf32>
    %max3A = arith.constant 1.000000e+00 : f32
    %max3A_20 = vector.broadcast %max3A : f32 to vector<2000x1xf32>
    %max3A_21 = arith.maximumf %slice3A, %max3A_20 : vector<2000x1xf32>
    %div3A = vector.broadcast %max3A_21 : vector<2000x1xf32> to vector<2000x128xf32>
    %div3A_22 = arith.divf %add3A, %div3A : vector<2000x128xf32>
    %get3A_23 = arith.constant 0 : index
    %get3A_24 = arith.constant 0 : index
    %get3A_25 = vector.load %arg1[%get3A_23, %get3A_24] : memref<2000x128xf32, #tpu.memory_space<vmem>>, vector<2000x128xf32>
    %get3A_26 = arith.constant 0 : index
    %get3A_27 = arith.constant 0 : index
    %get3A_28 = vector.load %arg4[%get3A_26, %get3A_27] : memref<128x128xf32, #tpu.memory_space<vmem>>, vector<128x128xf32>
    %dot_general3A = arith.constant dense<0.000000e+00> : vector<2000x128xf32>
    %dot_general3A_29 = tpu.matmul %get3A_25, %get3A_28, %dot_general3A {dimension_numbers = #tpu.dot_dimension_numbers<[1], [0], [0], [1], [0, 0, 1, 1], [], []>, transpose_lhs_hint = false} : vector<2000x128xf32>, vector<128x128xf32>, vector<2000x128xf32> -> vector<2000x128xf32>
    %get3A_30 = arith.constant 0 : index
    %get3A_31 = arith.constant 0 : index
    %get3A_32 = vector.load %arg5[%get3A_30, %get3A_31] : memref<128x128xf32, #tpu.memory_space<vmem>>, vector<128x128xf32>
    %dot_general3A_33 = arith.constant dense<0.000000e+00> : vector<2000x128xf32>
    %dot_general3A_34 = tpu.matmul %div3A_22, %get3A_32, %dot_general3A_33 {dimension_numbers = #tpu.dot_dimension_numbers<[1], [0], [0], [1], [0, 0, 1, 1], [], []>, transpose_lhs_hint = false} : vector<2000x128xf32>, vector<128x128xf32>, vector<2000x128xf32> -> vector<2000x128xf32>
    %add3A_35 = arith.addf %dot_general3A_29, %dot_general3A_34 : vector<2000x128xf32>
    %get3A_36 = arith.constant 0 : index
    %get3A_37 = arith.constant 0 : index
    %get3A_38 = vector.load %arg6[%get3A_36, %get3A_37] : memref<1x128xf32, #tpu.memory_space<vmem>>, vector<1x128xf32>
    %add3A_39 = vector.broadcast %get3A_38 : vector<1x128xf32> to vector<2000x128xf32>
    %add3A_40 = arith.addf %add3A_35, %add3A_39 : vector<2000x128xf32>
    %max3A_41 = arith.constant 0.000000e+00 : f32
    %max3A_42 = vector.broadcast %max3A_41 : f32 to vector<2000x128xf32>
    %max3A_43 = arith.maximumf %add3A_40, %max3A_42 : vector<2000x128xf32>
    %get3A_44 = arith.constant 0 : index
    %get3A_45 = arith.constant 0 : index
    %get3A_46 = vector.load %arg7[%get3A_44, %get3A_45] : memref<128x128xf32, #tpu.memory_space<vmem>>, vector<128x128xf32>
    %dot_general3A_47 = arith.constant dense<0.000000e+00> : vector<2000x128xf32>
    %dot_general3A_48 = tpu.matmul %max3A_43, %get3A_46, %dot_general3A_47 {dimension_numbers = #tpu.dot_dimension_numbers<[1], [0], [0], [1], [0, 0, 1, 1], [], []>, transpose_lhs_hint = false} : vector<2000x128xf32>, vector<128x128xf32>, vector<2000x128xf32> -> vector<2000x128xf32>
    %get3A_49 = arith.constant 0 : index
    %get3A_50 = arith.constant 0 : index
    %get3A_51 = vector.load %arg8[%get3A_49, %get3A_50] : memref<1x128xf32, #tpu.memory_space<vmem>>, vector<1x128xf32>
    %add3A_52 = vector.broadcast %get3A_51 : vector<1x128xf32> to vector<2000x128xf32>
    %add3A_53 = arith.addf %dot_general3A_48, %add3A_52 : vector<2000x128xf32>
    %max3A_54 = arith.constant 0.000000e+00 : f32
    %max3A_55 = vector.broadcast %max3A_54 : f32 to vector<2000x128xf32>
    %max3A_56 = arith.maximumf %add3A_53, %max3A_55 : vector<2000x128xf32>
    %swap3A = arith.constant 0 : index
    %swap3A_57 = arith.constant 0 : index
    %swap3A_58 = vector.load %arg9[%swap3A, %swap3A_57] : memref<2000x128xf32, #tpu.memory_space<vmem>>, vector<2000x128xf32>
    tpu.vector_store %arg9[%swap3A, %swap3A_57], %max3A_56 {strides = array<i32>} : memref<2000x128xf32, #tpu.memory_space<vmem>>, vector<2000x128xf32>,
    return
  }
  func.func @transform_0(%arg0: i32) -> (i32, i32) {
    %c0_i32 = arith.constant 0 : i32
    %c0_i32_0 = arith.constant 0 : i32
    return %arg0, %c0_i32 : i32, i32
  }
  func.func @transform_1(%arg0: i32) -> (i32, i32, i32) {
    %c0_i32 = arith.constant 0 : i32
    %c0_i32_0 = arith.constant 0 : i32
    %c0_i32_1 = arith.constant 0 : i32
    return %c0_i32, %arg0, %c0_i32_0 : i32, i32, i32
  }
  func.func @transform_2(%arg0: i32) -> (i32, i32, i32) {
    %c0_i32 = arith.constant 0 : i32
    %c0_i32_0 = arith.constant 0 : i32
    %c0_i32_1 = arith.constant 0 : i32
    return %c0_i32, %arg0, %c0_i32_0 : i32, i32, i32
  }
  func.func @transform_3(%arg0: i32) -> (i32, i32) {
    %c0_i32 = arith.constant 0 : i32
    %c0_i32_0 = arith.constant 0 : i32
    %c0_i32_1 = arith.constant 0 : i32
    return %c0_i32, %c0_i32_0 : i32, i32
  }
  func.func @transform_4(%arg0: i32) -> (i32, i32) {
    %c0_i32 = arith.constant 0 : i32
    %c0_i32_0 = arith.constant 0 : i32
    %c0_i32_1 = arith.constant 0 : i32
    return %c0_i32, %c0_i32_0 : i32, i32
  }
  func.func @transform_5(%arg0: i32) -> (i32, i32) {
    %c0_i32 = arith.constant 0 : i32
    %c0_i32_0 = arith.constant 0 : i32
    %c0_i32_1 = arith.constant 0 : i32
    return %c0_i32, %c0_i32_0 : i32, i32
  }
  func.func @transform_6(%arg0: i32) -> (i32, i32) {
    %c0_i32 = arith.constant 0 : i32
    %c0_i32_0 = arith.constant 0 : i32
    %c0_i32_1 = arith.constant 0 : i32
    return %c0_i32, %c0_i32_0 : i32, i32
  }
  func.func @transform_7(%arg0: i32) -> (i32, i32) {
    %c0_i32 = arith.constant 0 : i32
    %c0_i32_0 = arith.constant 0 : i32
    %c0_i32_1 = arith.constant 0 : i32
    return %c0_i32, %c0_i32_0 : i32, i32
  }
  func.func @transform_8(%arg0: i32) -> (i32, i32) {
    %c0_i32 = arith.constant 0 : i32
    %c0_i32_0 = arith.constant 0 : i32
    return %arg0, %c0_i32 : i32, i32
  }
}

module attributes {stable_mosaic.version = 14 : i64} {
  func.func @body(%arg0: i32, %arg1: memref<3200x128xf32, #tpu.memory_space<vmem>>, %arg2: memref<3200x128xf32, #tpu.memory_space<vmem>>, %arg3: memref<3200x128xf32, #tpu.memory_space<vmem>>, %arg4: memref<128x128xf32, #tpu.memory_space<vmem>>, %arg5: memref<128x128xf32, #tpu.memory_space<vmem>>, %arg6: memref<128x128xf32, #tpu.memory_space<vmem>>, %arg7: memref<1x128xf32, #tpu.memory_space<vmem>>, %arg8: memref<128x128xf32, #tpu.memory_space<vmem>>, %arg9: memref<1x128xf32, #tpu.memory_space<vmem>>, %arg10: memref<128x128xf32, #tpu.memory_space<vmem>>, %arg11: memref<128x128xf32, #tpu.memory_space<vmem>>, %arg12: memref<1x128xf32, #tpu.memory_space<vmem>>, %arg13: memref<128x128xf32, #tpu.memory_space<vmem>>, %arg14: memref<1x128xf32, #tpu.memory_space<vmem>>, %arg15: memref<3200x128xf32, #tpu.memory_space<vmem>>) attributes {dimension_semantics = [#tpu.dimension_semantics<arbitrary>], iteration_bounds = array<i64: 100>, scalar_prefetch = 0 : i64, scratch_operands = 0 : i64, tpu.core_type = #tpu.core_type<tc>, window_params = [{transform_indices = @transform_0, window_bounds = array<i64: 3200, 128>}, {transform_indices = @transform_1, window_bounds = array<i64: 3200, 128>}, {transform_indices = @transform_2, window_bounds = array<i64: 3200, 128>}, {pipeline_mode = #tpu.pipeline_mode<synchronous>, transform_indices = @transform_3, window_bounds = array<i64: 128, 128>}, {pipeline_mode = #tpu.pipeline_mode<synchronous>, transform_indices = @transform_4, window_bounds = array<i64: 128, 128>}, {pipeline_mode = #tpu.pipeline_mode<synchronous>, transform_indices = @transform_5, window_bounds = array<i64: 128, 128>}, {pipeline_mode = #tpu.pipeline_mode<synchronous>, transform_indices = @transform_6, window_bounds = array<i64: 1, 128>}, {pipeline_mode = #tpu.pipeline_mode<synchronous>, transform_indices = @transform_7, window_bounds = array<i64: 128, 128>}, {pipeline_mode = #tpu.pipeline_mode<synchronous>, transform_indices = @transform_8, window_bounds = array<i64: 1, 128>}, {pipeline_mode = #tpu.pipeline_mode<synchronous>, transform_indices = @transform_9, window_bounds = array<i64: 128, 128>}, {pipeline_mode = #tpu.pipeline_mode<synchronous>, transform_indices = @transform_10, window_bounds = array<i64: 128, 128>}, {pipeline_mode = #tpu.pipeline_mode<synchronous>, transform_indices = @transform_11, window_bounds = array<i64: 1, 128>}, {pipeline_mode = #tpu.pipeline_mode<synchronous>, transform_indices = @transform_12, window_bounds = array<i64: 128, 128>}, {pipeline_mode = #tpu.pipeline_mode<synchronous>, transform_indices = @transform_13, window_bounds = array<i64: 1, 128>}, {transform_indices = @transform_14, window_bounds = array<i64: 3200, 128>}]} {
    %get3A = arith.constant 0 : index
    %get3A_0 = arith.constant 0 : index
    %get3A_1 = vector.load %arg1[%get3A, %get3A_0] : memref<3200x128xf32, #tpu.memory_space<vmem>>, vector<3200x128xf32>
    %get3A_2 = arith.constant 0 : index
    %get3A_3 = arith.constant 0 : index
    %get3A_4 = vector.load %arg2[%get3A_2, %get3A_3] : memref<3200x128xf32, #tpu.memory_space<vmem>>, vector<3200x128xf32>
    %get3A_5 = arith.constant 0 : index
    %get3A_6 = arith.constant 0 : index
    %get3A_7 = vector.load %arg4[%get3A_5, %get3A_6] : memref<128x128xf32, #tpu.memory_space<vmem>>, vector<128x128xf32>
    %dot_general3A = arith.constant dense<0.000000e+00> : vector<3200x128xf32>
    %dot_general3A_8 = tpu.matmul %get3A_1, %get3A_7, %dot_general3A {dimension_numbers = #tpu.dot_dimension_numbers<[1], [0], [0], [1], [0, 0, 1, 1], [], []>, transpose_lhs_hint = false} : vector<3200x128xf32>, vector<128x128xf32>, vector<3200x128xf32> -> vector<3200x128xf32>
    %get3A_9 = arith.constant 0 : index
    %get3A_10 = arith.constant 0 : index
    %get3A_11 = vector.load %arg5[%get3A_9, %get3A_10] : memref<128x128xf32, #tpu.memory_space<vmem>>, vector<128x128xf32>
    %dot_general3A_12 = arith.constant dense<0.000000e+00> : vector<3200x128xf32>
    %dot_general3A_13 = tpu.matmul %get3A_4, %get3A_11, %dot_general3A_12 {dimension_numbers = #tpu.dot_dimension_numbers<[1], [0], [0], [1], [0, 0, 1, 1], [], []>, transpose_lhs_hint = false} : vector<3200x128xf32>, vector<128x128xf32>, vector<3200x128xf32> -> vector<3200x128xf32>
    %add3A = arith.addf %dot_general3A_8, %dot_general3A_13 : vector<3200x128xf32>
    %get3A_14 = arith.constant 0 : index
    %get3A_15 = arith.constant 0 : index
    %get3A_16 = vector.load %arg3[%get3A_14, %get3A_15] : memref<3200x128xf32, #tpu.memory_space<vmem>>, vector<3200x128xf32>
    %get3A_17 = arith.constant 0 : index
    %get3A_18 = arith.constant 0 : index
    %get3A_19 = vector.load %arg6[%get3A_17, %get3A_18] : memref<128x128xf32, #tpu.memory_space<vmem>>, vector<128x128xf32>
    %dot_general3A_20 = arith.constant dense<0.000000e+00> : vector<3200x128xf32>
    %dot_general3A_21 = tpu.matmul %get3A_16, %get3A_19, %dot_general3A_20 {dimension_numbers = #tpu.dot_dimension_numbers<[1], [0], [0], [1], [0, 0, 1, 1], [], []>, transpose_lhs_hint = false} : vector<3200x128xf32>, vector<128x128xf32>, vector<3200x128xf32> -> vector<3200x128xf32>
    %add3A_22 = arith.addf %add3A, %dot_general3A_21 : vector<3200x128xf32>
    %get3A_23 = arith.constant 0 : index
    %get3A_24 = arith.constant 0 : index
    %get3A_25 = vector.load %arg7[%get3A_23, %get3A_24] : memref<1x128xf32, #tpu.memory_space<vmem>>, vector<1x128xf32>
    %add3A_26 = vector.broadcast %get3A_25 : vector<1x128xf32> to vector<3200x128xf32>
    %add3A_27 = arith.addf %add3A_22, %add3A_26 : vector<3200x128xf32>
    %max3A = arith.constant 0.000000e+00 : f32
    %max3A_28 = vector.broadcast %max3A : f32 to vector<3200x128xf32>
    %max3A_29 = arith.maximumf %add3A_27, %max3A_28 : vector<3200x128xf32>
    %get3A_30 = arith.constant 0 : index
    %get3A_31 = arith.constant 0 : index
    %get3A_32 = vector.load %arg8[%get3A_30, %get3A_31] : memref<128x128xf32, #tpu.memory_space<vmem>>, vector<128x128xf32>
    %dot_general3A_33 = arith.constant dense<0.000000e+00> : vector<3200x128xf32>
    %dot_general3A_34 = tpu.matmul %max3A_29, %get3A_32, %dot_general3A_33 {dimension_numbers = #tpu.dot_dimension_numbers<[1], [0], [0], [1], [0, 0, 1, 1], [], []>, transpose_lhs_hint = false} : vector<3200x128xf32>, vector<128x128xf32>, vector<3200x128xf32> -> vector<3200x128xf32>
    %get3A_35 = arith.constant 0 : index
    %get3A_36 = arith.constant 0 : index
    %get3A_37 = vector.load %arg9[%get3A_35, %get3A_36] : memref<1x128xf32, #tpu.memory_space<vmem>>, vector<1x128xf32>
    %add3A_38 = vector.broadcast %get3A_37 : vector<1x128xf32> to vector<3200x128xf32>
    %add3A_39 = arith.addf %dot_general3A_34, %add3A_38 : vector<3200x128xf32>
    %get3A_40 = arith.constant 0 : index
    %get3A_41 = arith.constant 0 : index
    %get3A_42 = vector.load %arg10[%get3A_40, %get3A_41] : memref<128x128xf32, #tpu.memory_space<vmem>>, vector<128x128xf32>
    %dot_general3A_43 = arith.constant dense<0.000000e+00> : vector<3200x128xf32>
    %dot_general3A_44 = tpu.matmul %get3A_4, %get3A_42, %dot_general3A_43 {dimension_numbers = #tpu.dot_dimension_numbers<[1], [0], [0], [1], [0, 0, 1, 1], [], []>, transpose_lhs_hint = false} : vector<3200x128xf32>, vector<128x128xf32>, vector<3200x128xf32> -> vector<3200x128xf32>
    %get3A_45 = arith.constant 0 : index
    %get3A_46 = arith.constant 0 : index
    %get3A_47 = vector.load %arg11[%get3A_45, %get3A_46] : memref<128x128xf32, #tpu.memory_space<vmem>>, vector<128x128xf32>
    %dot_general3A_48 = arith.constant dense<0.000000e+00> : vector<3200x128xf32>
    %dot_general3A_49 = tpu.matmul %add3A_39, %get3A_47, %dot_general3A_48 {dimension_numbers = #tpu.dot_dimension_numbers<[1], [0], [0], [1], [0, 0, 1, 1], [], []>, transpose_lhs_hint = false} : vector<3200x128xf32>, vector<128x128xf32>, vector<3200x128xf32> -> vector<3200x128xf32>
    %add3A_50 = arith.addf %dot_general3A_44, %dot_general3A_49 : vector<3200x128xf32>
    %get3A_51 = arith.constant 0 : index
    %get3A_52 = arith.constant 0 : index
    %get3A_53 = vector.load %arg12[%get3A_51, %get3A_52] : memref<1x128xf32, #tpu.memory_space<vmem>>, vector<1x128xf32>
    %add3A_54 = vector.broadcast %get3A_53 : vector<1x128xf32> to vector<3200x128xf32>
    %add3A_55 = arith.addf %add3A_50, %add3A_54 : vector<3200x128xf32>
    %max3A_56 = arith.constant 0.000000e+00 : f32
    %max3A_57 = vector.broadcast %max3A_56 : f32 to vector<3200x128xf32>
    %max3A_58 = arith.maximumf %add3A_55, %max3A_57 : vector<3200x128xf32>
    %get3A_59 = arith.constant 0 : index
    %get3A_60 = arith.constant 0 : index
    %get3A_61 = vector.load %arg13[%get3A_59, %get3A_60] : memref<128x128xf32, #tpu.memory_space<vmem>>, vector<128x128xf32>
    %dot_general3A_62 = arith.constant dense<0.000000e+00> : vector<3200x128xf32>
    %dot_general3A_63 = tpu.matmul %max3A_58, %get3A_61, %dot_general3A_62 {dimension_numbers = #tpu.dot_dimension_numbers<[1], [0], [0], [1], [0, 0, 1, 1], [], []>, transpose_lhs_hint = false} : vector<3200x128xf32>, vector<128x128xf32>, vector<3200x128xf32> -> vector<3200x128xf32>
    %get3A_64 = arith.constant 0 : index
    %get3A_65 = arith.constant 0 : index
    %get3A_66 = vector.load %arg14[%get3A_64, %get3A_65] : memref<1x128xf32, #tpu.memory_space<vmem>>, vector<1x128xf32>
    %add3A_67 = vector.broadcast %get3A_66 : vector<1x128xf32> to vector<3200x128xf32>
    %add3A_68 = arith.addf %dot_general3A_63, %add3A_67 : vector<3200x128xf32>
    %swap3A = arith.constant 0 : index
    %swap3A_69 = arith.constant 0 : index
    %swap3A_70 = vector.load %arg15[%swap3A, %swap3A_69] : memref<3200x128xf32, #tpu.memory_space<vmem>>, vector<3200x128xf32>
    tpu.vector_store %arg15[%swap3A, %swap3A_69], %add3A_68 {strides = array<i32>} : memref<3200x128xf32, #tpu.memory_space<vmem>>, vector<3200x128xf32>,
    return
  }
  func.func @transform_0(%arg0: i32) -> (i32, i32) {
    %c0_i32 = arith.constant 0 : i32
    %c0_i32_0 = arith.constant 0 : i32
    return %arg0, %c0_i32 : i32, i32
  }
  func.func @transform_1(%arg0: i32) -> (i32, i32) {
    %c0_i32 = arith.constant 0 : i32
    %c0_i32_0 = arith.constant 0 : i32
    return %arg0, %c0_i32 : i32, i32
  }
  func.func @transform_2(%arg0: i32) -> (i32, i32) {
    %c0_i32 = arith.constant 0 : i32
    %c0_i32_0 = arith.constant 0 : i32
    return %arg0, %c0_i32 : i32, i32
  }
  func.func @transform_3(%arg0: i32) -> (i32, i32) {
    %c0_i32 = arith.constant 0 : i32
    %c0_i32_0 = arith.constant 0 : i32
    %c0_i32_1 = arith.constant 0 : i32
    return %c0_i32, %c0_i32_0 : i32, i32
  }
  func.func @transform_4(%arg0: i32) -> (i32, i32) {
    %c0_i32 = arith.constant 0 : i32
    %c0_i32_0 = arith.constant 0 : i32
    %c0_i32_1 = arith.constant 0 : i32
    return %c0_i32, %c0_i32_0 : i32, i32
  }
  func.func @transform_5(%arg0: i32) -> (i32, i32) {
    %c0_i32 = arith.constant 0 : i32
    %c0_i32_0 = arith.constant 0 : i32
    %c0_i32_1 = arith.constant 0 : i32
    return %c0_i32, %c0_i32_0 : i32, i32
  }
  func.func @transform_6(%arg0: i32) -> (i32, i32) {
    %c0_i32 = arith.constant 0 : i32
    %c0_i32_0 = arith.constant 0 : i32
    %c0_i32_1 = arith.constant 0 : i32
    return %c0_i32, %c0_i32_0 : i32, i32
  }
  func.func @transform_7(%arg0: i32) -> (i32, i32) {
    %c0_i32 = arith.constant 0 : i32
    %c0_i32_0 = arith.constant 0 : i32
    %c0_i32_1 = arith.constant 0 : i32
    return %c0_i32, %c0_i32_0 : i32, i32
  }
  func.func @transform_8(%arg0: i32) -> (i32, i32) {
    %c0_i32 = arith.constant 0 : i32
    %c0_i32_0 = arith.constant 0 : i32
    %c0_i32_1 = arith.constant 0 : i32
    return %c0_i32, %c0_i32_0 : i32, i32
  }
  func.func @transform_9(%arg0: i32) -> (i32, i32) {
    %c0_i32 = arith.constant 0 : i32
    %c0_i32_0 = arith.constant 0 : i32
    %c0_i32_1 = arith.constant 0 : i32
    return %c0_i32, %c0_i32_0 : i32, i32
  }
  func.func @transform_10(%arg0: i32) -> (i32, i32) {
    %c0_i32 = arith.constant 0 : i32
    %c0_i32_0 = arith.constant 0 : i32
    %c0_i32_1 = arith.constant 0 : i32
    return %c0_i32, %c0_i32_0 : i32, i32
  }
  func.func @transform_11(%arg0: i32) -> (i32, i32) {
    %c0_i32 = arith.constant 0 : i32
    %c0_i32_0 = arith.constant 0 : i32
    %c0_i32_1 = arith.constant 0 : i32
    return %c0_i32, %c0_i32_0 : i32, i32
  }
  func.func @transform_12(%arg0: i32) -> (i32, i32) {
    %c0_i32 = arith.constant 0 : i32
    %c0_i32_0 = arith.constant 0 : i32
    %c0_i32_1 = arith.constant 0 : i32
    return %c0_i32, %c0_i32_0 : i32, i32
  }
  func.func @transform_13(%arg0: i32) -> (i32, i32) {
    %c0_i32 = arith.constant 0 : i32
    %c0_i32_0 = arith.constant 0 : i32
    %c0_i32_1 = arith.constant 0 : i32
    return %c0_i32, %c0_i32_0 : i32, i32
  }
  func.func @transform_14(%arg0: i32) -> (i32, i32) {
    %c0_i32 = arith.constant 0 : i32
    %c0_i32_0 = arith.constant 0 : i32
    return %arg0, %c0_i32 : i32, i32
  }
}

module attributes {stable_mosaic.version = 14 : i64} {
  func.func @body(%arg0: i32, %arg1: memref<2000x128xf32, #tpu.memory_space<vmem>>, %arg2: memref<2x2000x128xf32, #tpu.memory_space<vmem>>, %arg3: memref<2x2000x128xf32, #tpu.memory_space<vmem>>, %arg4: memref<128x128xf32, #tpu.memory_space<vmem>>, %arg5: memref<128x128xf32, #tpu.memory_space<vmem>>, %arg6: memref<1x128xf32, #tpu.memory_space<vmem>>, %arg7: memref<128x128xf32, #tpu.memory_space<vmem>>, %arg8: memref<1x128xf32, #tpu.memory_space<vmem>>, %arg9: memref<2000x128xf32, #tpu.memory_space<vmem>>) attributes {dimension_semantics = [#tpu.dimension_semantics<arbitrary>], iteration_bounds = array<i64: 5>, scalar_prefetch = 0 : i64, scratch_operands = 0 : i64, tpu.core_type = #tpu.core_type<tc>, window_params = [{transform_indices = @transform_0, window_bounds = array<i64: 2000, 128>}, {transform_indices = @transform_1, window_bounds = array<i64: 2, 2000, 128>}, {transform_indices = @transform_2, window_bounds = array<i64: 2, 2000, 128>}, {pipeline_mode = #tpu.pipeline_mode<synchronous>, transform_indices = @transform_3, window_bounds = array<i64: 128, 128>}, {pipeline_mode = #tpu.pipeline_mode<synchronous>, transform_indices = @transform_4, window_bounds = array<i64: 128, 128>}, {pipeline_mode = #tpu.pipeline_mode<synchronous>, transform_indices = @transform_5, window_bounds = array<i64: 1, 128>}, {pipeline_mode = #tpu.pipeline_mode<synchronous>, transform_indices = @transform_6, window_bounds = array<i64: 128, 128>}, {pipeline_mode = #tpu.pipeline_mode<synchronous>, transform_indices = @transform_7, window_bounds = array<i64: 1, 128>}, {transform_indices = @transform_8, window_bounds = array<i64: 2000, 128>}]} {
    %get3A = arith.constant 0 : index
    %get3A_0 = arith.constant 0 : index
    %get3A_1 = arith.constant 0 : index
    %get3A_2 = vector.load %arg2[%get3A, %get3A_0, %get3A_1] : memref<2x2000x128xf32, #tpu.memory_space<vmem>>, vector<1x2000x128xf32>
    %get3A_3 = vector.shape_cast %get3A_2 : vector<1x2000x128xf32> to vector<2000x128xf32>
    %get3A_4 = arith.constant 1 : index
    %get3A_5 = arith.constant 0 : index
    %get3A_6 = arith.constant 0 : index
    %get3A_7 = vector.load %arg2[%get3A_4, %get3A_5, %get3A_6] : memref<2x2000x128xf32, #tpu.memory_space<vmem>>, vector<1x2000x128xf32>
    %get3A_8 = vector.shape_cast %get3A_7 : vector<1x2000x128xf32> to vector<2000x128xf32>
    %add3A = arith.addf %get3A_3, %get3A_8 : vector<2000x128xf32>
    %get3A_9 = arith.constant 0 : index
    %get3A_10 = arith.constant 0 : index
    %get3A_11 = arith.constant 0 : index
    %get3A_12 = vector.load %arg3[%get3A_9, %get3A_10, %get3A_11] : memref<2x2000x128xf32, #tpu.memory_space<vmem>>, vector<1x2000x128xf32>
    %get3A_13 = vector.shape_cast %get3A_12 : vector<1x2000x128xf32> to vector<2000x128xf32>
    %get3A_14 = arith.constant 1 : index
    %get3A_15 = arith.constant 0 : index
    %get3A_16 = arith.constant 0 : index
    %get3A_17 = vector.load %arg3[%get3A_14, %get3A_15, %get3A_16] : memref<2x2000x128xf32, #tpu.memory_space<vmem>>, vector<1x2000x128xf32>
    %get3A_18 = vector.shape_cast %get3A_17 : vector<1x2000x128xf32> to vector<2000x128xf32>
    %add3A_19 = arith.addf %get3A_13, %get3A_18 : vector<2000x128xf32>
    %slice3A = vector.extract_strided_slice %add3A_19 {offsets = [0, 0], sizes = [2000, 1], strides = [1, 1]} : vector<2000x128xf32> to vector<2000x1xf32>
    %max3A = arith.constant 1.000000e+00 : f32
    %max3A_20 = vector.broadcast %max3A : f32 to vector<2000x1xf32>
    %max3A_21 = arith.maximumf %slice3A, %max3A_20 : vector<2000x1xf32>
    %div3A = vector.broadcast %max3A_21 : vector<2000x1xf32> to vector<2000x128xf32>
    %div3A_22 = arith.divf %add3A, %div3A : vector<2000x128xf32>
    %get3A_23 = arith.constant 0 : index
    %get3A_24 = arith.constant 0 : index
    %get3A_25 = vector.load %arg1[%get3A_23, %get3A_24] : memref<2000x128xf32, #tpu.memory_space<vmem>>, vector<2000x128xf32>
    %get3A_26 = arith.constant 0 : index
    %get3A_27 = arith.constant 0 : index
    %get3A_28 = vector.load %arg4[%get3A_26, %get3A_27] : memref<128x128xf32, #tpu.memory_space<vmem>>, vector<128x128xf32>
    %dot_general3A = arith.constant dense<0.000000e+00> : vector<2000x128xf32>
    %dot_general3A_29 = tpu.matmul %get3A_25, %get3A_28, %dot_general3A {dimension_numbers = #tpu.dot_dimension_numbers<[1], [0], [0], [1], [0, 0, 1, 1], [], []>, transpose_lhs_hint = false} : vector<2000x128xf32>, vector<128x128xf32>, vector<2000x128xf32> -> vector<2000x128xf32>
    %get3A_30 = arith.constant 0 : index
    %get3A_31 = arith.constant 0 : index
    %get3A_32 = vector.load %arg5[%get3A_30, %get3A_31] : memref<128x128xf32, #tpu.memory_space<vmem>>, vector<128x128xf32>
    %dot_general3A_33 = arith.constant dense<0.000000e+00> : vector<2000x128xf32>
    %dot_general3A_34 = tpu.matmul %div3A_22, %get3A_32, %dot_general3A_33 {dimension_numbers = #tpu.dot_dimension_numbers<[1], [0], [0], [1], [0, 0, 1, 1], [], []>, transpose_lhs_hint = false} : vector<2000x128xf32>, vector<128x128xf32>, vector<2000x128xf32> -> vector<2000x128xf32>
    %add3A_35 = arith.addf %dot_general3A_29, %dot_general3A_34 : vector<2000x128xf32>
    %get3A_36 = arith.constant 0 : index
    %get3A_37 = arith.constant 0 : index
    %get3A_38 = vector.load %arg6[%get3A_36, %get3A_37] : memref<1x128xf32, #tpu.memory_space<vmem>>, vector<1x128xf32>
    %add3A_39 = vector.broadcast %get3A_38 : vector<1x128xf32> to vector<2000x128xf32>
    %add3A_40 = arith.addf %add3A_35, %add3A_39 : vector<2000x128xf32>
    %max3A_41 = arith.constant 0.000000e+00 : f32
    %max3A_42 = vector.broadcast %max3A_41 : f32 to vector<2000x128xf32>
    %max3A_43 = arith.maximumf %add3A_40, %max3A_42 : vector<2000x128xf32>
    %get3A_44 = arith.constant 0 : index
    %get3A_45 = arith.constant 0 : index
    %get3A_46 = vector.load %arg7[%get3A_44, %get3A_45] : memref<128x128xf32, #tpu.memory_space<vmem>>, vector<128x128xf32>
    %dot_general3A_47 = arith.constant dense<0.000000e+00> : vector<2000x128xf32>
    %dot_general3A_48 = tpu.matmul %max3A_43, %get3A_46, %dot_general3A_47 {dimension_numbers = #tpu.dot_dimension_numbers<[1], [0], [0], [1], [0, 0, 1, 1], [], []>, transpose_lhs_hint = false} : vector<2000x128xf32>, vector<128x128xf32>, vector<2000x128xf32> -> vector<2000x128xf32>
    %get3A_49 = arith.constant 0 : index
    %get3A_50 = arith.constant 0 : index
    %get3A_51 = vector.load %arg8[%get3A_49, %get3A_50] : memref<1x128xf32, #tpu.memory_space<vmem>>, vector<1x128xf32>
    %add3A_52 = vector.broadcast %get3A_51 : vector<1x128xf32> to vector<2000x128xf32>
    %add3A_53 = arith.addf %dot_general3A_48, %add3A_52 : vector<2000x128xf32>
    %swap3A = arith.constant 0 : index
    %swap3A_54 = arith.constant 0 : index
    %swap3A_55 = vector.load %arg9[%swap3A, %swap3A_54] : memref<2000x128xf32, #tpu.memory_space<vmem>>, vector<2000x128xf32>
    tpu.vector_store %arg9[%swap3A, %swap3A_54], %add3A_53 {strides = array<i32>} : memref<2000x128xf32, #tpu.memory_space<vmem>>, vector<2000x128xf32>,
    return
  }
  func.func @transform_0(%arg0: i32) -> (i32, i32) {
    %c0_i32 = arith.constant 0 : i32
    %c0_i32_0 = arith.constant 0 : i32
    return %arg0, %c0_i32 : i32, i32
  }
  func.func @transform_1(%arg0: i32) -> (i32, i32, i32) {
    %c0_i32 = arith.constant 0 : i32
    %c0_i32_0 = arith.constant 0 : i32
    %c0_i32_1 = arith.constant 0 : i32
    return %c0_i32, %arg0, %c0_i32_0 : i32, i32, i32
  }
  func.func @transform_2(%arg0: i32) -> (i32, i32, i32) {
    %c0_i32 = arith.constant 0 : i32
    %c0_i32_0 = arith.constant 0 : i32
    %c0_i32_1 = arith.constant 0 : i32
    return %c0_i32, %arg0, %c0_i32_0 : i32, i32, i32
  }
  func.func @transform_3(%arg0: i32) -> (i32, i32) {
    %c0_i32 = arith.constant 0 : i32
    %c0_i32_0 = arith.constant 0 : i32
    %c0_i32_1 = arith.constant 0 : i32
    return %c0_i32, %c0_i32_0 : i32, i32
  }
  func.func @transform_4(%arg0: i32) -> (i32, i32) {
    %c0_i32 = arith.constant 0 : i32
    %c0_i32_0 = arith.constant 0 : i32
    %c0_i32_1 = arith.constant 0 : i32
    return %c0_i32, %c0_i32_0 : i32, i32
  }
  func.func @transform_5(%arg0: i32) -> (i32, i32) {
    %c0_i32 = arith.constant 0 : i32
    %c0_i32_0 = arith.constant 0 : i32
    %c0_i32_1 = arith.constant 0 : i32
    return %c0_i32, %c0_i32_0 : i32, i32
  }
  func.func @transform_6(%arg0: i32) -> (i32, i32) {
    %c0_i32 = arith.constant 0 : i32
    %c0_i32_0 = arith.constant 0 : i32
    %c0_i32_1 = arith.constant 0 : i32
    return %c0_i32, %c0_i32_0 : i32, i32
  }
  func.func @transform_7(%arg0: i32) -> (i32, i32) {
    %c0_i32 = arith.constant 0 : i32
    %c0_i32_0 = arith.constant 0 : i32
    %c0_i32_1 = arith.constant 0 : i32
    return %c0_i32, %c0_i32_0 : i32, i32
  }
  func.func @transform_8(%arg0: i32) -> (i32, i32) {
    %c0_i32 = arith.constant 0 : i32
    %c0_i32_0 = arith.constant 0 : i32
    return %arg0, %c0_i32 : i32, i32
  }
}

</mosaic_0001>

<sc_bundles>
// kernel: kernel.11.cloned.1.call-start
scs
__scs_entry_jumppad:
0x0: {  	(pc) =	sbr.rel $0x88, $3  }
0x1: {  	(tag) =	ssettag $0x0;
	lr =	simm.s32 $0x1  }
0x2: {  	[smem:$0x3F86] =	sst lr;
	_ =	strace $0xD0000000  }
0x3: {  	_ = 	snop  }
0x4: {  	_ = 	snop  }
0x5: {  	_ = 	snop  }
0x6: {  	_ = 	snop  }
0x7: {  	_ = 	snop  }
__scs_overlays_trampoline_lowered:
0x8: {  	[smem:$0x3F95] =	sst s0  }
0x9: {  	[smem:$0x3F96] =	sst s1  }
0xa: {  	[smem:$0x3F97] =	sst s2  }
0xb: {  	[smem:$0x3F98] =	sst s3  }
0xc: {  	[smem:$0x3F99] =	sst s4  }
0xd: {  	[smem:$0x3F9A] =	sst s5  }
0xe: {  	[smem:$0x3F9B] =	sst s6  }
0xf: {  	[smem:$0x3F9C] =	sst s7  }
0x10: {  	[smem:$0x3F9D] =	sst s8  }
0x11: {  	[smem:$0x3F9E] =	sst s9;
	s0 =	simm.s32 @!p0 $0x0  }
0x12: {  	s1 =	sld [smem:$0x3F84];
	s0 =	simm.s32 @p0 $0x1  }
0x13: {  	[smem:$0x3F9F] =	sst s0;
	s0 =	simm.s32 @!p1 $0x0  }
0x14: {  	s2 =	sld [smem:$0x3F83];
	s0 =	simm.s32 @p1 $0x1  }
0x15: {  	[smem:$0x3FA0] =	sst s0;
	s0 =	simm.s32 @!p2 $0x0  }
0x16: {  	s3 =	sld [smem:$0x3FDB];
	s0 =	simm.s32 @p2 $0x1  }
0x17: {  	s4 =	simm.s32 $0x1BF5;
	[smem:$0x3FA2] =	sst s0  }
0x18: {  	s0 =	sld [smem:$0x3F85];
	_ =	swait.ge [sflag:s4], $0x0  }
0x19: {  	s7 =	sld [smem:$0x3F86]  }
0x1a: {  	s8 =	sadd.s32 $0xFFFFE003, lr  }
0x1b: {  	s9 =	sadd.s32 $0xFFFFFEF7, lr;
	s5 =	simm.s32 $0xFFFFFFFF;
	p2 =	slt.u32 s8, $0xFFFFF086  }
0x1c: {  	p1 =	slt.u32 s9, $0xF7A;
	s5 =	simm.s32 @!p2 $0x0  }
0x1d: {  	s5 =	simm.s32 @p1 $0x1;
	p0 =	seq.s32 s7, s2  }
0x1e: {  	s7 =	smul.u32 @!p0 $0xF7A, s2;
	p2 =	seq.s32 @!p0 s5, $0x0  }
0x1f: {  	s9 =	smul.u32 $0xF7A, s1;
	s8 =	simm.s32 @!p0 $0x1BF5;
	p2 =	por !p2, p0  }
0x20: {  	[sflag:s8] =	ssyncset.s32 @!p0 $0xFFFFF086;
	s6 =	sadd.s32 @!p0 s3, s7;
	s7 =	simm.s32 @!p0 $0x108  }
0x21: {  	s3 =	sadd.s32 s3, s9;
	s6 =	sadd.s32 @!p0 $0x88, s6;
	s7 =	simm.s32 @p2 $0x1082  }
0x22: {  	[simem:s7], [sflag:s8] =	dma.local @!p0 [hbm:s6], $0xF7A  }
0x23: {  	s9 =	sor.u32 $0xD0000000, s2;
	s6 =	simm.s32 $0x108;
	_ =	swait.ge @!p0 [sflag:s8], $0x0  }
0x24: {  	s3 =	sadd.s32 $0x88, s3;
	s6 =	simm.s32 @!p1 $0x1082;
	[sflag:s4] =	ssyncset.s32 $0xFFFFF086  }
0x25: {  	[simem:s6], [sflag:s4] =	dma.local [hbm:s3], $0xF7A  }
0x26: {  	[smem:$0x3F86] =	sst s1;
	(tag) =	ssettag s2;
	_ =	strace s9  }
0x27: {  	s1 =	sld [smem:$0x3F96]  }
0x28: {  	s2 =	sld [smem:$0x3F97]  }
0x29: {  	s4 =	sld [smem:$0x3F99]  }
0x2a: {  	p0 =	seq.s32 s5, $0x0;
	s5 =	sld [smem:$0x3F9A]  }
0x2b: {  	s6 =	sld [smem:$0x3F9B]  }
0x2c: {  	s7 =	sld [smem:$0x3F9C]  }
0x2d: {  	s3 =	simm.s32 $0x108;
	s8 =	sld [smem:$0x3F9D]  }
0x2e: {  	s3 =	simm.s32 @!p0 $0x1082;
	s9 =	sld [smem:$0x3F9E]  }
0x2f: {  	lr =	sadd.s32 s0, s3;
	s0 =	sld [smem:$0x3F95]  }
0x30: {  	s3 =	sld [smem:$0x3F98]  }
0x31: {  	[smem:$0x3FA1] =	sst s10  }
0x32: {  	s10 =	sld [smem:$0x3F9F];
	_ =	sdelay $0x3  }
0x33: {  	p0 =	seq.s32 s10, $0x1;
	s10 =	sld [smem:$0x3FA1];
	_ =	sdelay $0x3  }
0x34: {  	[smem:$0x3FA1] =	sst s10  }
0x35: {  	s10 =	sld [smem:$0x3FA0];
	_ =	sdelay $0x3  }
0x36: {  	p1 =	seq.s32 s10, $0x1;
	s10 =	sld [smem:$0x3FA1];
	_ =	sdelay $0x3  }
0x37: {  	[smem:$0x3FA1] =	sst s10  }
0x38: {  	s10 =	sld [smem:$0x3FA2]  }
0x39: {  	_ = 	snop;
	(pc) =	sbr.ind lr, $3  }
0x3a: {  	_ = 	snop  }
0x3b: {  	_ = 	snop  }
0x3c: {  	p2 =	seq.s32 s10, $0x1;
	s10 =	sld [smem:$0x3FA1]  }
0x3d: {  	_ =	shalt  }
0x3e: {  	_ =	shalt  }
0x3f: {  	_ =	shalt  }
0x40: {  	_ =	shalt  }
0x41: {  	_ =	shalt  }
0x42: {  	_ =	shalt  }
0x43: {  	_ =	shalt  }
0x44: {  	_ =	shalt  }
0x45: {  	_ =	shalt  }
0x46: {  	_ =	shalt  }
0x47: {  	_ =	shalt  }
0x48: {  	_ =	shalt  }
0x49: {  	_ =	shalt  }
0x4a: {  	_ =	shalt  }
0x4b: {  	_ =	shalt  }
0x4c: {  	_ =	shalt  }
0x4d: {  	_ =	shalt  }
0x4e: {  	_ =	shalt  }
0x4f: {  	_ =	shalt  }
0x50: {  	_ =	shalt  }
0x51: {  	_ =	shalt  }
0x52: {  	_ =	shalt  }
0x53: {  	_ =	shalt  }
0x54: {  	_ =	shalt  }
0x55: {  	_ =	shalt  }
0x56: {  	_ =	shalt  }
0x57: {  	_ =	shalt  }
0x58: {  	_ =	shalt  }
0x59: {  	_ =	shalt  }
0x5a: {  	_ =	shalt  }
0x5b: {  	_ =	shalt  }
0x5c: {  	_ =	shalt  }
0x5d: {  	_ =	shalt  }
0x5e: {  	_ =	shalt  }
0x5f: {  	_ =	shalt  }
0x60: {  	_ =	shalt  }
0x61: {  	_ =	shalt  }
0x62: {  	_ =	shalt  }
0x63: {  	_ =	shalt  }
0x64: {  	_ =	shalt  }
0x65: {  	_ =	shalt  }
0x66: {  	_ =	shalt  }
0x67: {  	_ =	shalt  }
0x68: {  	_ =	shalt  }
0x69: {  	_ =	shalt  }
0x6a: {  	_ =	shalt  }
0x6b: {  	_ =	shalt  }
0x6c: {  	_ =	shalt  }
0x6d: {  	_ =	shalt  }
0x6e: {  	_ =	shalt  }
0x6f: {  	_ =	shalt  }
0x70: {  	_ =	shalt  }
0x71: {  	_ =	shalt  }
0x72: {  	_ =	shalt  }
0x73: {  	_ =	shalt  }
0x74: {  	_ =	shalt  }
0x75: {  	_ =	shalt  }
0x76: {  	_ =	shalt  }
0x77: {  	_ =	shalt  }
0x78: {  	_ =	shalt  }
0x79: {  	_ =	shalt  }
0x7a: {  	_ =	shalt  }
0x7b: {  	_ =	shalt  }
0x7c: {  	_ =	shalt  }
0x7d: {  	_ =	shalt  }
0x7e: {  	_ =	shalt  }
0x7f: {  	_ =	shalt  }
0x80: {  	_ =	shalt  }
0x81: {  	_ =	shalt  }
0x82: {  	_ =	shalt  }
0x83: {  	_ =	shalt  }
0x84: {  	_ =	shalt  }
0x85: {  	_ =	shalt  }
0x86: {  	_ =	shalt  }
0x87: {  	_ =	shalt  }
.Lfunc_end0:
.L_simem_size_0:
called_computation_lowered:
.L_overlay_start_0:
0x88: {  	s2 =	sld [smem:$0x3FD9]  }
0x89: {  	s3 =	sld [smem:$0x3FFE];
	_ =	sdelay $0x1  }
0x8a: {  	s1 =	srdreg.scid  }
0x8b: {  	s0 =	sand.u32 $0x1, s1  }
0x8c: {  	s17 =	sshll.u32 s0, $0xA;
	s2 =	sadd.s32 s3, s2  }
0x8d: {  	s2 =	sadd.s32 s2, s17  }
0x8e: {  	[smem:$0x3FAD] =	sst s2  }
0x8f: {  	_ = 	snop  }
0x90: {  	s2 =	sld [smem:$0x3FC9];
	(tm) =	ssettm $0x1  }
0x91: {  	s18 =	sld [smem:$0x3FFB];
	_ =	sdelay $0x3  }
0x92: {  	_ =	strace s18  }
0x93: {  	s3 =	sld [smem:$0x3FFC];
	_ =	sdelay $0x3  }
0x94: {  	_ =	strace s3  }
0x95: {  	s3 =	sld [smem:$0x3FFD];
	_ =	sdelay $0x3  }
0x96: {  	_ =	strace s3  }
0x97: {  	_ =	strace $0x8FFFFFFF  }
0x98: {  	s19 =	sld [smem:$0x3FDB];
	_ =	sdelay $0x1  }
0x99: {  	s4 =	simm.s32 $_scs_section_size  }
0x9a: {  	s5 =	simm.s32 $_size__tile_overlayer_lowered;
	s6 =	simm.s32 $_tile_overlayer_lowered  }
0x9b: {  	s22 =	simm.s32 $0x1BFF;
	s21 =	sshll.u32 s6, $0x1;
	s3 =	sadd.s32 s4, s19  }
0x9c: {  	s7 =	simm.s32 $0x0;
	s20 =	sshll.u32 s5, $0x1;
	s5 =	sadd.s32 s21, s3  }
0x9d: {  	[timem:s7], [sflag:s22] =	dma.local [hbm:s5], s20  }
0x9e: {  	_ =	swait.ge [sflag:s22], s20  }
0x9f: {  	s4 =	ssub.s32 $0x0, s20;
	[sflag:s22] =	ssyncset.done $0x0  }
0xa0: {  	[sflag:s22] =	ssyncadd.s32 s4;
	_ =	sdelay $0x1  }
0xa1: {  	s23 =	simm.s32 $0x1B8B  }
0xa2: {  	_ =	swait.ge [sflag:s23], $0x1  }
0xa3: {  	[sflag:s23] =	ssyncset.done $0x0  }
0xa4: {  	s25 =	simm.s32 $0x1B8E;
	s24 =	sld [smem:$0x3FFE];
	[sflag:s23] =	ssyncadd.s32 $0xFFFFFFFF  }
0xa5: {  	s26 =	simm.s32 $execute0_lowered;
	[smem:$0x3FD2] =	sst s25  }
0xa6: {  	s5 =	sshll.u32 s26, $0x1;
	_ =	strace $0x80000046;
	[dreg:$0x1] =	wrdreg $0xFFFFFFFF  }
0xa7: {  	s28 =	simm.s32 $_size_execute0_lowered;
	s3 =	sadd.s32 s3, s5;
	[dreg:$0x0] =	wrdreg $0x0  }
0xa8: {  	s5 =	sshll.u32 s28, $0x1;
	[dreg:$0x2] =	wrdreg s3  }
0xa9: {  	[dreg:$0x3] =	wrdreg s5  }
0xaa: {  	[dreg:$0x4] =	wrdreg $0xC0  }
0xab: {  	_ =	task [dreg:s7], $0x5FFFF  }
0xac: {  	[dreg:$0x1] =	wrdreg $0xFFFFFFFF  }
0xad: {  	[dreg:$0x0] =	wrdreg $0x60  }
0xae: {  	[dreg:$0x2] =	wrdreg s2  }
0xaf: {  	[dreg:$0x3] =	wrdreg s24  }
0xb0: {  	[dreg:$0x4] =	wrdreg $0x9  }
0xb1: {  	_ =	task.clear_ibuf [dreg:s7], $0x5FFFF;
	_ =	strace $0x90000046  }
0xb2: {  	s29 =	simm.s32 $0x9;
	_ =	strace $0x80000048  }
0xb3: {  	_ =	swait.ge [sflag:s29], $0x1  }
0xb4: {  	[sflag:s29] =	ssyncadd.s32 $0xFFFFFFFF  }
0xb5: {  	_ =	strace $0x90000048  }
0xb6: {  	_ =	sfence  }
0xb7: {  	s30 =	sld [smem:$0x0];
	_ =	sdelay $0x2  }
0xb8: {  	s31 =	sshll.u32 s1, $0xD;
	s1 =	sshrl.u32 s1, $0x2  }
0xb9: {  	s3 =	sand.u32 $0x4000, s31;
	s1 =	sadd.s32 s1, s30  }
0xba: {  	s0 =	sor.u32 s3, s0;
	s1 =	sshll.u32 s1, $0x11  }
0xbb: {  	s0 =	sor.u32 s1, s0  }
0xbc: {  	s0 =	sadd.s32 $0x8F2B, s0  }
0xbd: {  	[sflag:s0] =	ssyncadd.remote.s32 $0x1  }
0xbe: {  	_ =	sfence.sel $0xFFFF  }
0xbf: {  	[dreg:$0x0] =	wrdreg $0xFFFFFFFF;
	(pc) =	sbr.abs _section_cstart, $3  }
0xc0: {  	[dreg:$0x1] =	wrdreg $0xFFFFFFFF  }
0xc1: {  	_ =	task.clear_ibuf [dreg:s7], $0x2FFFF;
	_ =	strace $0x9FFFFFFF  }
0xc2: {  	(tm) =	ssettm $0x7FFFFFFF  }
0xc3: {  	_ =	shalt  }
tec
execute0_lowered:
.L_overlay_start_1:
0x0: {  	(tag) =	ssettag $0x1  }
0x1: {  	s2 =	rddreg [dreg:$0x0]  }
0x2: {  	s0 =	rddreg [dreg:$0x1]  }
0x3: {  	s9 =	stileid.u32;
	s1 =	srdreg.scid;
	s3 =	simm.s32 $0x0  }
0x4: {  	s16 =	simm.s32 $0x80;
	s28 =	simm.s32 $0x9;
	s29 =	simm.s32 $0xA  }
0x5: {  	s30 =	simm.s32 $0x3;
	s31 =	simm.s32 $0x4;
	s6 =	smul.u32 $0x4E200, s9  }
0x6: {  	s1 =	sand.u32 $0x1, s1;
	s4 =	sshll.u32 s9, $0x1;
	s9 =	smul.u32 $0x4E20, s9  }
0x7: {  	[smem:$0x7FF] =	sst s3;
	s5 =	sor.u32 s1, s4;
	s21 =	smul.u32 $0x2710, s1  }
0x8: {  	_ =	strace $0x80000047;
	s19 =	ssub.s32 $0x2, s1;
	s1 =	smul.u32 $0x27100, s1  }
0x9: {  	s4 =	sadd.s32 $0xF400, s0;
	s7 =	smul.u32 $0x2710, s5;
	s8 =	sshrl.u32 s19, $0x1  }
0xa: {  	s5 =	sadd.s32 $0x5600, s0;
	s0 =	sadd.s32 s6, s0;
	s6 =	ssub.s32 s19, s8  }
0xb: {  	s23 =	sadd.s32 s21, s9;
	s0 =	sadd.s32 s1, s0;
	s19 =	simm.s32 $0x2  }
0xc: {  	s21 =	simm.s32 $0x200;
	s8 =	simm.s32 $0x1;
	s9 =	simm.s32 $0x0  }
0xd: {  	s7 =	sshrl.u32 s7, $0x3;
	s6 =	smax.u32 s6, $0x1;
	s24 =	sadd.s32 $0xF0, s23  }
0xe: {  	s11 =	sadd.s32 $0x4FB200, s0;
	s26 =	sadd.s32 $0xA0, s23;
	[dreg:$0x7] =	wrdreg s6  }
0xf: {  	s12 =	sadd.s32 $0x19200, s0;
	s20 =	sadd.s32 s4, s7;
	[dreg:$0xa] =	wrdreg s26  }
0x10: {  	s10 =	sadd.s32 s5, s7;
	s7 =	sadd.s32 $0xA, s7;
	[dreg:$0x3] =	wrdreg s20  }
0x11: {  	s25 =	sshrl.u32 s24, $0x3;
	[dreg:$0x4] =	wrdreg s10;
	s22 =	sadd.s32 s4, s7  }
.Ltmp0:
0x12: {  	s7 =	sadd.s32 s5, s7;
	[dreg:$0x5] =	wrdreg s22;
	(pc) =	sbr.rel .LBB2_1-.Ltmp0, $4  }
0x13: {  	s23 =	simm.s32 $0x5;
	s1 =	sadd.s32 s25, s5;
	[dreg:$0x6] =	wrdreg s7  }
0x14: {  	s24 =	simm.s32 $0x6;
	s0 =	sadd.s32 s25, s4;
	[dreg:$0x8] =	wrdreg s1  }
0x15: {  	s6 =	simm.s32 $0x7;
	s20 =	simm.s32 $0x50;
	[dreg:$0x9] =	wrdreg s0  }
0x16: {  	s22 =	simm.s32 $0x2A00;
	s1 =	simm.s32 $0x7A00;
	s7 =	simm.s32 $0x8  }
.LBB2_6:
0x17: {  	s0 =	simm.s32 $0xB  }
0x18: {  	_ =	swait.ge [sflag:s0], $0x2800  }
0x19: {  	[sflag:s0] =	ssyncset.done $0x0  }
0x1a: {  	s25 =	simm.s32 $0xC;
	[sflag:s0] =	ssyncadd.s32 $0xFFFFD800  }
0x1b: {  	_ =	swait.ge [sflag:s25], $0x2800  }
0x1c: {  	[sflag:s25] =	ssyncset.done $0x0  }
0x1d: {  	[sflag:s25] =	ssyncadd.s32 $0xFFFFD800  }
0x1e: {  	_ =	swait.ge [sflag:s28], $0x2800  }
0x1f: {  	[sflag:s28] =	ssyncset.done $0x0  }
0x20: {  	[sflag:s28] =	ssyncadd.s32 $0xFFFFD800  }
0x21: {  	_ =	swait.ge [sflag:s29], $0x2800  }
0x22: {  	s9 =	rddreg [dreg:$0xb]  }
0x23: {  	s26 =	rddreg [dreg:$0x7];
	s9 =	sadd.s32 $0x1, s9  }
0x24: {  	p0 =	sne.s32 s9, s26  }
.Ltmp1:
0x25: {  	_ = 	snop;
	(pc) =	sbr.rel @!p0 .LBB2_7-.Ltmp1, $3  }
0x26: {  	_ =	sdelay $0x1  }
0x27: {  	[sflag:s29] =	ssyncset.done $0x0  }
0x28: {  	[sflag:s29] =	ssyncadd.s32 $0xFFFFD800  }
.LBB2_1:
0x29: {  	[dreg:$0xb] =	wrdreg s9  }
0x2a: {  	s0 =	rddreg [dreg:$0x3]  }
0x2b: {  	[tilespmem:s3], [sflag:$0x1] =	stream.linear.gather [hbm4b:s0+s3], $0x50, $0x38;
	[tilespmem:$0xA200] =	vst v63  }
0x2c: {  	s15 =	rddreg [dreg:$0x4]  }
0x2d: {  	[tilespmem:s16], [sflag:$0x2] =	stream.linear.gather [hbm4b:s15+s3], $0x50, $0x38;
	[tilespmem:$0xA200] =	vst v63  }
0x2e: {  	s17 =	rddreg [dreg:$0x5];
	s18 =	simm.s32 $0x100  }
0x2f: {  	[tilespmem:s18], [sflag:$0x3] =	stream.linear.gather [hbm4b:s17+s3], $0x50, $0x38;
	[tilespmem:$0xA200] =	vst v63  }
0x30: {  	s25 =	rddreg [dreg:$0x6];
	s26 =	simm.s32 $0x180  }
0x31: {  	[tilespmem:s26], [sflag:$0x4] =	stream.linear.gather [hbm4b:s25+s3], $0x50, $0x38;
	[tilespmem:$0xA200] =	vst v63  }
0x32: {  	_ =	swait.ge [sflag:s8], $0x50  }
0x33: {  	[sflag:s8] =	ssyncset.done $0x0  }
0x34: {  	[sflag:s8] =	ssyncadd.s32 $0xFFFFFFB0  }
0x35: {  	_ =	swait.ge [sflag:s19], $0x50  }
.Ltmp2:
0x36: {  	[sflag:s19] =	ssyncset.done $0x0;
	s15 =	rddreg [dreg:$0xa];
	(pc) =	sbr.rel .LBB2_2-.Ltmp2, $4  }
0x37: {  	s10 =	simm.s32 $0x1;
	s14 =	rddreg [dreg:$0x9];
	[sflag:s19] =	ssyncadd.s32 $0xFFFFFFB0  }
0x38: {  	[tilespmem:s21], [sflag:$0x5] =	stream.indirect.gather [hbm4b:s2+s20], $0x80, s3, s20, $0xb8;
	[tilespmem:$0xA200] =	vst v63  }
0x39: {  	s25 =	simm.s32 $0x0;
	s26 =	simm.s32 $0x0;
	s13 =	rddreg [dreg:$0x8]  }
0x3a: {  	[tilespmem:s22], [sflag:$0x6] =	stream.indirect.gather [hbm4b:s2+s20], $0x80, s16, s20, $0xb8;
	[tilespmem:$0xA200] =	vst v63  }
.LBB2_5:
0x3b: {  	s25 =	sadd.s32 $0xA00, s25  }
0x3c: {  	p0 =	sne.s32 s25, $0x27600  }
.Ltmp3:
0x3d: {  	_ = 	snop;
	(pc) =	sbr.rel @!p0 .LBB2_6-.Ltmp3, $3  }
0x3e: {  	_ =	sdelay $0x1  }
0x3f: {  	s26 =	sadd.s32 $0x1, s26;
	s10 =	sadd.s32 $0x2, s10  }
0x40: {  	s13 =	sadd.s32 $0x14, s13;
	s14 =	sadd.s32 $0x14, s14;
	s15 =	sadd.s32 $0xA0, s15  }
.LBB2_2:
0x41: {  	_ =	swait.ge [sflag:s23], $0x2800  }
0x42: {  	[sflag:s23] =	ssyncset.done $0x0  }
0x43: {  	[sflag:s23] =	ssyncadd.s32 $0xFFFFD800  }
0x44: {  	p0 =	seq.s32 s25, $0x26C00;
	_ =	swait.ge [sflag:s24], $0x2800  }
.Ltmp4:
0x45: {  	[sflag:s24] =	ssyncset.done $0x0;
	(pc) =	sbr.rel @p0 .LBB2_6-.Ltmp4, $4  }
0x46: {  	s17 =	sadd.s32 s25, s11;
	[sflag:s24] =	ssyncadd.s32 $0xFFFFD800  }
0x47: {  	[hbm4b:s17+s3] =	stream.linear.scatter [tilespmem:s21], [sflag:$0x9], $0x2800, $0x38;
	[tilespmem:$0xA200] =	vst v63  }
0x48: {  	s18 =	sadd.s32 s25, s12  }
0x49: {  	[hbm4b:s18+s3] =	stream.linear.scatter [tilespmem:s22], [sflag:$0xA], $0x2800, $0x38;
	[tilespmem:$0xA200] =	vst v63  }
0x4a: {  	p0 =	sgt.u32 s10, $0x7C  }
.Ltmp5:
0x4b: {  	s9 =	sshrl.u32 s15, $0x3;
	(pc) =	sbr.rel @p0 .LBB2_5-.Ltmp5, $4  }
0x4c: {  	s0 =	sadd.s32 s4, s9  }
0x4d: {  	[tilespmem:s3], [sflag:$0x1] =	stream.linear.gather [hbm4b:s0+s3], $0x50, $0x38;
	[tilespmem:$0xA200] =	vst v63  }
0x4e: {  	s9 =	sadd.s32 s5, s9  }
0x4f: {  	[tilespmem:s16], [sflag:$0x2] =	stream.linear.gather [hbm4b:s9+s3], $0x50, $0x38;
	[tilespmem:$0xA200] =	vst v63  }
0x50: {  	p0 =	seq.s32 s25, $0x0  }
0x51: {  	s0 =	simm.s32 @!p0 $0xB  }
0x52: {  	_ =	swait.ge @!p0 [sflag:s0], $0x2800  }
0x53: {  	[sflag:s0] =	ssyncset.done @!p0 $0x0  }
0x54: {  	[sflag:s0] =	ssyncadd.s32 @!p0 $0xFFFFD800;
	s0 =	simm.s32 @!p0 $0xC  }
0x55: {  	_ =	swait.ge @!p0 [sflag:s0], $0x2800  }
0x56: {  	[sflag:s0] =	ssyncset.done @!p0 $0x0  }
0x57: {  	[sflag:s0] =	ssyncadd.s32 @!p0 $0xFFFFD800  }
0x58: {  	_ =	swait.ge [sflag:s30], $0x50  }
0x59: {  	[sflag:s30] =	ssyncset.done $0x0  }
0x5a: {  	[sflag:s30] =	ssyncadd.s32 $0xFFFFFFB0  }
0x5b: {  	_ =	swait.ge [sflag:s31], $0x50  }
0x5c: {  	[sflag:s31] =	ssyncset.done $0x0  }
0x5d: {  	s9 =	simm.s32 $0x5200;
	s0 =	simm.s32 $0x100;
	[sflag:s31] =	ssyncadd.s32 $0xFFFFFFB0  }
0x5e: {  	[tilespmem:s9], [sflag:$0x7] =	stream.indirect.gather [hbm4b:s2+s20], $0x80, s0, s20, $0xb8;
	[tilespmem:$0xA200] =	vst v63  }
0x5f: {  	s0 =	simm.s32 $0x180  }
0x60: {  	[tilespmem:s1], [sflag:$0x8] =	stream.indirect.gather [hbm4b:s2+s20], $0x80, s0, s20, $0xb8;
	[tilespmem:$0xA200] =	vst v63  }
0x61: {  	_ =	swait.ge [sflag:s6], $0x2800  }
0x62: {  	[sflag:s6] =	ssyncset.done $0x0  }
0x63: {  	[sflag:s6] =	ssyncadd.s32 $0xFFFFD800  }
0x64: {  	_ =	swait.ge [sflag:s7], $0x2800  }
0x65: {  	[sflag:s7] =	ssyncset.done $0x0  }
0x66: {  	s17 =	sadd.s32 $0x500, s17;
	[sflag:s7] =	ssyncadd.s32 $0xFFFFD800  }
0x67: {  	[hbm4b:s17+s3] =	stream.linear.scatter [tilespmem:s9], [sflag:$0xB], $0x2800, $0x38;
	[tilespmem:$0xA200] =	vst v63  }
0x68: {  	s18 =	sadd.s32 $0x500, s18;
	p0 =	sgt.u32 s26, $0x3C  }
0x69: {  	[hbm4b:s18+s3] =	stream.linear.scatter [tilespmem:s1], [sflag:$0xC], $0x2800, $0x38;
	[tilespmem:$0xA200] =	vst v63  }
0x6a: {  	s0 =	simm.s32 @!p0 $0x0;
	s9 =	simm.s32 @!p0 $0x100  }
0x6b: {  	[tilespmem:s9], [sflag:$0x3] =	stream.linear.gather @!p0 [hbm4b:s14+s0], $0x50, $0x38;
	[tilespmem:$0xA200] =	vst v63  }
0x6c: {  	s9 =	simm.s32 @!p0 $0x180  }
0x6d: {  	[tilespmem:s9], [sflag:$0x4] =	stream.linear.gather @!p0 [hbm4b:s13+s0], $0x50, $0x38;
	[tilespmem:$0xA200] =	vst v63  }
0x6e: {  	_ =	swait.ge [sflag:s28], $0x2800  }
0x6f: {  	[sflag:s28] =	ssyncset.done $0x0  }
0x70: {  	[sflag:s28] =	ssyncadd.s32 $0xFFFFD800  }
0x71: {  	_ =	swait.ge [sflag:s29], $0x2800  }
0x72: {  	[sflag:s29] =	ssyncset.done $0x0  }
0x73: {  	[sflag:s29] =	ssyncadd.s32 $0xFFFFD800  }
0x74: {  	_ =	swait.ge [sflag:s8], $0x50  }
0x75: {  	[sflag:s8] =	ssyncset.done $0x0  }
0x76: {  	[sflag:s8] =	ssyncadd.s32 $0xFFFFFFB0  }
0x77: {  	_ =	swait.ge [sflag:s19], $0x50  }
.Ltmp6:
0x78: {  	[sflag:s19] =	ssyncset.done $0x0;
	(pc) =	sbr.rel .LBB2_5-.Ltmp6, $4  }
0x79: {  	[sflag:s19] =	ssyncadd.s32 $0xFFFFFFB0  }
0x7a: {  	[tilespmem:s21], [sflag:$0x5] =	stream.indirect.gather [hbm4b:s2+s20], $0x80, s3, s20, $0xb8;
	[tilespmem:$0xA200] =	vst v63  }
0x7b: {  	_ = 	snop  }
0x7c: {  	[tilespmem:s22], [sflag:$0x6] =	stream.indirect.gather [hbm4b:s2+s20], $0x80, s16, s20, $0xb8;
	[tilespmem:$0xA200] =	vst v63  }
.LBB2_7:
0x7d: {  	_ =	sfence.sel $0x180000  }
0x7e: {  	[bflag:$0x0] =	sbarrier.arrive $0xFFFF  }
0x7f: {  	_ =	strace $0x90000047  }
0x80: {  	s0 =	stileid.u32;
	[bflag:$0x2] =	sbarrier.arrive $0xFFFF  }
0x81: {  	p0 =	sne.s32 s0, $0x0;
	s0 =	rddreg [dreg:$0x2]  }
0x82: {  	s0 =	sadd.s32 @!p0 $0x100000, s0  }
0x83: {  	[sflag:s0] =	ssyncadd.tile.s32 @!p0 $0x1;
	_ =	shalt  }
.Lfunc_end2:
_tile_overlayer_lowered:
.L_overlay_start_2:
0x84: {  	(tag) =	ssettag $0x2  }
0x85: {  	s0 =	rddreg [dreg:$0x0];
	s2 =	stileid.u32  }
0x86: {  	s1 =	rddreg [dreg:$0x1];
	p0 =	sne.s32 s2, $0x0  }
0x87: {  	s3 =	rddreg [dreg:$0x2];
	[bflag:$0x3] =	sbarrier.arrive $0xFFFF;
	s2 =	simm.s32 @!p0 $0x1C0D  }
0x88: {  	[timem:s3], [sflag:s2] =	dma.local @!p0 [hbm:s0], s1  }
0x89: {  	s0 =	simm.s32 @!p0 $0xD  }
0x8a: {  	_ =	swait.ge @!p0 [sflag:s0], s1  }
0x8b: {  	s1 =	ssub.s32 @!p0 $0x0, s1;
	[sflag:s0] =	ssyncset.done @!p0 $0x0  }
0x8c: {  	[sflag:s0] =	ssyncadd.s32 @!p0 s1  }
0x8d: {  	[bflag:$0x3] =	sbarrier.arrive $0xFFFF  }
0x8e: {  	_ =	shalt  }

// kernel: kernel.14.cloned.1.call-start
scs
__scs_entry_jumppad:
0x0: {  	(pc) =	sbr.rel $0x88, $3  }
0x1: {  	(tag) =	ssettag $0x0;
	lr =	simm.s32 $0x1  }
0x2: {  	[smem:$0x3F86] =	sst lr;
	_ =	strace $0xD0000000  }
0x3: {  	_ = 	snop  }
0x4: {  	_ = 	snop  }
0x5: {  	_ = 	snop  }
0x6: {  	_ = 	snop  }
0x7: {  	_ = 	snop  }
__scs_overlays_trampoline_lowered:
0x8: {  	[smem:$0x3F95] =	sst s0  }
0x9: {  	[smem:$0x3F96] =	sst s1  }
0xa: {  	[smem:$0x3F97] =	sst s2  }
0xb: {  	[smem:$0x3F98] =	sst s3  }
0xc: {  	[smem:$0x3F99] =	sst s4  }
0xd: {  	[smem:$0x3F9A] =	sst s5  }
0xe: {  	[smem:$0x3F9B] =	sst s6  }
0xf: {  	[smem:$0x3F9C] =	sst s7  }
0x10: {  	[smem:$0x3F9D] =	sst s8  }
0x11: {  	[smem:$0x3F9E] =	sst s9;
	s0 =	simm.s32 @!p0 $0x0  }
0x12: {  	s1 =	sld [smem:$0x3F84];
	s0 =	simm.s32 @p0 $0x1  }
0x13: {  	[smem:$0x3F9F] =	sst s0;
	s0 =	simm.s32 @!p1 $0x0  }
0x14: {  	s2 =	sld [smem:$0x3F83];
	s0 =	simm.s32 @p1 $0x1  }
0x15: {  	[smem:$0x3FA0] =	sst s0;
	s0 =	simm.s32 @!p2 $0x0  }
0x16: {  	s3 =	sld [smem:$0x3FDB];
	s0 =	simm.s32 @p2 $0x1  }
0x17: {  	s4 =	simm.s32 $0x1BF5;
	[smem:$0x3FA2] =	sst s0  }
0x18: {  	s0 =	sld [smem:$0x3F85];
	_ =	swait.ge [sflag:s4], $0x0  }
0x19: {  	s7 =	sld [smem:$0x3F86]  }
0x1a: {  	s8 =	sadd.s32 $0xFFFFE003, lr  }
0x1b: {  	s9 =	sadd.s32 $0xFFFFFEF7, lr;
	s5 =	simm.s32 $0xFFFFFFFF;
	p2 =	slt.u32 s8, $0xFFFFF086  }
0x1c: {  	p1 =	slt.u32 s9, $0xF7A;
	s5 =	simm.s32 @!p2 $0x0  }
0x1d: {  	s5 =	simm.s32 @p1 $0x1;
	p0 =	seq.s32 s7, s2  }
0x1e: {  	s7 =	smul.u32 @!p0 $0xF7A, s2;
	p2 =	seq.s32 @!p0 s5, $0x0  }
0x1f: {  	s9 =	smul.u32 $0xF7A, s1;
	s8 =	simm.s32 @!p0 $0x1BF5;
	p2 =	por !p2, p0  }
0x20: {  	[sflag:s8] =	ssyncset.s32 @!p0 $0xFFFFF086;
	s6 =	sadd.s32 @!p0 s3, s7;
	s7 =	simm.s32 @!p0 $0x108  }
0x21: {  	s3 =	sadd.s32 s3, s9;
	s6 =	sadd.s32 @!p0 $0x88, s6;
	s7 =	simm.s32 @p2 $0x1082  }
0x22: {  	[simem:s7], [sflag:s8] =	dma.local @!p0 [hbm:s6], $0xF7A  }
0x23: {  	s9 =	sor.u32 $0xD0000000, s2;
	s6 =	simm.s32 $0x108;
	_ =	swait.ge @!p0 [sflag:s8], $0x0  }
0x24: {  	s3 =	sadd.s32 $0x88, s3;
	s6 =	simm.s32 @!p1 $0x1082;
	[sflag:s4] =	ssyncset.s32 $0xFFFFF086  }
0x25: {  	[simem:s6], [sflag:s4] =	dma.local [hbm:s3], $0xF7A  }
0x26: {  	[smem:$0x3F86] =	sst s1;
	(tag) =	ssettag s2;
	_ =	strace s9  }
0x27: {  	s1 =	sld [smem:$0x3F96]  }
0x28: {  	s2 =	sld [smem:$0x3F97]  }
0x29: {  	s4 =	sld [smem:$0x3F99]  }
0x2a: {  	p0 =	seq.s32 s5, $0x0;
	s5 =	sld [smem:$0x3F9A]  }
0x2b: {  	s6 =	sld [smem:$0x3F9B]  }
0x2c: {  	s7 =	sld [smem:$0x3F9C]  }
0x2d: {  	s3 =	simm.s32 $0x108;
	s8 =	sld [smem:$0x3F9D]  }
0x2e: {  	s3 =	simm.s32 @!p0 $0x1082;
	s9 =	sld [smem:$0x3F9E]  }
0x2f: {  	lr =	sadd.s32 s0, s3;
	s0 =	sld [smem:$0x3F95]  }
0x30: {  	s3 =	sld [smem:$0x3F98]  }
0x31: {  	[smem:$0x3FA1] =	sst s10  }
0x32: {  	s10 =	sld [smem:$0x3F9F];
	_ =	sdelay $0x3  }
0x33: {  	p0 =	seq.s32 s10, $0x1;
	s10 =	sld [smem:$0x3FA1];
	_ =	sdelay $0x3  }
0x34: {  	[smem:$0x3FA1] =	sst s10  }
0x35: {  	s10 =	sld [smem:$0x3FA0];
	_ =	sdelay $0x3  }
0x36: {  	p1 =	seq.s32 s10, $0x1;
	s10 =	sld [smem:$0x3FA1];
	_ =	sdelay $0x3  }
0x37: {  	[smem:$0x3FA1] =	sst s10  }
0x38: {  	s10 =	sld [smem:$0x3FA2]  }
0x39: {  	_ = 	snop;
	(pc) =	sbr.ind lr, $3  }
0x3a: {  	_ = 	snop  }
0x3b: {  	_ = 	snop  }
0x3c: {  	p2 =	seq.s32 s10, $0x1;
	s10 =	sld [smem:$0x3FA1]  }
0x3d: {  	_ =	shalt  }
0x3e: {  	_ =	shalt  }
0x3f: {  	_ =	shalt  }
0x40: {  	_ =	shalt  }
0x41: {  	_ =	shalt  }
0x42: {  	_ =	shalt  }
0x43: {  	_ =	shalt  }
0x44: {  	_ =	shalt  }
0x45: {  	_ =	shalt  }
0x46: {  	_ =	shalt  }
0x47: {  	_ =	shalt  }
0x48: {  	_ =	shalt  }
0x49: {  	_ =	shalt  }
0x4a: {  	_ =	shalt  }
0x4b: {  	_ =	shalt  }
0x4c: {  	_ =	shalt  }
0x4d: {  	_ =	shalt  }
0x4e: {  	_ =	shalt  }
0x4f: {  	_ =	shalt  }
0x50: {  	_ =	shalt  }
0x51: {  	_ =	shalt  }
0x52: {  	_ =	shalt  }
0x53: {  	_ =	shalt  }
0x54: {  	_ =	shalt  }
0x55: {  	_ =	shalt  }
0x56: {  	_ =	shalt  }
0x57: {  	_ =	shalt  }
0x58: {  	_ =	shalt  }
0x59: {  	_ =	shalt  }
0x5a: {  	_ =	shalt  }
0x5b: {  	_ =	shalt  }
0x5c: {  	_ =	shalt  }
0x5d: {  	_ =	shalt  }
0x5e: {  	_ =	shalt  }
0x5f: {  	_ =	shalt  }
0x60: {  	_ =	shalt  }
0x61: {  	_ =	shalt  }
0x62: {  	_ =	shalt  }
0x63: {  	_ =	shalt  }
0x64: {  	_ =	shalt  }
0x65: {  	_ =	shalt  }
0x66: {  	_ =	shalt  }
0x67: {  	_ =	shalt  }
0x68: {  	_ =	shalt  }
0x69: {  	_ =	shalt  }
0x6a: {  	_ =	shalt  }
0x6b: {  	_ =	shalt  }
0x6c: {  	_ =	shalt  }
0x6d: {  	_ =	shalt  }
0x6e: {  	_ =	shalt  }
0x6f: {  	_ =	shalt  }
0x70: {  	_ =	shalt  }
0x71: {  	_ =	shalt  }
0x72: {  	_ =	shalt  }
0x73: {  	_ =	shalt  }
0x74: {  	_ =	shalt  }
0x75: {  	_ =	shalt  }
0x76: {  	_ =	shalt  }
0x77: {  	_ =	shalt  }
0x78: {  	_ =	shalt  }
0x79: {  	_ =	shalt  }
0x7a: {  	_ =	shalt  }
0x7b: {  	_ =	shalt  }
0x7c: {  	_ =	shalt  }
0x7d: {  	_ =	shalt  }
0x7e: {  	_ =	shalt  }
0x7f: {  	_ =	shalt  }
0x80: {  	_ =	shalt  }
0x81: {  	_ =	shalt  }
0x82: {  	_ =	shalt  }
0x83: {  	_ =	shalt  }
0x84: {  	_ =	shalt  }
0x85: {  	_ =	shalt  }
0x86: {  	_ =	shalt  }
0x87: {  	_ =	shalt  }
.Lfunc_end0:
.L_simem_size_0:
called_computation.1_lowered:
.L_overlay_start_0:
0x88: {  	s2 =	sld [smem:$0x3FD9]  }
0x89: {  	s3 =	sld [smem:$0x3FFE];
	_ =	sdelay $0x1  }
0x8a: {  	s1 =	srdreg.scid  }
0x8b: {  	s0 =	sand.u32 $0x1, s1  }
0x8c: {  	s16 =	sshll.u32 s0, $0xA;
	s2 =	sadd.s32 s3, s2  }
0x8d: {  	s2 =	sadd.s32 s2, s16  }
0x8e: {  	[smem:$0x3FAD] =	sst s2  }
0x8f: {  	_ = 	snop  }
0x90: {  	(tm) =	ssettm $0x1  }
0x91: {  	s17 =	sld [smem:$0x3FFB];
	_ =	sdelay $0x3  }
0x92: {  	_ =	strace s17  }
0x93: {  	s2 =	sld [smem:$0x3FFC];
	_ =	sdelay $0x3  }
0x94: {  	_ =	strace s2  }
0x95: {  	s2 =	sld [smem:$0x3FFD];
	_ =	sdelay $0x3  }
0x96: {  	_ =	strace s2  }
0x97: {  	_ =	strace $0x8FFFFFFF  }
0x98: {  	s18 =	sld [smem:$0x3FDB];
	_ =	sdelay $0x1  }
0x99: {  	s19 =	simm.s32 $_scs_section_size  }
0x9a: {  	s4 =	simm.s32 $_size__tile_overlayer_lowered;
	s5 =	simm.s32 $_tile_overlayer_lowered  }
0x9b: {  	s22 =	simm.s32 $0x1BFF;
	s21 =	sshll.u32 s5, $0x1;
	s2 =	sadd.s32 s19, s18  }
0x9c: {  	s6 =	simm.s32 $0x0;
	s20 =	sshll.u32 s4, $0x1;
	s4 =	sadd.s32 s21, s2  }
0x9d: {  	[timem:s6], [sflag:s22] =	dma.local [hbm:s4], s20  }
0x9e: {  	_ =	swait.ge [sflag:s22], s20  }
0x9f: {  	s3 =	ssub.s32 $0x0, s20;
	[sflag:s22] =	ssyncset.done $0x0  }
0xa0: {  	[sflag:s22] =	ssyncadd.s32 s3;
	_ =	sdelay $0x1  }
0xa1: {  	s23 =	simm.s32 $0x1B8B  }
0xa2: {  	_ =	swait.ge [sflag:s23], $0x1  }
0xa3: {  	[sflag:s23] =	ssyncset.done $0x0  }
0xa4: {  	s25 =	simm.s32 $0x1B8E;
	s24 =	sld [smem:$0x3FFE];
	[sflag:s23] =	ssyncadd.s32 $0xFFFFFFFF  }
0xa5: {  	s26 =	simm.s32 $execute0_lowered;
	[smem:$0x3FD2] =	sst s25  }
0xa6: {  	s4 =	sshll.u32 s26, $0x1;
	_ =	strace $0x80000049;
	[dreg:$0x1] =	wrdreg $0xFFFFFFFF  }
0xa7: {  	s28 =	simm.s32 $_size_execute0_lowered;
	s2 =	sadd.s32 s2, s4;
	[dreg:$0x0] =	wrdreg $0x0  }
0xa8: {  	s4 =	sshll.u32 s28, $0x1;
	[dreg:$0x2] =	wrdreg s2  }
0xa9: {  	[dreg:$0x3] =	wrdreg s4  }
0xaa: {  	[dreg:$0x4] =	wrdreg $0xC0  }
0xab: {  	_ =	task [dreg:s6], $0x5FFFF  }
0xac: {  	[dreg:$0x1] =	wrdreg $0xFFFFFFFF  }
0xad: {  	[dreg:$0x0] =	wrdreg $0x60  }
0xae: {  	[dreg:$0x2] =	wrdreg s24  }
0xaf: {  	[dreg:$0x3] =	wrdreg $0x51000  }
0xb0: {  	[dreg:$0x4] =	wrdreg $0x9  }
0xb1: {  	_ =	task.clear_ibuf [dreg:s6], $0x5FFFF;
	_ =	strace $0x90000049  }
0xb2: {  	s29 =	simm.s32 $0x9;
	_ =	strace $0x8000004B  }
0xb3: {  	_ =	swait.ge [sflag:s29], $0x1  }
0xb4: {  	[sflag:s29] =	ssyncadd.s32 $0xFFFFFFFF  }
0xb5: {  	_ =	strace $0x9000004B  }
0xb6: {  	_ =	sfence  }
0xb7: {  	s30 =	sld [smem:$0x0];
	_ =	sdelay $0x2  }
0xb8: {  	s31 =	sshll.u32 s1, $0xD;
	s1 =	sshrl.u32 s1, $0x2  }
0xb9: {  	s3 =	sand.u32 $0x4000, s31;
	s1 =	sadd.s32 s1, s30  }
0xba: {  	s0 =	sor.u32 s3, s0;
	s1 =	sshll.u32 s1, $0x11  }
0xbb: {  	s0 =	sor.u32 s1, s0  }
0xbc: {  	s0 =	sadd.s32 $0x8F2B, s0  }
0xbd: {  	[sflag:s0] =	ssyncadd.remote.s32 $0x1  }
0xbe: {  	_ =	sfence.sel $0xFFFF  }
0xbf: {  	[dreg:$0x0] =	wrdreg $0xFFFFFFFF;
	(pc) =	sbr.abs _section_cstart, $3  }
0xc0: {  	[dreg:$0x1] =	wrdreg $0xFFFFFFFF  }
0xc1: {  	_ =	task.clear_ibuf [dreg:s6], $0x2FFFF;
	_ =	strace $0x9FFFFFFF  }
0xc2: {  	(tm) =	ssettm $0x7FFFFFFF  }
0xc3: {  	_ =	shalt  }
tec
execute0_lowered:
.L_overlay_start_1:
0x0: {  	(tag) =	ssettag $0x1  }
0x1: {  	s0 =	rddreg [dreg:$0x0]  }
0x2: {  	s1 =	srdreg.scid;
	s12 =	stileid.u32  }
0x3: {  	s2 =	rddreg [dreg:$0x1];
	s3 =	simm.s32 $0x0;
	s29 =	simm.s32 $0x2900  }
0x4: {  	s30 =	simm.s32 $0x3;
	s31 =	simm.s32 $0x100;
	s1 =	sand.u32 $0x1, s1  }
0x5: {  	s4 =	sshll.u32 s12, $0x1;
	[smem:$0x7FF] =	sst s3;
	s7 =	smul.u32 $0x14000, s12  }
0x6: {  	s8 =	sadd.s32 $0xA05800, s0;
	s14 =	smul.u32 $0x50000, s12;
	s4 =	sor.u32 s1, s4  }
0x7: {  	s5 =	ssub.s32 $0x2, s1;
	_ =	strace $0x8000004A;
	s4 =	smul.u32 $0x2710, s4  }
0x8: {  	s6 =	sshrl.u32 s5, $0x1;
	s18 =	sor.u32 $0x2800, s7;
	s19 =	sadd.s32 $0x5000, s7  }
0x9: {  	s20 =	sadd.s32 $0x7800, s7;
	s5 =	ssub.s32 s5, s6;
	s6 =	smul.u32 $0x140000, s1  }
0xa: {  	s21 =	sadd.s32 $0xA000, s7;
	s22 =	sadd.s32 $0xC800, s7;
	s23 =	sadd.s32 $0xF000, s7  }
0xb: {  	s1 =	smul.u32 $0x2710, s1;
	s4 =	sshrl.u32 s4, $0x3;
	s9 =	sadd.s32 s6, s7  }
0xc: {  	s10 =	sadd.s32 s6, s18;
	s7 =	sadd.s32 $0x11800, s7;
	s25 =	sadd.s32 s6, s19  }
0xd: {  	s26 =	sadd.s32 s6, s20;
	s11 =	sadd.s32 s6, s21;
	s17 =	sadd.s32 s6, s22  }
0xe: {  	s18 =	sadd.s32 s18, s2;
	s19 =	sadd.s32 s19, s2;
	s20 =	sadd.s32 s20, s2  }
0xf: {  	s21 =	sadd.s32 s21, s2;
	s22 =	sadd.s32 s22, s2;
	s9 =	sshrl.u32 s9, $0x3  }
0x10: {  	s10 =	sshrl.u32 s10, $0x3;
	s13 =	sshrl.u32 s26, $0x3;
	s9 =	sadd.s32 s8, s9  }
0x11: {  	s15 =	sshrl.u32 s11, $0x3;
	s24 =	sadd.s32 s8, s10;
	[dreg:$0x3] =	wrdreg s9  }
0x12: {  	s16 =	sadd.s32 s8, s15;
	[dreg:$0x4] =	wrdreg s24;
	s9 =	sshrl.u32 s25, $0x3  }
0x13: {  	[dreg:$0x7] =	wrdreg s16;
	s24 =	sadd.s32 s6, s23;
	s6 =	sadd.s32 s6, s7  }
0x14: {  	s25 =	sshrl.u32 s14, $0x2;
	s14 =	sadd.s32 $0xA05200, s0;
	s23 =	sadd.s32 s23, s2  }
0x15: {  	s9 =	sadd.s32 s8, s9;
	s10 =	sshrl.u32 s24, $0x3;
	s6 =	sshrl.u32 s6, $0x3  }
0x16: {  	s16 =	sadd.s32 s25, s2;
	s24 =	sadd.s32 s7, s2;
	[dreg:$0x5] =	wrdreg s9  }
0x17: {  	s9 =	sadd.s32 s8, s13;
	s13 =	smul.u32 $0x4E20, s12;
	s10 =	sadd.s32 s8, s10  }
0x18: {  	s11 =	sadd.s32 s8, s6;
	s12 =	sadd.s32 $0xF400, s0;
	s6 =	simm.s32 $0x0  }
0x19: {  	[dreg:$0x6] =	wrdreg s9;
	s9 =	sshrl.u32 s17, $0x3;
	s15 =	sadd.s32 s12, s4  }
.Ltmp0:
0x1a: {  	s17 =	smax.u32 s5, $0x1;
	s4 =	simm.s32 $0x50;
	(pc) =	sbr.rel .LBB2_1-.Ltmp0, $4  }
0x1b: {  	s5 =	simm.s32 $0x2;
	s9 =	sadd.s32 s8, s9;
	s1 =	sadd.s32 s1, s13  }
0x1c: {  	s13 =	sadd.s32 $0x9DD200, s0;
	s28 =	sadd.s32 $0xA, s15;
	s26 =	sadd.s32 $0xF0, s1  }
0x1d: {  	[dreg:$0x8] =	wrdreg s9;
	s7 =	sadd.s32 $0xA0, s1;
	s0 =	sshrl.u32 s26, $0x3  }
0x1e: {  	s1 =	simm.s32 $0x80;
	s25 =	sadd.s32 s0, s12;
	s0 =	simm.s32 $0x1  }
.LBB2_4:
0x1f: {  	_ =	swait.ge [sflag:s0], $0x50  }
0x20: {  	[sflag:s0] =	ssyncset.done $0x0  }
0x21: {  	[sflag:s0] =	ssyncadd.s32 $0xFFFFFFB0  }
0x22: {  	[spmem:s2] =	stream.indirect.scatter.add.f32 [tilespmem:s31], [sflag:$0x3], $0x80, s3, s4, $0xb8;
	[tilespmem:$0x19100] =	vst v63  }
0x23: {  	_ =	swait.ge [sflag:s30], $0x2800  }
0x24: {  	[sflag:s30] =	ssyncset.done $0x0  }
0x25: {  	[sflag:s30] =	ssyncadd.s32 $0xFFFFD800  }
0x26: {  	[bflag:$0x0] =	sbarrier.arrive $0xFFFF  }
0x27: {  	[tilespmem:s29], [sflag:$0x3] =	stream.linear.gather [spmem:s16], $0x2800, $0x38;
	[tilespmem:$0x19100] =	vst v63  }
0x28: {  	_ =	swait.ge [sflag:s30], $0x2800  }
0x29: {  	[sflag:s30] =	ssyncset.done $0x0  }
0x2a: {  	s8 =	rddreg [dreg:$0x3];
	[sflag:s30] =	ssyncadd.s32 $0xFFFFD800  }
0x2b: {  	[hbm4b:s8+s3] =	stream.linear.scatter [tilespmem:s29], [sflag:$0x3], $0x2800, $0x38;
	[tilespmem:$0x19100] =	vst v63  }
0x2c: {  	_ =	swait.ge [sflag:s30], $0x2800  }
0x2d: {  	[sflag:s30] =	ssyncset.done $0x0  }
0x2e: {  	[sflag:s30] =	ssyncadd.s32 $0xFFFFD800  }
0x2f: {  	[tilespmem:s29], [sflag:$0x3] =	stream.linear.gather [spmem:s18], $0x2800, $0x38;
	[tilespmem:$0x19100] =	vst v63  }
0x30: {  	_ =	swait.ge [sflag:s30], $0x2800  }
0x31: {  	[sflag:s30] =	ssyncset.done $0x0  }
0x32: {  	s26 =	rddreg [dreg:$0x4];
	[sflag:s30] =	ssyncadd.s32 $0xFFFFD800  }
0x33: {  	[hbm4b:s26+s3] =	stream.linear.scatter [tilespmem:s29], [sflag:$0x3], $0x2800, $0x38;
	[tilespmem:$0x19100] =	vst v63  }
0x34: {  	_ =	swait.ge [sflag:s30], $0x2800  }
0x35: {  	[sflag:s30] =	ssyncset.done $0x0  }
0x36: {  	[sflag:s30] =	ssyncadd.s32 $0xFFFFD800  }
0x37: {  	[tilespmem:s29], [sflag:$0x3] =	stream.linear.gather [spmem:s19], $0x2800, $0x38;
	[tilespmem:$0x19100] =	vst v63  }
0x38: {  	_ =	swait.ge [sflag:s30], $0x2800  }
0x39: {  	[sflag:s30] =	ssyncset.done $0x0  }
0x3a: {  	s9 =	rddreg [dreg:$0x5];
	[sflag:s30] =	ssyncadd.s32 $0xFFFFD800  }
0x3b: {  	[hbm4b:s9+s3] =	stream.linear.scatter [tilespmem:s29], [sflag:$0x3], $0x2800, $0x38;
	[tilespmem:$0x19100] =	vst v63  }
0x3c: {  	_ =	swait.ge [sflag:s30], $0x2800  }
0x3d: {  	[sflag:s30] =	ssyncset.done $0x0  }
0x3e: {  	[sflag:s30] =	ssyncadd.s32 $0xFFFFD800  }
0x3f: {  	[tilespmem:s29], [sflag:$0x3] =	stream.linear.gather [spmem:s20], $0x2800, $0x38;
	[tilespmem:$0x19100] =	vst v63  }
0x40: {  	_ =	swait.ge [sflag:s30], $0x2800  }
0x41: {  	[sflag:s30] =	ssyncset.done $0x0  }
0x42: {  	s26 =	rddreg [dreg:$0x6];
	[sflag:s30] =	ssyncadd.s32 $0xFFFFD800  }
0x43: {  	[hbm4b:s26+s3] =	stream.linear.scatter [tilespmem:s29], [sflag:$0x3], $0x2800, $0x38;
	[tilespmem:$0x19100] =	vst v63  }
0x44: {  	_ =	swait.ge [sflag:s30], $0x2800  }
0x45: {  	[sflag:s30] =	ssyncset.done $0x0  }
0x46: {  	[sflag:s30] =	ssyncadd.s32 $0xFFFFD800  }
0x47: {  	[tilespmem:s29], [sflag:$0x3] =	stream.linear.gather [spmem:s21], $0x2800, $0x38;
	[tilespmem:$0x19100] =	vst v63  }
0x48: {  	_ =	swait.ge [sflag:s30], $0x2800  }
0x49: {  	[sflag:s30] =	ssyncset.done $0x0  }
0x4a: {  	s9 =	rddreg [dreg:$0x7];
	[sflag:s30] =	ssyncadd.s32 $0xFFFFD800  }
0x4b: {  	[hbm4b:s9+s3] =	stream.linear.scatter [tilespmem:s29], [sflag:$0x3], $0x2800, $0x38;
	[tilespmem:$0x19100] =	vst v63  }
0x4c: {  	_ =	swait.ge [sflag:s30], $0x2800  }
0x4d: {  	[sflag:s30] =	ssyncset.done $0x0  }
0x4e: {  	[sflag:s30] =	ssyncadd.s32 $0xFFFFD800  }
0x4f: {  	[tilespmem:s29], [sflag:$0x3] =	stream.linear.gather [spmem:s22], $0x2800, $0x38;
	[tilespmem:$0x19100] =	vst v63  }
0x50: {  	_ =	swait.ge [sflag:s30], $0x2800  }
0x51: {  	[sflag:s30] =	ssyncset.done $0x0  }
0x52: {  	s26 =	rddreg [dreg:$0x8];
	[sflag:s30] =	ssyncadd.s32 $0xFFFFD800  }
0x53: {  	[hbm4b:s26+s3] =	stream.linear.scatter [tilespmem:s29], [sflag:$0x3], $0x2800, $0x38;
	[tilespmem:$0x19100] =	vst v63  }
0x54: {  	_ =	swait.ge [sflag:s30], $0x2800  }
0x55: {  	[sflag:s30] =	ssyncset.done $0x0  }
0x56: {  	[sflag:s30] =	ssyncadd.s32 $0xFFFFD800  }
0x57: {  	[tilespmem:s29], [sflag:$0x3] =	stream.linear.gather [spmem:s23], $0x2800, $0x38;
	[tilespmem:$0x19100] =	vst v63  }
0x58: {  	_ =	swait.ge [sflag:s30], $0x2800  }
0x59: {  	[sflag:s30] =	ssyncset.done $0x0  }
0x5a: {  	[sflag:s30] =	ssyncadd.s32 $0xFFFFD800  }
0x5b: {  	[hbm4b:s10+s3] =	stream.linear.scatter [tilespmem:s29], [sflag:$0x3], $0x2800, $0x38;
	[tilespmem:$0x19100] =	vst v63  }
0x5c: {  	_ =	swait.ge [sflag:s30], $0x2800  }
0x5d: {  	[sflag:s30] =	ssyncset.done $0x0  }
0x5e: {  	[sflag:s30] =	ssyncadd.s32 $0xFFFFD800  }
0x5f: {  	[tilespmem:s29], [sflag:$0x3] =	stream.linear.gather [spmem:s24], $0x2800, $0x38;
	[tilespmem:$0x19100] =	vst v63  }
0x60: {  	s6 =	sadd.s32 $0x1, s6;
	_ =	swait.ge [sflag:s30], $0x2800  }
0x61: {  	p0 =	sne.s32 s6, s17;
	[sflag:s30] =	ssyncset.done $0x0  }
.Ltmp1:
0x62: {  	[sflag:s30] =	ssyncadd.s32 $0xFFFFD800;
	(pc) =	sbr.rel @!p0 .LBB2_5-.Ltmp1, $4  }
0x63: {  	[hbm4b:s11+s3] =	stream.linear.scatter [tilespmem:s29], [sflag:$0x3], $0x2800, $0x38;
	[tilespmem:$0x19100] =	vst v63  }
0x64: {  	_ =	swait.ge [sflag:s30], $0x2800  }
0x65: {  	[sflag:s30] =	ssyncset.done $0x0  }
0x66: {  	[sflag:s30] =	ssyncadd.s32 $0xFFFFD800  }
.LBB2_1:
0x67: {  	[tilespmem:s29], [sflag:$0x3] =	stream.linear.gather [hbm4b:s13+s3], $0x2800, $0x38;
	[tilespmem:$0x19100] =	vst v63  }
0x68: {  	_ =	swait.ge [sflag:s30], $0x2800  }
0x69: {  	[sflag:s30] =	ssyncset.done $0x0  }
0x6a: {  	[sflag:s30] =	ssyncadd.s32 $0xFFFFD800  }
0x6b: {  	[spmem:s16] =	stream.linear.scatter [tilespmem:s29], [sflag:$0x3], $0x2800, $0x38;
	[tilespmem:$0x19100] =	vst v63  }
0x6c: {  	_ =	swait.ge [sflag:s30], $0x2800  }
0x6d: {  	[sflag:s30] =	ssyncset.done $0x0  }
0x6e: {  	[sflag:s30] =	ssyncadd.s32 $0xFFFFD800  }
0x6f: {  	[spmem:s18] =	stream.linear.scatter [tilespmem:s29], [sflag:$0x3], $0x2800, $0x38;
	[tilespmem:$0x19100] =	vst v63  }
0x70: {  	_ =	swait.ge [sflag:s30], $0x2800  }
0x71: {  	[sflag:s30] =	ssyncset.done $0x0  }
0x72: {  	[sflag:s30] =	ssyncadd.s32 $0xFFFFD800  }
0x73: {  	[spmem:s19] =	stream.linear.scatter [tilespmem:s29], [sflag:$0x3], $0x2800, $0x38;
	[tilespmem:$0x19100] =	vst v63  }
0x74: {  	_ =	swait.ge [sflag:s30], $0x2800  }
0x75: {  	[sflag:s30] =	ssyncset.done $0x0  }
0x76: {  	[sflag:s30] =	ssyncadd.s32 $0xFFFFD800  }
0x77: {  	[spmem:s20] =	stream.linear.scatter [tilespmem:s29], [sflag:$0x3], $0x2800, $0x38;
	[tilespmem:$0x19100] =	vst v63  }
0x78: {  	_ =	swait.ge [sflag:s30], $0x2800  }
0x79: {  	[sflag:s30] =	ssyncset.done $0x0  }
0x7a: {  	[sflag:s30] =	ssyncadd.s32 $0xFFFFD800  }
0x7b: {  	[spmem:s21] =	stream.linear.scatter [tilespmem:s29], [sflag:$0x3], $0x2800, $0x38;
	[tilespmem:$0x19100] =	vst v63  }
0x7c: {  	_ =	swait.ge [sflag:s30], $0x2800  }
0x7d: {  	[sflag:s30] =	ssyncset.done $0x0  }
0x7e: {  	[sflag:s30] =	ssyncadd.s32 $0xFFFFD800  }
0x7f: {  	[spmem:s22] =	stream.linear.scatter [tilespmem:s29], [sflag:$0x3], $0x2800, $0x38;
	[tilespmem:$0x19100] =	vst v63  }
0x80: {  	_ =	swait.ge [sflag:s30], $0x2800  }
0x81: {  	[sflag:s30] =	ssyncset.done $0x0  }
0x82: {  	[sflag:s30] =	ssyncadd.s32 $0xFFFFD800  }
0x83: {  	[spmem:s23] =	stream.linear.scatter [tilespmem:s29], [sflag:$0x3], $0x2800, $0x38;
	[tilespmem:$0x19100] =	vst v63  }
0x84: {  	_ =	swait.ge [sflag:s30], $0x2800  }
0x85: {  	[sflag:s30] =	ssyncset.done $0x0  }
0x86: {  	[sflag:s30] =	ssyncadd.s32 $0xFFFFD800  }
0x87: {  	[spmem:s24] =	stream.linear.scatter [tilespmem:s29], [sflag:$0x3], $0x2800, $0x38;
	[tilespmem:$0x19100] =	vst v63  }
0x88: {  	_ =	swait.ge [sflag:s30], $0x2800  }
0x89: {  	[sflag:s30] =	ssyncset.done $0x0  }
0x8a: {  	[sflag:s30] =	ssyncadd.s32 $0xFFFFD800  }
0x8b: {  	[tilespmem:s31], [sflag:$0x3] =	stream.linear.gather [hbm4b:s14+s3], $0x2800, $0x38;
	[tilespmem:$0x19100] =	vst v63  }
0x8c: {  	_ =	swait.ge [sflag:s30], $0x2800  }
0x8d: {  	[sflag:s30] =	ssyncset.done $0x0  }
0x8e: {  	[sflag:s30] =	ssyncadd.s32 $0xFFFFD800  }
0x8f: {  	[bflag:$0x0] =	sbarrier.arrive $0xFFFF  }
0x90: {  	[tilespmem:s3], [sflag:$0x1] =	stream.linear.gather [hbm4b:s15+s3], $0x50, $0x38;
	[tilespmem:$0x19100] =	vst v63  }
0x91: {  	s26 =	smov.u32 s7;
	s8 =	simm.s32 $0x0  }
0x92: {  	[tilespmem:s1], [sflag:$0x2] =	stream.linear.gather [hbm4b:s28+s3], $0x50, $0x38;
	[tilespmem:$0x19100] =	vst v63  }
.LBB2_2:
0x93: {  	_ =	swait.ge [sflag:s0], $0x50  }
0x94: {  	[sflag:s0] =	ssyncset.done $0x0  }
0x95: {  	[sflag:s0] =	ssyncadd.s32 $0xFFFFFFB0  }
0x96: {  	[spmem:s2] =	stream.indirect.scatter.add.f32 [tilespmem:s31], [sflag:$0x3], $0x80, s3, s4, $0xb8;
	[tilespmem:$0x19100] =	vst v63  }
0x97: {  	_ =	swait.ge [sflag:s30], $0x2800  }
0x98: {  	s9 =	sshrl.u32 s26, $0x3;
	[sflag:s30] =	ssyncset.done $0x0  }
0x99: {  	s9 =	sadd.s32 s12, s9;
	[sflag:s30] =	ssyncadd.s32 $0xFFFFD800  }
0x9a: {  	[tilespmem:s3], [sflag:$0x1] =	stream.linear.gather [hbm4b:s9+s3], $0x50, $0x38;
	[tilespmem:$0x19100] =	vst v63  }
0x9b: {  	_ =	swait.ge [sflag:s5], $0x50  }
0x9c: {  	p0 =	seq.s32 s8, $0x4C4;
	[sflag:s5] =	ssyncset.done $0x0  }
.Ltmp2:
0x9d: {  	[sflag:s5] =	ssyncadd.s32 $0xFFFFFFB0;
	(pc) =	sbr.rel @p0 .LBB2_4-.Ltmp2, $4  }
0x9e: {  	[spmem:s2] =	stream.indirect.scatter.add.f32 [tilespmem:s31], [sflag:$0x3], $0x80, s1, s4, $0xb8;
	[tilespmem:$0x19100] =	vst v63  }
0x9f: {  	_ =	swait.ge [sflag:s30], $0x2800  }
0xa0: {  	[sflag:s30] =	ssyncset.done $0x0  }
0xa1: {  	[sflag:s30] =	ssyncadd.s32 $0xFFFFD800  }
.Ltmp3:
0xa2: {  	(pc) =	sbr.rel .LBB2_2-.Ltmp3, $3  }
0xa3: {  	_ =	sdelay $0x1  }
0xa4: {  	s9 =	sadd.s32 s8, s25;
	s8 =	sadd.s32 $0x14, s8;
	s26 =	sadd.s32 $0xA0, s26  }
0xa5: {  	[tilespmem:s1], [sflag:$0x2] =	stream.linear.gather [hbm4b:s9+s3], $0x50, $0x38;
	[tilespmem:$0x19100] =	vst v63  }
.LBB2_5:
0xa6: {  	_ =	sfence.sel $0x180000  }
0xa7: {  	[bflag:$0x0] =	sbarrier.arrive $0xFFFF  }
0xa8: {  	_ =	strace $0x9000004A  }
0xa9: {  	s0 =	stileid.u32;
	[bflag:$0x2] =	sbarrier.arrive $0xFFFF  }
0xaa: {  	p0 =	sne.s32 s0, $0x0;
	s0 =	rddreg [dreg:$0x2]  }
0xab: {  	s0 =	sadd.s32 @!p0 $0x100000, s0  }
0xac: {  	[sflag:s0] =	ssyncadd.tile.s32 @!p0 $0x1;
	_ =	shalt  }
.Lfunc_end2:
_tile_overlayer_lowered:
.L_overlay_start_2:
0xad: {  	(tag) =	ssettag $0x2  }
0xae: {  	s0 =	rddreg [dreg:$0x0];
	s2 =	stileid.u32  }
0xaf: {  	s1 =	rddreg [dreg:$0x1];
	p0 =	sne.s32 s2, $0x0  }
0xb0: {  	s3 =	rddreg [dreg:$0x2];
	[bflag:$0x3] =	sbarrier.arrive $0xFFFF;
	s2 =	simm.s32 @!p0 $0x1C03  }
0xb1: {  	[timem:s3], [sflag:s2] =	dma.local @!p0 [hbm:s0], s1  }
0xb2: {  	s0 =	simm.s32 @!p0 $0x3  }
0xb3: {  	_ =	swait.ge @!p0 [sflag:s0], s1  }
0xb4: {  	s1 =	ssub.s32 @!p0 $0x0, s1;
	[sflag:s0] =	ssyncset.done @!p0 $0x0  }
0xb5: {  	[sflag:s0] =	ssyncadd.s32 @!p0 s1  }
0xb6: {  	[bflag:$0x3] =	sbarrier.arrive $0xFFFF  }
0xb7: {  	_ =	shalt  }

// kernel: kernel.17.cloned.1.call-start
scs
__scs_entry_jumppad:
0x0: {  	(pc) =	sbr.rel $0x88, $3  }
0x1: {  	(tag) =	ssettag $0x0;
	lr =	simm.s32 $0x1  }
0x2: {  	[smem:$0x3F86] =	sst lr;
	_ =	strace $0xD0000000  }
0x3: {  	_ = 	snop  }
0x4: {  	_ = 	snop  }
0x5: {  	_ = 	snop  }
0x6: {  	_ = 	snop  }
0x7: {  	_ = 	snop  }
__scs_overlays_trampoline_lowered:
0x8: {  	[smem:$0x3F95] =	sst s0  }
0x9: {  	[smem:$0x3F96] =	sst s1  }
0xa: {  	[smem:$0x3F97] =	sst s2  }
0xb: {  	[smem:$0x3F98] =	sst s3  }
0xc: {  	[smem:$0x3F99] =	sst s4  }
0xd: {  	[smem:$0x3F9A] =	sst s5  }
0xe: {  	[smem:$0x3F9B] =	sst s6  }
0xf: {  	[smem:$0x3F9C] =	sst s7  }
0x10: {  	[smem:$0x3F9D] =	sst s8  }
0x11: {  	[smem:$0x3F9E] =	sst s9;
	s0 =	simm.s32 @!p0 $0x0  }
0x12: {  	s1 =	sld [smem:$0x3F84];
	s0 =	simm.s32 @p0 $0x1  }
0x13: {  	[smem:$0x3F9F] =	sst s0;
	s0 =	simm.s32 @!p1 $0x0  }
0x14: {  	s2 =	sld [smem:$0x3F83];
	s0 =	simm.s32 @p1 $0x1  }
0x15: {  	[smem:$0x3FA0] =	sst s0;
	s0 =	simm.s32 @!p2 $0x0  }
0x16: {  	s3 =	sld [smem:$0x3FDB];
	s0 =	simm.s32 @p2 $0x1  }
0x17: {  	s4 =	simm.s32 $0x1BF5;
	[smem:$0x3FA2] =	sst s0  }
0x18: {  	s0 =	sld [smem:$0x3F85];
	_ =	swait.ge [sflag:s4], $0x0  }
0x19: {  	s7 =	sld [smem:$0x3F86]  }
0x1a: {  	s8 =	sadd.s32 $0xFFFFE003, lr  }
0x1b: {  	s9 =	sadd.s32 $0xFFFFFEF7, lr;
	s5 =	simm.s32 $0xFFFFFFFF;
	p2 =	slt.u32 s8, $0xFFFFF086  }
0x1c: {  	p1 =	slt.u32 s9, $0xF7A;
	s5 =	simm.s32 @!p2 $0x0  }
0x1d: {  	s5 =	simm.s32 @p1 $0x1;
	p0 =	seq.s32 s7, s2  }
0x1e: {  	s7 =	smul.u32 @!p0 $0xF7A, s2;
	p2 =	seq.s32 @!p0 s5, $0x0  }
0x1f: {  	s9 =	smul.u32 $0xF7A, s1;
	s8 =	simm.s32 @!p0 $0x1BF5;
	p2 =	por !p2, p0  }
0x20: {  	[sflag:s8] =	ssyncset.s32 @!p0 $0xFFFFF086;
	s6 =	sadd.s32 @!p0 s3, s7;
	s7 =	simm.s32 @!p0 $0x108  }
0x21: {  	s3 =	sadd.s32 s3, s9;
	s6 =	sadd.s32 @!p0 $0x88, s6;
	s7 =	simm.s32 @p2 $0x1082  }
0x22: {  	[simem:s7], [sflag:s8] =	dma.local @!p0 [hbm:s6], $0xF7A  }
0x23: {  	s9 =	sor.u32 $0xD0000000, s2;
	s6 =	simm.s32 $0x108;
	_ =	swait.ge @!p0 [sflag:s8], $0x0  }
0x24: {  	s3 =	sadd.s32 $0x88, s3;
	s6 =	simm.s32 @!p1 $0x1082;
	[sflag:s4] =	ssyncset.s32 $0xFFFFF086  }
0x25: {  	[simem:s6], [sflag:s4] =	dma.local [hbm:s3], $0xF7A  }
0x26: {  	[smem:$0x3F86] =	sst s1;
	(tag) =	ssettag s2;
	_ =	strace s9  }
0x27: {  	s1 =	sld [smem:$0x3F96]  }
0x28: {  	s2 =	sld [smem:$0x3F97]  }
0x29: {  	s4 =	sld [smem:$0x3F99]  }
0x2a: {  	p0 =	seq.s32 s5, $0x0;
	s5 =	sld [smem:$0x3F9A]  }
0x2b: {  	s6 =	sld [smem:$0x3F9B]  }
0x2c: {  	s7 =	sld [smem:$0x3F9C]  }
0x2d: {  	s3 =	simm.s32 $0x108;
	s8 =	sld [smem:$0x3F9D]  }
0x2e: {  	s3 =	simm.s32 @!p0 $0x1082;
	s9 =	sld [smem:$0x3F9E]  }
0x2f: {  	lr =	sadd.s32 s0, s3;
	s0 =	sld [smem:$0x3F95]  }
0x30: {  	s3 =	sld [smem:$0x3F98]  }
0x31: {  	[smem:$0x3FA1] =	sst s10  }
0x32: {  	s10 =	sld [smem:$0x3F9F];
	_ =	sdelay $0x3  }
0x33: {  	p0 =	seq.s32 s10, $0x1;
	s10 =	sld [smem:$0x3FA1];
	_ =	sdelay $0x3  }
0x34: {  	[smem:$0x3FA1] =	sst s10  }
0x35: {  	s10 =	sld [smem:$0x3FA0];
	_ =	sdelay $0x3  }
0x36: {  	p1 =	seq.s32 s10, $0x1;
	s10 =	sld [smem:$0x3FA1];
	_ =	sdelay $0x3  }
0x37: {  	[smem:$0x3FA1] =	sst s10  }
0x38: {  	s10 =	sld [smem:$0x3FA2]  }
0x39: {  	_ = 	snop;
	(pc) =	sbr.ind lr, $3  }
0x3a: {  	_ = 	snop  }
0x3b: {  	_ = 	snop  }
0x3c: {  	p2 =	seq.s32 s10, $0x1;
	s10 =	sld [smem:$0x3FA1]  }
0x3d: {  	_ =	shalt  }
0x3e: {  	_ =	shalt  }
0x3f: {  	_ =	shalt  }
0x40: {  	_ =	shalt  }
0x41: {  	_ =	shalt  }
0x42: {  	_ =	shalt  }
0x43: {  	_ =	shalt  }
0x44: {  	_ =	shalt  }
0x45: {  	_ =	shalt  }
0x46: {  	_ =	shalt  }
0x47: {  	_ =	shalt  }
0x48: {  	_ =	shalt  }
0x49: {  	_ =	shalt  }
0x4a: {  	_ =	shalt  }
0x4b: {  	_ =	shalt  }
0x4c: {  	_ =	shalt  }
0x4d: {  	_ =	shalt  }
0x4e: {  	_ =	shalt  }
0x4f: {  	_ =	shalt  }
0x50: {  	_ =	shalt  }
0x51: {  	_ =	shalt  }
0x52: {  	_ =	shalt  }
0x53: {  	_ =	shalt  }
0x54: {  	_ =	shalt  }
0x55: {  	_ =	shalt  }
0x56: {  	_ =	shalt  }
0x57: {  	_ =	shalt  }
0x58: {  	_ =	shalt  }
0x59: {  	_ =	shalt  }
0x5a: {  	_ =	shalt  }
0x5b: {  	_ =	shalt  }
0x5c: {  	_ =	shalt  }
0x5d: {  	_ =	shalt  }
0x5e: {  	_ =	shalt  }
0x5f: {  	_ =	shalt  }
0x60: {  	_ =	shalt  }
0x61: {  	_ =	shalt  }
0x62: {  	_ =	shalt  }
0x63: {  	_ =	shalt  }
0x64: {  	_ =	shalt  }
0x65: {  	_ =	shalt  }
0x66: {  	_ =	shalt  }
0x67: {  	_ =	shalt  }
0x68: {  	_ =	shalt  }
0x69: {  	_ =	shalt  }
0x6a: {  	_ =	shalt  }
0x6b: {  	_ =	shalt  }
0x6c: {  	_ =	shalt  }
0x6d: {  	_ =	shalt  }
0x6e: {  	_ =	shalt  }
0x6f: {  	_ =	shalt  }
0x70: {  	_ =	shalt  }
0x71: {  	_ =	shalt  }
0x72: {  	_ =	shalt  }
0x73: {  	_ =	shalt  }
0x74: {  	_ =	shalt  }
0x75: {  	_ =	shalt  }
0x76: {  	_ =	shalt  }
0x77: {  	_ =	shalt  }
0x78: {  	_ =	shalt  }
0x79: {  	_ =	shalt  }
0x7a: {  	_ =	shalt  }
0x7b: {  	_ =	shalt  }
0x7c: {  	_ =	shalt  }
0x7d: {  	_ =	shalt  }
0x7e: {  	_ =	shalt  }
0x7f: {  	_ =	shalt  }
0x80: {  	_ =	shalt  }
0x81: {  	_ =	shalt  }
0x82: {  	_ =	shalt  }
0x83: {  	_ =	shalt  }
0x84: {  	_ =	shalt  }
0x85: {  	_ =	shalt  }
0x86: {  	_ =	shalt  }
0x87: {  	_ =	shalt  }
.Lfunc_end0:
.L_simem_size_0:
called_computation.2_lowered:
.L_overlay_start_0:
0x88: {  	s2 =	sld [smem:$0x3FD9]  }
0x89: {  	s3 =	sld [smem:$0x3FFE];
	_ =	sdelay $0x1  }
0x8a: {  	s1 =	srdreg.scid  }
0x8b: {  	s0 =	sand.u32 $0x1, s1  }
0x8c: {  	s16 =	sshll.u32 s0, $0xA;
	s2 =	sadd.s32 s3, s2  }
0x8d: {  	s2 =	sadd.s32 s2, s16  }
0x8e: {  	[smem:$0x3FAD] =	sst s2  }
0x8f: {  	_ = 	snop  }
0x90: {  	(tm) =	ssettm $0x1  }
0x91: {  	s17 =	sld [smem:$0x3FFB];
	_ =	sdelay $0x3  }
0x92: {  	_ =	strace s17  }
0x93: {  	s2 =	sld [smem:$0x3FFC];
	_ =	sdelay $0x3  }
0x94: {  	_ =	strace s2  }
0x95: {  	s2 =	sld [smem:$0x3FFD];
	_ =	sdelay $0x3  }
0x96: {  	_ =	strace s2  }
0x97: {  	_ =	strace $0x8FFFFFFF  }
0x98: {  	s18 =	sld [smem:$0x3FDB];
	_ =	sdelay $0x1  }
0x99: {  	s19 =	simm.s32 $_scs_section_size  }
0x9a: {  	s4 =	simm.s32 $_size__tile_overlayer_lowered;
	s5 =	simm.s32 $_tile_overlayer_lowered  }
0x9b: {  	s22 =	simm.s32 $0x1BFF;
	s21 =	sshll.u32 s5, $0x1;
	s2 =	sadd.s32 s19, s18  }
0x9c: {  	s6 =	simm.s32 $0x0;
	s20 =	sshll.u32 s4, $0x1;
	s4 =	sadd.s32 s21, s2  }
0x9d: {  	[timem:s6], [sflag:s22] =	dma.local [hbm:s4], s20  }
0x9e: {  	_ =	swait.ge [sflag:s22], s20  }
0x9f: {  	s3 =	ssub.s32 $0x0, s20;
	[sflag:s22] =	ssyncset.done $0x0  }
0xa0: {  	[sflag:s22] =	ssyncadd.s32 s3;
	_ =	sdelay $0x1  }
0xa1: {  	s23 =	simm.s32 $0x1B8B  }
0xa2: {  	_ =	swait.ge [sflag:s23], $0x1  }
0xa3: {  	[sflag:s23] =	ssyncset.done $0x0  }
0xa4: {  	s25 =	simm.s32 $0x1B8E;
	s24 =	sld [smem:$0x3FFE];
	[sflag:s23] =	ssyncadd.s32 $0xFFFFFFFF  }
0xa5: {  	s26 =	simm.s32 $execute0_lowered;
	[smem:$0x3FD2] =	sst s25  }
0xa6: {  	s4 =	sshll.u32 s26, $0x1;
	_ =	strace $0x8000004C;
	[dreg:$0x1] =	wrdreg $0xFFFFFFFF  }
0xa7: {  	s28 =	simm.s32 $_size_execute0_lowered;
	s2 =	sadd.s32 s2, s4;
	[dreg:$0x0] =	wrdreg $0x0  }
0xa8: {  	s4 =	sshll.u32 s28, $0x1;
	[dreg:$0x2] =	wrdreg s2  }
0xa9: {  	[dreg:$0x3] =	wrdreg s4  }
0xaa: {  	[dreg:$0x4] =	wrdreg $0xC0  }
0xab: {  	_ =	task [dreg:s6], $0x5FFFF  }
0xac: {  	[dreg:$0x1] =	wrdreg $0xFFFFFFFF  }
0xad: {  	[dreg:$0x0] =	wrdreg $0x60  }
0xae: {  	[dreg:$0x2] =	wrdreg s24  }
0xaf: {  	[dreg:$0x3] =	wrdreg $0x51000  }
0xb0: {  	[dreg:$0x4] =	wrdreg $0x9  }
0xb1: {  	_ =	task.clear_ibuf [dreg:s6], $0x5FFFF;
	_ =	strace $0x9000004C  }
0xb2: {  	s29 =	simm.s32 $0x9;
	_ =	strace $0x8000004E  }
0xb3: {  	_ =	swait.ge [sflag:s29], $0x1  }
0xb4: {  	[sflag:s29] =	ssyncadd.s32 $0xFFFFFFFF  }
0xb5: {  	_ =	strace $0x9000004E  }
0xb6: {  	_ =	sfence  }
0xb7: {  	s30 =	sld [smem:$0x0];
	_ =	sdelay $0x2  }
0xb8: {  	s31 =	sshll.u32 s1, $0xD;
	s1 =	sshrl.u32 s1, $0x2  }
0xb9: {  	s3 =	sand.u32 $0x4000, s31;
	s1 =	sadd.s32 s1, s30  }
0xba: {  	s0 =	sor.u32 s3, s0;
	s1 =	sshll.u32 s1, $0x11  }
0xbb: {  	s0 =	sor.u32 s1, s0  }
0xbc: {  	s0 =	sadd.s32 $0x8F2B, s0  }
0xbd: {  	[sflag:s0] =	ssyncadd.remote.s32 $0x1  }
0xbe: {  	_ =	sfence.sel $0xFFFF  }
0xbf: {  	[dreg:$0x0] =	wrdreg $0xFFFFFFFF;
	(pc) =	sbr.abs _section_cstart, $3  }
0xc0: {  	[dreg:$0x1] =	wrdreg $0xFFFFFFFF  }
0xc1: {  	_ =	task.clear_ibuf [dreg:s6], $0x2FFFF;
	_ =	strace $0x9FFFFFFF  }
0xc2: {  	(tm) =	ssettm $0x7FFFFFFF  }
0xc3: {  	_ =	shalt  }
tec
execute0_lowered:
.L_overlay_start_1:
0x0: {  	(tag) =	ssettag $0x1  }
0x1: {  	s0 =	srdreg.scid  }
0x2: {  	s15 =	stileid.u32;
	s3 =	rddreg [dreg:$0x0]  }
0x3: {  	s1 =	simm.s32 $0x0;
	s31 =	simm.s32 $0x100;
	s0 =	sand.u32 $0x1, s0  }
0x4: {  	s2 =	sshll.u32 s15, $0x1;
	[smem:$0x7FF] =	sst s1;
	s8 =	smul.u32 $0x14000, s15  }
0x5: {  	s6 =	sadd.s32 $0xF37800, s3;
	s2 =	sor.u32 s0, s2;
	s22 =	smul.u32 $0x140000, s0  }
0x6: {  	s9 =	sadd.s32 $0xA55800, s3;
	s4 =	ssub.s32 $0x2, s0;
	s5 =	smul.u32 $0x2710, s2  }
0x7: {  	s7 =	sshrl.u32 s4, $0x1;
	s2 =	smul.u32 $0x27100, s2;
	s10 =	sor.u32 $0x2800, s8  }
0x8: {  	s11 =	sadd.s32 $0x5000, s8;
	s12 =	sadd.s32 $0x7800, s8;
	s23 =	sadd.s32 $0xA000, s8  }
0x9: {  	s24 =	sadd.s32 $0xC800, s8;
	s25 =	sadd.s32 $0xF000, s8;
	s26 =	sadd.s32 $0x11800, s8  }
0xa: {  	s4 =	ssub.s32 s4, s7;
	s8 =	sadd.s32 s22, s8;
	s13 =	sadd.s32 s22, s10  }
0xb: {  	s14 =	sadd.s32 s22, s11;
	s16 =	sadd.s32 s22, s23;
	s17 =	sadd.s32 s22, s24  }
0xc: {  	s21 =	sadd.s32 s22, s25;
	s7 =	sadd.s32 s22, s26;
	s8 =	sshrl.u32 s8, $0x3  }
0xd: {  	s28 =	sshrl.u32 s13, $0x3;
	s30 =	sshrl.u32 s14, $0x3;
	s14 =	sadd.s32 s22, s12  }
0xe: {  	s18 =	sshrl.u32 s16, $0x3;
	s19 =	sshrl.u32 s17, $0x3;
	s22 =	smul.u32 $0x4E200, s15  }
0xf: {  	s7 =	sshrl.u32 s7, $0x3;
	s2 =	sadd.s32 s6, s2;
	s17 =	smul.u32 $0x4E20, s15  }
0x10: {  	s8 =	sadd.s32 s9, s8;
	s13 =	sadd.s32 s9, s30;
	[dreg:$0xb] =	wrdreg s2  }
0x11: {  	s20 =	sadd.s32 s9, s19;
	s7 =	sadd.s32 s9, s7;
	[dreg:$0x3] =	wrdreg s8  }
0x12: {  	s30 =	sadd.s32 $0x50, s5;
	s19 =	smul.u32 $0x50000, s15;
	[dreg:$0x5] =	wrdreg s13  }
0x13: {  	s8 =	sadd.s32 s9, s28;
	[dreg:$0x8] =	wrdreg s20;
	s28 =	smul.u32 $0x27100, s0  }
0x14: {  	[dreg:$0xa] =	wrdreg s7;
	s0 =	smul.u32 $0x2710, s0;
	s16 =	sshll.u32 s30, $0x4  }
0x15: {  	s13 =	rddreg [dreg:$0x1];
	s20 =	sshrl.u32 s5, $0x3;
	s5 =	simm.s32 $0x50  }
0x16: {  	s7 =	simm.s32 $0x4;
	[dreg:$0x4] =	wrdreg s8;
	s8 =	sshrl.u32 s14, $0x3  }
0x17: {  	s2 =	sadd.s32 s6, s16;
	s14 =	sadd.s32 $0xF400, s3;
	s3 =	sadd.s32 $0x9DD200, s3  }
0x18: {  	s23 =	sadd.s32 s23, s13;
	s24 =	sadd.s32 s24, s13;
	s25 =	sadd.s32 s25, s13  }
0x19: {  	s26 =	sadd.s32 s26, s13;
	s8 =	sadd.s32 s9, s8;
	[dreg:$0xc] =	wrdreg s2  }
0x1a: {  	s0 =	sadd.s32 s0, s17;
	s16 =	sadd.s32 s14, s20;
	s20 =	sadd.s32 s10, s13  }
0x1b: {  	[dreg:$0x6] =	wrdreg s8;
	s8 =	sadd.s32 s9, s18;
	s18 =	sadd.s32 s22, s6  }
0x1c: {  	s22 =	sshrl.u32 s19, $0x2;
	s19 =	smax.u32 s4, $0x1;
	s4 =	simm.s32 $0x3  }
0x1d: {  	s6 =	simm.s32 $0x2;
	[dreg:$0x7] =	wrdreg s8;
	s8 =	sshrl.u32 s21, $0x3  }
0x1e: {  	s2 =	sadd.s32 s28, s18;
	s21 =	sshrl.u32 s30, $0x3;
	s18 =	sadd.s32 s22, s13  }
0x1f: {  	s22 =	sadd.s32 s12, s13;
	s28 =	sadd.s32 $0xF0, s0;
	s8 =	sadd.s32 s9, s8  }
.Ltmp0:
0x20: {  	s17 =	sadd.s32 s14, s21;
	s21 =	sadd.s32 s11, s13;
	(pc) =	sbr.rel .LBB2_1-.Ltmp0, $4  }
0x21: {  	s10 =	sadd.s32 $0xF00, s2;
	s30 =	sshrl.u32 s28, $0x3;
	s9 =	sadd.s32 $0xA0, s0  }
0x22: {  	s11 =	simm.s32 $0x5;
	s0 =	simm.s32 $0x80;
	s2 =	simm.s32 $0x2900  }
0x23: {  	[dreg:$0x9] =	wrdreg s8;
	s29 =	sadd.s32 s30, s14;
	s8 =	simm.s32 $0x0  }
0x24: {  	_ =	strace $0x8000004D;
	[dreg:$0xd] =	wrdreg s3;
	s3 =	simm.s32 $0x1  }
.LBB2_4:
0x25: {  	_ =	swait.ge [sflag:s3], $0x50  }
0x26: {  	[sflag:s3] =	ssyncset.done $0x0  }
0x27: {  	[sflag:s3] =	ssyncadd.s32 $0xFFFFFFB0  }
0x28: {  	_ =	swait.ge [sflag:s4], $0x2800  }
0x29: {  	[sflag:s4] =	ssyncset.done $0x0  }
0x2a: {  	[sflag:s4] =	ssyncadd.s32 $0xFFFFD800  }
0x2b: {  	[spmem:s13] =	stream.indirect.scatter.add.f32 [tilespmem:s31], [sflag:$0x5], $0x80, s1, s5, $0xb8;
	[tilespmem:$0x19100] =	vst v63  }
0x2c: {  	_ =	swait.ge [sflag:s11], $0x2800  }
0x2d: {  	[sflag:s11] =	ssyncset.done $0x0  }
0x2e: {  	[sflag:s11] =	ssyncadd.s32 $0xFFFFD800  }
0x2f: {  	[bflag:$0x0] =	sbarrier.arrive $0xFFFF  }
0x30: {  	[tilespmem:s31], [sflag:$0x5] =	stream.linear.gather [spmem:s18], $0x2800, $0x38;
	[tilespmem:$0x19100] =	vst v63  }
0x31: {  	_ =	swait.ge [sflag:s11], $0x2800  }
0x32: {  	[sflag:s11] =	ssyncset.done $0x0  }
0x33: {  	s12 =	rddreg [dreg:$0x3];
	[sflag:s11] =	ssyncadd.s32 $0xFFFFD800  }
0x34: {  	[hbm4b:s12+s1] =	stream.linear.scatter [tilespmem:s31], [sflag:$0x5], $0x2800, $0x38;
	[tilespmem:$0x19100] =	vst v63  }
0x35: {  	_ =	swait.ge [sflag:s11], $0x2800  }
0x36: {  	[sflag:s11] =	ssyncset.done $0x0  }
0x37: {  	[sflag:s11] =	ssyncadd.s32 $0xFFFFD800  }
0x38: {  	[tilespmem:s31], [sflag:$0x5] =	stream.linear.gather [spmem:s20], $0x2800, $0x38;
	[tilespmem:$0x19100] =	vst v63  }
0x39: {  	_ =	swait.ge [sflag:s11], $0x2800  }
0x3a: {  	[sflag:s11] =	ssyncset.done $0x0  }
0x3b: {  	s30 =	rddreg [dreg:$0x4];
	[sflag:s11] =	ssyncadd.s32 $0xFFFFD800  }
0x3c: {  	[hbm4b:s30+s1] =	stream.linear.scatter [tilespmem:s31], [sflag:$0x5], $0x2800, $0x38;
	[tilespmem:$0x19100] =	vst v63  }
0x3d: {  	_ =	swait.ge [sflag:s11], $0x2800  }
0x3e: {  	[sflag:s11] =	ssyncset.done $0x0  }
0x3f: {  	[sflag:s11] =	ssyncadd.s32 $0xFFFFD800  }
0x40: {  	[tilespmem:s31], [sflag:$0x5] =	stream.linear.gather [spmem:s21], $0x2800, $0x38;
	[tilespmem:$0x19100] =	vst v63  }
0x41: {  	_ =	swait.ge [sflag:s11], $0x2800  }
0x42: {  	[sflag:s11] =	ssyncset.done $0x0  }
0x43: {  	s15 =	rddreg [dreg:$0x5];
	[sflag:s11] =	ssyncadd.s32 $0xFFFFD800  }
0x44: {  	[hbm4b:s15+s1] =	stream.linear.scatter [tilespmem:s31], [sflag:$0x5], $0x2800, $0x38;
	[tilespmem:$0x19100] =	vst v63  }
0x45: {  	_ =	swait.ge [sflag:s11], $0x2800  }
0x46: {  	[sflag:s11] =	ssyncset.done $0x0  }
0x47: {  	[sflag:s11] =	ssyncadd.s32 $0xFFFFD800  }
0x48: {  	[tilespmem:s31], [sflag:$0x5] =	stream.linear.gather [spmem:s22], $0x2800, $0x38;
	[tilespmem:$0x19100] =	vst v63  }
0x49: {  	_ =	swait.ge [sflag:s11], $0x2800  }
0x4a: {  	[sflag:s11] =	ssyncset.done $0x0  }
0x4b: {  	s28 =	rddreg [dreg:$0x6];
	[sflag:s11] =	ssyncadd.s32 $0xFFFFD800  }
0x4c: {  	[hbm4b:s28+s1] =	stream.linear.scatter [tilespmem:s31], [sflag:$0x5], $0x2800, $0x38;
	[tilespmem:$0x19100] =	vst v63  }
0x4d: {  	_ =	swait.ge [sflag:s11], $0x2800  }
0x4e: {  	[sflag:s11] =	ssyncset.done $0x0  }
0x4f: {  	[sflag:s11] =	ssyncadd.s32 $0xFFFFD800  }
0x50: {  	[tilespmem:s31], [sflag:$0x5] =	stream.linear.gather [spmem:s23], $0x2800, $0x38;
	[tilespmem:$0x19100] =	vst v63  }
0x51: {  	_ =	swait.ge [sflag:s11], $0x2800  }
0x52: {  	[sflag:s11] =	ssyncset.done $0x0  }
0x53: {  	s30 =	rddreg [dreg:$0x7];
	[sflag:s11] =	ssyncadd.s32 $0xFFFFD800  }
0x54: {  	[hbm4b:s30+s1] =	stream.linear.scatter [tilespmem:s31], [sflag:$0x5], $0x2800, $0x38;
	[tilespmem:$0x19100] =	vst v63  }
0x55: {  	_ =	swait.ge [sflag:s11], $0x2800  }
0x56: {  	[sflag:s11] =	ssyncset.done $0x0  }
0x57: {  	[sflag:s11] =	ssyncadd.s32 $0xFFFFD800  }
0x58: {  	[tilespmem:s31], [sflag:$0x5] =	stream.linear.gather [spmem:s24], $0x2800, $0x38;
	[tilespmem:$0x19100] =	vst v63  }
0x59: {  	_ =	swait.ge [sflag:s11], $0x2800  }
0x5a: {  	[sflag:s11] =	ssyncset.done $0x0  }
0x5b: {  	s15 =	rddreg [dreg:$0x8];
	[sflag:s11] =	ssyncadd.s32 $0xFFFFD800  }
0x5c: {  	[hbm4b:s15+s1] =	stream.linear.scatter [tilespmem:s31], [sflag:$0x5], $0x2800, $0x38;
	[tilespmem:$0x19100] =	vst v63  }
0x5d: {  	_ =	swait.ge [sflag:s11], $0x2800  }
0x5e: {  	[sflag:s11] =	ssyncset.done $0x0  }
0x5f: {  	[sflag:s11] =	ssyncadd.s32 $0xFFFFD800  }
0x60: {  	[tilespmem:s31], [sflag:$0x5] =	stream.linear.gather [spmem:s25], $0x2800, $0x38;
	[tilespmem:$0x19100] =	vst v63  }
0x61: {  	_ =	swait.ge [sflag:s11], $0x2800  }
0x62: {  	[sflag:s11] =	ssyncset.done $0x0  }
0x63: {  	s28 =	rddreg [dreg:$0x9];
	[sflag:s11] =	ssyncadd.s32 $0xFFFFD800  }
0x64: {  	[hbm4b:s28+s1] =	stream.linear.scatter [tilespmem:s31], [sflag:$0x5], $0x2800, $0x38;
	[tilespmem:$0x19100] =	vst v63  }
0x65: {  	_ =	swait.ge [sflag:s11], $0x2800  }
0x66: {  	[sflag:s11] =	ssyncset.done $0x0  }
0x67: {  	[sflag:s11] =	ssyncadd.s32 $0xFFFFD800  }
0x68: {  	[tilespmem:s31], [sflag:$0x5] =	stream.linear.gather [spmem:s26], $0x2800, $0x38;
	[tilespmem:$0x19100] =	vst v63  }
0x69: {  	s8 =	sadd.s32 $0x1, s8;
	_ =	swait.ge [sflag:s11], $0x2800  }
0x6a: {  	p0 =	sne.s32 s8, s19;
	[sflag:s11] =	ssyncset.done $0x0  }
.Ltmp1:
0x6b: {  	s30 =	rddreg [dreg:$0xa];
	[sflag:s11] =	ssyncadd.s32 $0xFFFFD800;
	(pc) =	sbr.rel @!p0 .LBB2_5-.Ltmp1, $4  }
0x6c: {  	[hbm4b:s30+s1] =	stream.linear.scatter [tilespmem:s31], [sflag:$0x5], $0x2800, $0x38;
	[tilespmem:$0x19100] =	vst v63  }
0x6d: {  	_ =	swait.ge [sflag:s11], $0x2800  }
0x6e: {  	[sflag:s11] =	ssyncset.done $0x0  }
0x6f: {  	[sflag:s11] =	ssyncadd.s32 $0xFFFFD800  }
.LBB2_1:
0x70: {  	s12 =	rddreg [dreg:$0xd]  }
0x71: {  	[tilespmem:s31], [sflag:$0x5] =	stream.linear.gather [hbm4b:s12+s1], $0x2800, $0x38;
	[tilespmem:$0x19100] =	vst v63  }
0x72: {  	_ =	swait.ge [sflag:s11], $0x2800  }
0x73: {  	[sflag:s11] =	ssyncset.done $0x0  }
0x74: {  	[sflag:s11] =	ssyncadd.s32 $0xFFFFD800  }
0x75: {  	[spmem:s18] =	stream.linear.scatter [tilespmem:s31], [sflag:$0x5], $0x2800, $0x38;
	[tilespmem:$0x19100] =	vst v63  }
0x76: {  	_ =	swait.ge [sflag:s11], $0x2800  }
0x77: {  	[sflag:s11] =	ssyncset.done $0x0  }
0x78: {  	[sflag:s11] =	ssyncadd.s32 $0xFFFFD800  }
0x79: {  	[spmem:s20] =	stream.linear.scatter [tilespmem:s31], [sflag:$0x5], $0x2800, $0x38;
	[tilespmem:$0x19100] =	vst v63  }
0x7a: {  	_ =	swait.ge [sflag:s11], $0x2800  }
0x7b: {  	[sflag:s11] =	ssyncset.done $0x0  }
0x7c: {  	[sflag:s11] =	ssyncadd.s32 $0xFFFFD800  }
0x7d: {  	[spmem:s21] =	stream.linear.scatter [tilespmem:s31], [sflag:$0x5], $0x2800, $0x38;
	[tilespmem:$0x19100] =	vst v63  }
0x7e: {  	_ =	swait.ge [sflag:s11], $0x2800  }
0x7f: {  	[sflag:s11] =	ssyncset.done $0x0  }
0x80: {  	[sflag:s11] =	ssyncadd.s32 $0xFFFFD800  }
0x81: {  	[spmem:s22] =	stream.linear.scatter [tilespmem:s31], [sflag:$0x5], $0x2800, $0x38;
	[tilespmem:$0x19100] =	vst v63  }
0x82: {  	_ =	swait.ge [sflag:s11], $0x2800  }
0x83: {  	[sflag:s11] =	ssyncset.done $0x0  }
0x84: {  	[sflag:s11] =	ssyncadd.s32 $0xFFFFD800  }
0x85: {  	[spmem:s23] =	stream.linear.scatter [tilespmem:s31], [sflag:$0x5], $0x2800, $0x38;
	[tilespmem:$0x19100] =	vst v63  }
0x86: {  	_ =	swait.ge [sflag:s11], $0x2800  }
0x87: {  	[sflag:s11] =	ssyncset.done $0x0  }
0x88: {  	[sflag:s11] =	ssyncadd.s32 $0xFFFFD800  }
0x89: {  	[spmem:s24] =	stream.linear.scatter [tilespmem:s31], [sflag:$0x5], $0x2800, $0x38;
	[tilespmem:$0x19100] =	vst v63  }
0x8a: {  	_ =	swait.ge [sflag:s11], $0x2800  }
0x8b: {  	[sflag:s11] =	ssyncset.done $0x0  }
0x8c: {  	[sflag:s11] =	ssyncadd.s32 $0xFFFFD800  }
0x8d: {  	[spmem:s25] =	stream.linear.scatter [tilespmem:s31], [sflag:$0x5], $0x2800, $0x38;
	[tilespmem:$0x19100] =	vst v63  }
0x8e: {  	_ =	swait.ge [sflag:s11], $0x2800  }
0x8f: {  	[sflag:s11] =	ssyncset.done $0x0  }
0x90: {  	[sflag:s11] =	ssyncadd.s32 $0xFFFFD800  }
0x91: {  	[spmem:s26] =	stream.linear.scatter [tilespmem:s31], [sflag:$0x5], $0x2800, $0x38;
	[tilespmem:$0x19100] =	vst v63  }
0x92: {  	_ =	swait.ge [sflag:s11], $0x2800  }
0x93: {  	[sflag:s11] =	ssyncset.done $0x0  }
0x94: {  	[sflag:s11] =	ssyncadd.s32 $0xFFFFD800  }
0x95: {  	[bflag:$0x0] =	sbarrier.arrive $0xFFFF  }
0x96: {  	[tilespmem:s1], [sflag:$0x1] =	stream.linear.gather [hbm4b:s16+s1], $0x50, $0x38;
	[tilespmem:$0x19100] =	vst v63  }
0x97: {  	s15 =	rddreg [dreg:$0xb]  }
0x98: {  	[tilespmem:s31], [sflag:$0x3] =	stream.linear.gather [hbm4b:s15+s1], $0x2800, $0x38;
	[tilespmem:$0x19100] =	vst v63  }
0x99: {  	s30 =	smov.u32 s9  }
0x9a: {  	[tilespmem:s0], [sflag:$0x2] =	stream.linear.gather [hbm4b:s17+s1], $0x50, $0x38;
	[tilespmem:$0x19100] =	vst v63  }
0x9b: {  	s28 =	smov.u32 s10;
	s12 =	simm.s32 $0x0;
	s15 =	rddreg [dreg:$0xc]  }
0x9c: {  	[tilespmem:s2], [sflag:$0x4] =	stream.linear.gather [hbm4b:s15+s1], $0x2800, $0x38;
	[tilespmem:$0x19100] =	vst v63  }
.LBB2_2:
0x9d: {  	_ =	swait.ge [sflag:s3], $0x50  }
0x9e: {  	[sflag:s3] =	ssyncset.done $0x0  }
0x9f: {  	[sflag:s3] =	ssyncadd.s32 $0xFFFFFFB0  }
0xa0: {  	_ =	swait.ge [sflag:s4], $0x2800  }
0xa1: {  	[sflag:s4] =	ssyncset.done $0x0  }
0xa2: {  	[sflag:s4] =	ssyncadd.s32 $0xFFFFD800  }
0xa3: {  	[spmem:s13] =	stream.indirect.scatter.add.f32 [tilespmem:s31], [sflag:$0x5], $0x80, s1, s5, $0xb8;
	[tilespmem:$0x19100] =	vst v63  }
0xa4: {  	_ =	swait.ge [sflag:s11], $0x2800  }
0xa5: {  	s15 =	sshrl.u32 s30, $0x3;
	[sflag:s11] =	ssyncset.done $0x0  }
0xa6: {  	s15 =	sadd.s32 s14, s15;
	[sflag:s11] =	ssyncadd.s32 $0xFFFFD800  }
0xa7: {  	[tilespmem:s1], [sflag:$0x1] =	stream.linear.gather [hbm4b:s15+s1], $0x50, $0x38;
	[tilespmem:$0x19100] =	vst v63  }
0xa8: {  	s15 =	sadd.s32 $0xFFFFFB00, s28  }
0xa9: {  	[tilespmem:s31], [sflag:$0x3] =	stream.linear.gather [hbm4b:s15+s1], $0x2800, $0x38;
	[tilespmem:$0x19100] =	vst v63  }
0xaa: {  	_ =	swait.ge [sflag:s6], $0x50  }
0xab: {  	[sflag:s6] =	ssyncset.done $0x0  }
0xac: {  	[sflag:s6] =	ssyncadd.s32 $0xFFFFFFB0  }
0xad: {  	_ =	swait.ge [sflag:s7], $0x2800  }
0xae: {  	p0 =	seq.s32 s12, $0x4C4;
	[sflag:s7] =	ssyncset.done $0x0  }
.Ltmp2:
0xaf: {  	[sflag:s7] =	ssyncadd.s32 $0xFFFFD800;
	(pc) =	sbr.rel @p0 .LBB2_4-.Ltmp2, $4  }
0xb0: {  	[spmem:s13] =	stream.indirect.scatter.add.f32 [tilespmem:s2], [sflag:$0x5], $0x80, s0, s5, $0xb8;
	[tilespmem:$0x19100] =	vst v63  }
0xb1: {  	_ =	swait.ge [sflag:s11], $0x2800  }
0xb2: {  	[sflag:s11] =	ssyncset.done $0x0  }
0xb3: {  	[sflag:s11] =	ssyncadd.s32 $0xFFFFD800  }
.Ltmp3:
0xb4: {  	s15 =	sadd.s32 s12, s29;
	(pc) =	sbr.rel .LBB2_2-.Ltmp3, $4  }
0xb5: {  	[tilespmem:s0], [sflag:$0x2] =	stream.linear.gather [hbm4b:s15+s1], $0x50, $0x38;
	[tilespmem:$0x19100] =	vst v63  }
0xb6: {  	_ = 	snop  }
0xb7: {  	[tilespmem:s2], [sflag:$0x4] =	stream.linear.gather [hbm4b:s28+s1], $0x2800, $0x38;
	[tilespmem:$0x19100] =	vst v63  }
0xb8: {  	s12 =	sadd.s32 $0x14, s12;
	s30 =	sadd.s32 $0xA0, s30;
	s28 =	sadd.s32 $0xA00, s28  }
.LBB2_5:
0xb9: {  	_ =	sfence.sel $0x180000  }
0xba: {  	[bflag:$0x0] =	sbarrier.arrive $0xFFFF  }
0xbb: {  	_ =	strace $0x9000004D  }
0xbc: {  	s0 =	stileid.u32;
	[bflag:$0x2] =	sbarrier.arrive $0xFFFF  }
0xbd: {  	p0 =	sne.s32 s0, $0x0;
	s0 =	rddreg [dreg:$0x2]  }
0xbe: {  	s0 =	sadd.s32 @!p0 $0x100000, s0  }
0xbf: {  	[sflag:s0] =	ssyncadd.tile.s32 @!p0 $0x1;
	_ =	shalt  }
.Lfunc_end2:
_tile_overlayer_lowered:
.L_overlay_start_2:
0xc0: {  	(tag) =	ssettag $0x2  }
0xc1: {  	s0 =	rddreg [dreg:$0x0];
	s2 =	stileid.u32  }
0xc2: {  	s1 =	rddreg [dreg:$0x1];
	p0 =	sne.s32 s2, $0x0  }
0xc3: {  	s3 =	rddreg [dreg:$0x2];
	[bflag:$0x3] =	sbarrier.arrive $0xFFFF;
	s2 =	simm.s32 @!p0 $0x1C05  }
0xc4: {  	[timem:s3], [sflag:s2] =	dma.local @!p0 [hbm:s0], s1  }
0xc5: {  	s0 =	simm.s32 @!p0 $0x5  }
0xc6: {  	_ =	swait.ge @!p0 [sflag:s0], s1  }
0xc7: {  	s1 =	ssub.s32 @!p0 $0x0, s1;
	[sflag:s0] =	ssyncset.done @!p0 $0x0  }
0xc8: {  	[sflag:s0] =	ssyncadd.s32 @!p0 s1  }
0xc9: {  	[bflag:$0x3] =	sbarrier.arrive $0xFFFF  }
0xca: {  	_ =	shalt  }

// kernel: kernel.20.cloned.1.call-start
scs
__scs_entry_jumppad:
0x0: {  	(pc) =	sbr.rel $0x88, $3  }
0x1: {  	(tag) =	ssettag $0x0;
	lr =	simm.s32 $0x1  }
0x2: {  	[smem:$0x3F86] =	sst lr;
	_ =	strace $0xD0000000  }
0x3: {  	_ = 	snop  }
0x4: {  	_ = 	snop  }
0x5: {  	_ = 	snop  }
0x6: {  	_ = 	snop  }
0x7: {  	_ = 	snop  }
__scs_overlays_trampoline_lowered:
0x8: {  	[smem:$0x3F95] =	sst s0  }
0x9: {  	[smem:$0x3F96] =	sst s1  }
0xa: {  	[smem:$0x3F97] =	sst s2  }
0xb: {  	[smem:$0x3F98] =	sst s3  }
0xc: {  	[smem:$0x3F99] =	sst s4  }
0xd: {  	[smem:$0x3F9A] =	sst s5  }
0xe: {  	[smem:$0x3F9B] =	sst s6  }
0xf: {  	[smem:$0x3F9C] =	sst s7  }
0x10: {  	[smem:$0x3F9D] =	sst s8  }
0x11: {  	[smem:$0x3F9E] =	sst s9;
	s0 =	simm.s32 @!p0 $0x0  }
0x12: {  	s1 =	sld [smem:$0x3F84];
	s0 =	simm.s32 @p0 $0x1  }
0x13: {  	[smem:$0x3F9F] =	sst s0;
	s0 =	simm.s32 @!p1 $0x0  }
0x14: {  	s2 =	sld [smem:$0x3F83];
	s0 =	simm.s32 @p1 $0x1  }
0x15: {  	[smem:$0x3FA0] =	sst s0;
	s0 =	simm.s32 @!p2 $0x0  }
0x16: {  	s3 =	sld [smem:$0x3FDB];
	s0 =	simm.s32 @p2 $0x1  }
0x17: {  	s4 =	simm.s32 $0x1BF5;
	[smem:$0x3FA2] =	sst s0  }
0x18: {  	s0 =	sld [smem:$0x3F85];
	_ =	swait.ge [sflag:s4], $0x0  }
0x19: {  	s7 =	sld [smem:$0x3F86]  }
0x1a: {  	s8 =	sadd.s32 $0xFFFFE003, lr  }
0x1b: {  	s9 =	sadd.s32 $0xFFFFFEF7, lr;
	s5 =	simm.s32 $0xFFFFFFFF;
	p2 =	slt.u32 s8, $0xFFFFF086  }
0x1c: {  	p1 =	slt.u32 s9, $0xF7A;
	s5 =	simm.s32 @!p2 $0x0  }
0x1d: {  	s5 =	simm.s32 @p1 $0x1;
	p0 =	seq.s32 s7, s2  }
0x1e: {  	s7 =	smul.u32 @!p0 $0xF7A, s2;
	p2 =	seq.s32 @!p0 s5, $0x0  }
0x1f: {  	s9 =	smul.u32 $0xF7A, s1;
	s8 =	simm.s32 @!p0 $0x1BF5;
	p2 =	por !p2, p0  }
0x20: {  	[sflag:s8] =	ssyncset.s32 @!p0 $0xFFFFF086;
	s6 =	sadd.s32 @!p0 s3, s7;
	s7 =	simm.s32 @!p0 $0x108  }
0x21: {  	s3 =	sadd.s32 s3, s9;
	s6 =	sadd.s32 @!p0 $0x88, s6;
	s7 =	simm.s32 @p2 $0x1082  }
0x22: {  	[simem:s7], [sflag:s8] =	dma.local @!p0 [hbm:s6], $0xF7A  }
0x23: {  	s9 =	sor.u32 $0xD0000000, s2;
	s6 =	simm.s32 $0x108;
	_ =	swait.ge @!p0 [sflag:s8], $0x0  }
0x24: {  	s3 =	sadd.s32 $0x88, s3;
	s6 =	simm.s32 @!p1 $0x1082;
	[sflag:s4] =	ssyncset.s32 $0xFFFFF086  }
0x25: {  	[simem:s6], [sflag:s4] =	dma.local [hbm:s3], $0xF7A  }
0x26: {  	[smem:$0x3F86] =	sst s1;
	(tag) =	ssettag s2;
	_ =	strace s9  }
0x27: {  	s1 =	sld [smem:$0x3F96]  }
0x28: {  	s2 =	sld [smem:$0x3F97]  }
0x29: {  	s4 =	sld [smem:$0x3F99]  }
0x2a: {  	p0 =	seq.s32 s5, $0x0;
	s5 =	sld [smem:$0x3F9A]  }
0x2b: {  	s6 =	sld [smem:$0x3F9B]  }
0x2c: {  	s7 =	sld [smem:$0x3F9C]  }
0x2d: {  	s3 =	simm.s32 $0x108;
	s8 =	sld [smem:$0x3F9D]  }
0x2e: {  	s3 =	simm.s32 @!p0 $0x1082;
	s9 =	sld [smem:$0x3F9E]  }
0x2f: {  	lr =	sadd.s32 s0, s3;
	s0 =	sld [smem:$0x3F95]  }
0x30: {  	s3 =	sld [smem:$0x3F98]  }
0x31: {  	[smem:$0x3FA1] =	sst s10  }
0x32: {  	s10 =	sld [smem:$0x3F9F];
	_ =	sdelay $0x3  }
0x33: {  	p0 =	seq.s32 s10, $0x1;
	s10 =	sld [smem:$0x3FA1];
	_ =	sdelay $0x3  }
0x34: {  	[smem:$0x3FA1] =	sst s10  }
0x35: {  	s10 =	sld [smem:$0x3FA0];
	_ =	sdelay $0x3  }
0x36: {  	p1 =	seq.s32 s10, $0x1;
	s10 =	sld [smem:$0x3FA1];
	_ =	sdelay $0x3  }
0x37: {  	[smem:$0x3FA1] =	sst s10  }
0x38: {  	s10 =	sld [smem:$0x3FA2]  }
0x39: {  	_ = 	snop;
	(pc) =	sbr.ind lr, $3  }
0x3a: {  	_ = 	snop  }
0x3b: {  	_ = 	snop  }
0x3c: {  	p2 =	seq.s32 s10, $0x1;
	s10 =	sld [smem:$0x3FA1]  }
0x3d: {  	_ =	shalt  }
0x3e: {  	_ =	shalt  }
0x3f: {  	_ =	shalt  }
0x40: {  	_ =	shalt  }
0x41: {  	_ =	shalt  }
0x42: {  	_ =	shalt  }
0x43: {  	_ =	shalt  }
0x44: {  	_ =	shalt  }
0x45: {  	_ =	shalt  }
0x46: {  	_ =	shalt  }
0x47: {  	_ =	shalt  }
0x48: {  	_ =	shalt  }
0x49: {  	_ =	shalt  }
0x4a: {  	_ =	shalt  }
0x4b: {  	_ =	shalt  }
0x4c: {  	_ =	shalt  }
0x4d: {  	_ =	shalt  }
0x4e: {  	_ =	shalt  }
0x4f: {  	_ =	shalt  }
0x50: {  	_ =	shalt  }
0x51: {  	_ =	shalt  }
0x52: {  	_ =	shalt  }
0x53: {  	_ =	shalt  }
0x54: {  	_ =	shalt  }
0x55: {  	_ =	shalt  }
0x56: {  	_ =	shalt  }
0x57: {  	_ =	shalt  }
0x58: {  	_ =	shalt  }
0x59: {  	_ =	shalt  }
0x5a: {  	_ =	shalt  }
0x5b: {  	_ =	shalt  }
0x5c: {  	_ =	shalt  }
0x5d: {  	_ =	shalt  }
0x5e: {  	_ =	shalt  }
0x5f: {  	_ =	shalt  }
0x60: {  	_ =	shalt  }
0x61: {  	_ =	shalt  }
0x62: {  	_ =	shalt  }
0x63: {  	_ =	shalt  }
0x64: {  	_ =	shalt  }
0x65: {  	_ =	shalt  }
0x66: {  	_ =	shalt  }
0x67: {  	_ =	shalt  }
0x68: {  	_ =	shalt  }
0x69: {  	_ =	shalt  }
0x6a: {  	_ =	shalt  }
0x6b: {  	_ =	shalt  }
0x6c: {  	_ =	shalt  }
0x6d: {  	_ =	shalt  }
0x6e: {  	_ =	shalt  }
0x6f: {  	_ =	shalt  }
0x70: {  	_ =	shalt  }
0x71: {  	_ =	shalt  }
0x72: {  	_ =	shalt  }
0x73: {  	_ =	shalt  }
0x74: {  	_ =	shalt  }
0x75: {  	_ =	shalt  }
0x76: {  	_ =	shalt  }
0x77: {  	_ =	shalt  }
0x78: {  	_ =	shalt  }
0x79: {  	_ =	shalt  }
0x7a: {  	_ =	shalt  }
0x7b: {  	_ =	shalt  }
0x7c: {  	_ =	shalt  }
0x7d: {  	_ =	shalt  }
0x7e: {  	_ =	shalt  }
0x7f: {  	_ =	shalt  }
0x80: {  	_ =	shalt  }
0x81: {  	_ =	shalt  }
0x82: {  	_ =	shalt  }
0x83: {  	_ =	shalt  }
0x84: {  	_ =	shalt  }
0x85: {  	_ =	shalt  }
0x86: {  	_ =	shalt  }
0x87: {  	_ =	shalt  }
.Lfunc_end0:
.L_simem_size_0:
called_computation.3_lowered:
.L_overlay_start_0:
0x88: {  	s2 =	sld [smem:$0x3FD9]  }
0x89: {  	s3 =	sld [smem:$0x3FFE];
	_ =	sdelay $0x1  }
0x8a: {  	s1 =	srdreg.scid  }
0x8b: {  	s0 =	sand.u32 $0x1, s1  }
0x8c: {  	s16 =	sshll.u32 s0, $0xA;
	s2 =	sadd.s32 s3, s2  }
0x8d: {  	s2 =	sadd.s32 s2, s16  }
0x8e: {  	[smem:$0x3FAD] =	sst s2  }
0x8f: {  	_ = 	snop  }
0x90: {  	(tm) =	ssettm $0x1  }
0x91: {  	s17 =	sld [smem:$0x3FFB];
	_ =	sdelay $0x3  }
0x92: {  	_ =	strace s17  }
0x93: {  	s2 =	sld [smem:$0x3FFC];
	_ =	sdelay $0x3  }
0x94: {  	_ =	strace s2  }
0x95: {  	s2 =	sld [smem:$0x3FFD];
	_ =	sdelay $0x3  }
0x96: {  	_ =	strace s2  }
0x97: {  	_ =	strace $0x8FFFFFFF  }
0x98: {  	s18 =	sld [smem:$0x3FDB];
	_ =	sdelay $0x1  }
0x99: {  	s19 =	simm.s32 $_scs_section_size  }
0x9a: {  	s4 =	simm.s32 $_size__tile_overlayer_lowered;
	s5 =	simm.s32 $_tile_overlayer_lowered  }
0x9b: {  	s22 =	simm.s32 $0x1BFF;
	s21 =	sshll.u32 s5, $0x1;
	s2 =	sadd.s32 s19, s18  }
0x9c: {  	s6 =	simm.s32 $0x0;
	s20 =	sshll.u32 s4, $0x1;
	s4 =	sadd.s32 s21, s2  }
0x9d: {  	[timem:s6], [sflag:s22] =	dma.local [hbm:s4], s20  }
0x9e: {  	_ =	swait.ge [sflag:s22], s20  }
0x9f: {  	s3 =	ssub.s32 $0x0, s20;
	[sflag:s22] =	ssyncset.done $0x0  }
0xa0: {  	[sflag:s22] =	ssyncadd.s32 s3;
	_ =	sdelay $0x1  }
0xa1: {  	s23 =	simm.s32 $0x1B8B  }
0xa2: {  	_ =	swait.ge [sflag:s23], $0x1  }
0xa3: {  	[sflag:s23] =	ssyncset.done $0x0  }
0xa4: {  	s25 =	simm.s32 $0x1B8E;
	s24 =	sld [smem:$0x3FFE];
	[sflag:s23] =	ssyncadd.s32 $0xFFFFFFFF  }
0xa5: {  	s26 =	simm.s32 $execute0_lowered;
	[smem:$0x3FD2] =	sst s25  }
0xa6: {  	s4 =	sshll.u32 s26, $0x1;
	_ =	strace $0x8000004F;
	[dreg:$0x1] =	wrdreg $0xFFFFFFFF  }
0xa7: {  	s28 =	simm.s32 $_size_execute0_lowered;
	s2 =	sadd.s32 s2, s4;
	[dreg:$0x0] =	wrdreg $0x0  }
0xa8: {  	s4 =	sshll.u32 s28, $0x1;
	[dreg:$0x2] =	wrdreg s2  }
0xa9: {  	[dreg:$0x3] =	wrdreg s4  }
0xaa: {  	[dreg:$0x4] =	wrdreg $0xC0  }
0xab: {  	_ =	task [dreg:s6], $0x5FFFF  }
0xac: {  	[dreg:$0x1] =	wrdreg $0xFFFFFFFF  }
0xad: {  	[dreg:$0x0] =	wrdreg $0x60  }
0xae: {  	[dreg:$0x2] =	wrdreg s24  }
0xaf: {  	[dreg:$0x3] =	wrdreg $0x9  }
0xb0: {  	_ =	task.clear_ibuf [dreg:s6], $0x4FFFF;
	_ =	strace $0x9000004F  }
0xb1: {  	s29 =	simm.s32 $0x9;
	_ =	strace $0x80000051  }
0xb2: {  	_ =	swait.ge [sflag:s29], $0x1  }
0xb3: {  	[sflag:s29] =	ssyncadd.s32 $0xFFFFFFFF  }
0xb4: {  	_ =	strace $0x90000051  }
0xb5: {  	_ =	sfence  }
0xb6: {  	s30 =	sld [smem:$0x0];
	_ =	sdelay $0x2  }
0xb7: {  	s31 =	sshll.u32 s1, $0xD;
	s1 =	sshrl.u32 s1, $0x2  }
0xb8: {  	s3 =	sand.u32 $0x4000, s31;
	s1 =	sadd.s32 s1, s30  }
0xb9: {  	s0 =	sor.u32 s3, s0;
	s1 =	sshll.u32 s1, $0x11  }
0xba: {  	s0 =	sor.u32 s1, s0  }
0xbb: {  	s0 =	sadd.s32 $0x8F2B, s0  }
0xbc: {  	[sflag:s0] =	ssyncadd.remote.s32 $0x1  }
0xbd: {  	_ =	sfence.sel $0xFFFF  }
0xbe: {  	[dreg:$0x0] =	wrdreg $0xFFFFFFFF;
	(pc) =	sbr.abs _section_cstart, $3  }
0xbf: {  	[dreg:$0x1] =	wrdreg $0xFFFFFFFF  }
0xc0: {  	_ =	task.clear_ibuf [dreg:s6], $0x2FFFF;
	_ =	strace $0x9FFFFFFF  }
0xc1: {  	(tm) =	ssettm $0x7FFFFFFF  }
tec
execute0_lowered:
.L_overlay_start_1:
0x0: {  	(tag) =	ssettag $0x1  }
0x1: {  	s0 =	rddreg [dreg:$0x0];
	s2 =	simm.s32 $0x0  }
0x2: {  	s9 =	stileid.u32;
	s1 =	srdreg.scid;
	s16 =	simm.s32 $0x80  }
0x3: {  	s28 =	simm.s32 $0x9;
	s29 =	simm.s32 $0xA;
	s30 =	simm.s32 $0x3  }
0x4: {  	s31 =	simm.s32 $0x4;
	[smem:$0x7FF] =	sst s2;
	s6 =	smul.u32 $0x4E200, s9  }
0x5: {  	s1 =	sand.u32 $0x1, s1;
	s3 =	sshll.u32 s9, $0x1;
	s9 =	smul.u32 $0x4E20, s9  }
0x6: {  	s4 =	sadd.s32 $0xF400, s0;
	_ =	strace $0x80000050;
	s21 =	smul.u32 $0x2710, s1  }
0x7: {  	s5 =	sor.u32 s1, s3;
	s19 =	ssub.s32 $0x2, s1;
	s1 =	smul.u32 $0x27100, s1  }
0x8: {  	s3 =	sadd.s32 $0x19200, s0;
	s7 =	smul.u32 $0x2710, s5;
	s8 =	sshrl.u32 s19, $0x1  }
0x9: {  	s5 =	sadd.s32 $0x5600, s0;
	s0 =	sadd.s32 s6, s0;
	s6 =	ssub.s32 s19, s8  }
0xa: {  	s23 =	sadd.s32 s21, s9;
	s0 =	sadd.s32 s1, s0;
	s19 =	simm.s32 $0x2  }
0xb: {  	s21 =	simm.s32 $0x200;
	s8 =	simm.s32 $0x1;
	s9 =	simm.s32 $0x0  }
0xc: {  	s7 =	sshrl.u32 s7, $0x3;
	s6 =	smax.u32 s6, $0x1;
	s24 =	sadd.s32 $0xF0, s23  }
0xd: {  	s11 =	sadd.s32 $0x40400, s0;
	s26 =	sadd.s32 $0xA0, s23;
	[dreg:$0x6] =	wrdreg s6  }
0xe: {  	s12 =	sadd.s32 $0xA55800, s0;
	s20 =	sadd.s32 s4, s7;
	[dreg:$0x9] =	wrdreg s26  }
0xf: {  	s10 =	sadd.s32 s5, s7;
	s7 =	sadd.s32 $0xA, s7;
	[dreg:$0x2] =	wrdreg s20  }
0x10: {  	s25 =	sshrl.u32 s24, $0x3;
	[dreg:$0x3] =	wrdreg s10;
	s22 =	sadd.s32 s4, s7  }
.Ltmp0:
0x11: {  	s7 =	sadd.s32 s5, s7;
	[dreg:$0x4] =	wrdreg s22;
	(pc) =	sbr.rel .LBB2_1-.Ltmp0, $4  }
0x12: {  	s23 =	simm.s32 $0x5;
	s1 =	sadd.s32 s25, s5;
	[dreg:$0x5] =	wrdreg s7  }
0x13: {  	s24 =	simm.s32 $0x6;
	s0 =	sadd.s32 s25, s4;
	[dreg:$0x7] =	wrdreg s1  }
0x14: {  	s6 =	simm.s32 $0x7;
	s20 =	simm.s32 $0x50;
	[dreg:$0x8] =	wrdreg s0  }
0x15: {  	s22 =	simm.s32 $0x2A00;
	s1 =	simm.s32 $0x7A00;
	s7 =	simm.s32 $0x8  }
.LBB2_6:
0x16: {  	s0 =	simm.s32 $0xB  }
0x17: {  	_ =	swait.ge [sflag:s0], $0x2800  }
0x18: {  	[sflag:s0] =	ssyncset.done $0x0  }
0x19: {  	s25 =	simm.s32 $0xC;
	[sflag:s0] =	ssyncadd.s32 $0xFFFFD800  }
0x1a: {  	_ =	swait.ge [sflag:s25], $0x2800  }
0x1b: {  	[sflag:s25] =	ssyncset.done $0x0  }
0x1c: {  	[sflag:s25] =	ssyncadd.s32 $0xFFFFD800  }
0x1d: {  	_ =	swait.ge [sflag:s28], $0x2800  }
0x1e: {  	[sflag:s28] =	ssyncset.done $0x0  }
0x1f: {  	[sflag:s28] =	ssyncadd.s32 $0xFFFFD800  }
0x20: {  	_ =	swait.ge [sflag:s29], $0x2800  }
0x21: {  	s9 =	rddreg [dreg:$0xa]  }
0x22: {  	s26 =	rddreg [dreg:$0x6];
	s9 =	sadd.s32 $0x1, s9  }
0x23: {  	p0 =	sne.s32 s9, s26  }
.Ltmp1:
0x24: {  	_ = 	snop;
	(pc) =	sbr.rel @!p0 .LBB2_7-.Ltmp1, $3  }
0x25: {  	_ =	sdelay $0x1  }
0x26: {  	[sflag:s29] =	ssyncset.done $0x0  }
0x27: {  	[sflag:s29] =	ssyncadd.s32 $0xFFFFD800  }
.LBB2_1:
0x28: {  	[dreg:$0xa] =	wrdreg s9  }
0x29: {  	s0 =	rddreg [dreg:$0x2]  }
0x2a: {  	[tilespmem:s2], [sflag:$0x1] =	stream.linear.gather [hbm4b:s0+s2], $0x50, $0x38;
	[tilespmem:$0xA200] =	vst v63  }
0x2b: {  	s15 =	rddreg [dreg:$0x3]  }
0x2c: {  	[tilespmem:s16], [sflag:$0x2] =	stream.linear.gather [hbm4b:s15+s2], $0x50, $0x38;
	[tilespmem:$0xA200] =	vst v63  }
0x2d: {  	s17 =	rddreg [dreg:$0x4];
	s18 =	simm.s32 $0x100  }
0x2e: {  	[tilespmem:s18], [sflag:$0x3] =	stream.linear.gather [hbm4b:s17+s2], $0x50, $0x38;
	[tilespmem:$0xA200] =	vst v63  }
0x2f: {  	s25 =	rddreg [dreg:$0x5];
	s26 =	simm.s32 $0x180  }
0x30: {  	[tilespmem:s26], [sflag:$0x4] =	stream.linear.gather [hbm4b:s25+s2], $0x50, $0x38;
	[tilespmem:$0xA200] =	vst v63  }
0x31: {  	_ =	swait.ge [sflag:s8], $0x50  }
0x32: {  	[sflag:s8] =	ssyncset.done $0x0  }
0x33: {  	[sflag:s8] =	ssyncadd.s32 $0xFFFFFFB0  }
0x34: {  	_ =	swait.ge [sflag:s19], $0x50  }
.Ltmp2:
0x35: {  	[sflag:s19] =	ssyncset.done $0x0;
	s15 =	rddreg [dreg:$0x9];
	(pc) =	sbr.rel .LBB2_2-.Ltmp2, $4  }
0x36: {  	s10 =	simm.s32 $0x1;
	s14 =	rddreg [dreg:$0x8];
	[sflag:s19] =	ssyncadd.s32 $0xFFFFFFB0  }
0x37: {  	[tilespmem:s21], [sflag:$0x5] =	stream.indirect.gather [hbm4b:s3+s20], $0x80, s2, s20, $0xb8;
	[tilespmem:$0xA200] =	vst v63  }
0x38: {  	s25 =	simm.s32 $0x0;
	s26 =	simm.s32 $0x0;
	s13 =	rddreg [dreg:$0x7]  }
0x39: {  	[tilespmem:s22], [sflag:$0x6] =	stream.indirect.gather [hbm4b:s3+s20], $0x80, s16, s20, $0xb8;
	[tilespmem:$0xA200] =	vst v63  }
.LBB2_5:
0x3a: {  	s25 =	sadd.s32 $0xA00, s25  }
0x3b: {  	p0 =	sne.s32 s25, $0x27600  }
.Ltmp3:
0x3c: {  	_ = 	snop;
	(pc) =	sbr.rel @!p0 .LBB2_6-.Ltmp3, $3  }
0x3d: {  	_ =	sdelay $0x1  }
0x3e: {  	s26 =	sadd.s32 $0x1, s26;
	s10 =	sadd.s32 $0x2, s10  }
0x3f: {  	s13 =	sadd.s32 $0x14, s13;
	s14 =	sadd.s32 $0x14, s14;
	s15 =	sadd.s32 $0xA0, s15  }
.LBB2_2:
0x40: {  	_ =	swait.ge [sflag:s23], $0x2800  }
0x41: {  	[sflag:s23] =	ssyncset.done $0x0  }
0x42: {  	[sflag:s23] =	ssyncadd.s32 $0xFFFFD800  }
0x43: {  	p0 =	seq.s32 s25, $0x26C00;
	_ =	swait.ge [sflag:s24], $0x2800  }
.Ltmp4:
0x44: {  	[sflag:s24] =	ssyncset.done $0x0;
	(pc) =	sbr.rel @p0 .LBB2_6-.Ltmp4, $4  }
0x45: {  	s17 =	sadd.s32 s25, s11;
	[sflag:s24] =	ssyncadd.s32 $0xFFFFD800  }
0x46: {  	[hbm4b:s17+s2] =	stream.linear.scatter [tilespmem:s21], [sflag:$0x9], $0x2800, $0x38;
	[tilespmem:$0xA200] =	vst v63  }
0x47: {  	s18 =	sadd.s32 s25, s12  }
0x48: {  	[hbm4b:s18+s2] =	stream.linear.scatter [tilespmem:s22], [sflag:$0xA], $0x2800, $0x38;
	[tilespmem:$0xA200] =	vst v63  }
0x49: {  	p0 =	sgt.u32 s10, $0x7C  }
.Ltmp5:
0x4a: {  	s9 =	sshrl.u32 s15, $0x3;
	(pc) =	sbr.rel @p0 .LBB2_5-.Ltmp5, $4  }
0x4b: {  	s0 =	sadd.s32 s4, s9  }
0x4c: {  	[tilespmem:s2], [sflag:$0x1] =	stream.linear.gather [hbm4b:s0+s2], $0x50, $0x38;
	[tilespmem:$0xA200] =	vst v63  }
0x4d: {  	s9 =	sadd.s32 s5, s9  }
0x4e: {  	[tilespmem:s16], [sflag:$0x2] =	stream.linear.gather [hbm4b:s9+s2], $0x50, $0x38;
	[tilespmem:$0xA200] =	vst v63  }
0x4f: {  	p0 =	seq.s32 s25, $0x0  }
0x50: {  	s0 =	simm.s32 @!p0 $0xB  }
0x51: {  	_ =	swait.ge @!p0 [sflag:s0], $0x2800  }
0x52: {  	[sflag:s0] =	ssyncset.done @!p0 $0x0  }
0x53: {  	[sflag:s0] =	ssyncadd.s32 @!p0 $0xFFFFD800;
	s0 =	simm.s32 @!p0 $0xC  }
0x54: {  	_ =	swait.ge @!p0 [sflag:s0], $0x2800  }
0x55: {  	[sflag:s0] =	ssyncset.done @!p0 $0x0  }
0x56: {  	[sflag:s0] =	ssyncadd.s32 @!p0 $0xFFFFD800  }
0x57: {  	_ =	swait.ge [sflag:s30], $0x50  }
0x58: {  	[sflag:s30] =	ssyncset.done $0x0  }
0x59: {  	[sflag:s30] =	ssyncadd.s32 $0xFFFFFFB0  }
0x5a: {  	_ =	swait.ge [sflag:s31], $0x50  }
0x5b: {  	[sflag:s31] =	ssyncset.done $0x0  }
0x5c: {  	s9 =	simm.s32 $0x5200;
	s0 =	simm.s32 $0x100;
	[sflag:s31] =	ssyncadd.s32 $0xFFFFFFB0  }
0x5d: {  	[tilespmem:s9], [sflag:$0x7] =	stream.indirect.gather [hbm4b:s3+s20], $0x80, s0, s20, $0xb8;
	[tilespmem:$0xA200] =	vst v63  }
0x5e: {  	s0 =	simm.s32 $0x180  }
0x5f: {  	[tilespmem:s1], [sflag:$0x8] =	stream.indirect.gather [hbm4b:s3+s20], $0x80, s0, s20, $0xb8;
	[tilespmem:$0xA200] =	vst v63  }
0x60: {  	_ =	swait.ge [sflag:s6], $0x2800  }
0x61: {  	[sflag:s6] =	ssyncset.done $0x0  }
0x62: {  	[sflag:s6] =	ssyncadd.s32 $0xFFFFD800  }
0x63: {  	_ =	swait.ge [sflag:s7], $0x2800  }
0x64: {  	[sflag:s7] =	ssyncset.done $0x0  }
0x65: {  	s17 =	sadd.s32 $0x500, s17;
	[sflag:s7] =	ssyncadd.s32 $0xFFFFD800  }
0x66: {  	[hbm4b:s17+s2] =	stream.linear.scatter [tilespmem:s9], [sflag:$0xB], $0x2800, $0x38;
	[tilespmem:$0xA200] =	vst v63  }
0x67: {  	s18 =	sadd.s32 $0x500, s18;
	p0 =	sgt.u32 s26, $0x3C  }
0x68: {  	[hbm4b:s18+s2] =	stream.linear.scatter [tilespmem:s1], [sflag:$0xC], $0x2800, $0x38;
	[tilespmem:$0xA200] =	vst v63  }
0x69: {  	s0 =	simm.s32 @!p0 $0x0;
	s9 =	simm.s32 @!p0 $0x100  }
0x6a: {  	[tilespmem:s9], [sflag:$0x3] =	stream.linear.gather @!p0 [hbm4b:s14+s0], $0x50, $0x38;
	[tilespmem:$0xA200] =	vst v63  }
0x6b: {  	s9 =	simm.s32 @!p0 $0x180  }
0x6c: {  	[tilespmem:s9], [sflag:$0x4] =	stream.linear.gather @!p0 [hbm4b:s13+s0], $0x50, $0x38;
	[tilespmem:$0xA200] =	vst v63  }
0x6d: {  	_ =	swait.ge [sflag:s28], $0x2800  }
0x6e: {  	[sflag:s28] =	ssyncset.done $0x0  }
0x6f: {  	[sflag:s28] =	ssyncadd.s32 $0xFFFFD800  }
0x70: {  	_ =	swait.ge [sflag:s29], $0x2800  }
0x71: {  	[sflag:s29] =	ssyncset.done $0x0  }
0x72: {  	[sflag:s29] =	ssyncadd.s32 $0xFFFFD800  }
0x73: {  	_ =	swait.ge [sflag:s8], $0x50  }
0x74: {  	[sflag:s8] =	ssyncset.done $0x0  }
0x75: {  	[sflag:s8] =	ssyncadd.s32 $0xFFFFFFB0  }
0x76: {  	_ =	swait.ge [sflag:s19], $0x50  }
.Ltmp6:
0x77: {  	[sflag:s19] =	ssyncset.done $0x0;
	(pc) =	sbr.rel .LBB2_5-.Ltmp6, $4  }
0x78: {  	[sflag:s19] =	ssyncadd.s32 $0xFFFFFFB0  }
0x79: {  	[tilespmem:s21], [sflag:$0x5] =	stream.indirect.gather [hbm4b:s3+s20], $0x80, s2, s20, $0xb8;
	[tilespmem:$0xA200] =	vst v63  }
0x7a: {  	_ = 	snop  }
0x7b: {  	[tilespmem:s22], [sflag:$0x6] =	stream.indirect.gather [hbm4b:s3+s20], $0x80, s16, s20, $0xb8;
	[tilespmem:$0xA200] =	vst v63  }
.LBB2_7:
0x7c: {  	_ =	sfence.sel $0x180000  }
0x7d: {  	[bflag:$0x0] =	sbarrier.arrive $0xFFFF  }
0x7e: {  	_ =	strace $0x90000050  }
0x7f: {  	s0 =	stileid.u32;
	[bflag:$0x2] =	sbarrier.arrive $0xFFFF  }
0x80: {  	p0 =	sne.s32 s0, $0x0;
	s0 =	rddreg [dreg:$0x1]  }
0x81: {  	s0 =	sadd.s32 @!p0 $0x100000, s0  }
0x82: {  	[sflag:s0] =	ssyncadd.tile.s32 @!p0 $0x1;
	_ =	shalt  }
.Lfunc_end2:
_tile_overlayer_lowered:
.L_overlay_start_2:
0x83: {  	(tag) =	ssettag $0x2  }
0x84: {  	s0 =	rddreg [dreg:$0x0];
	s2 =	stileid.u32  }
0x85: {  	s1 =	rddreg [dreg:$0x1];
	p0 =	sne.s32 s2, $0x0  }
0x86: {  	s3 =	rddreg [dreg:$0x2];
	[bflag:$0x3] =	sbarrier.arrive $0xFFFF;
	s2 =	simm.s32 @!p0 $0x1C0D  }
0x87: {  	[timem:s3], [sflag:s2] =	dma.local @!p0 [hbm:s0], s1  }
0x88: {  	s0 =	simm.s32 @!p0 $0xD  }
0x89: {  	_ =	swait.ge @!p0 [sflag:s0], s1  }
0x8a: {  	s1 =	ssub.s32 @!p0 $0x0, s1;
	[sflag:s0] =	ssyncset.done @!p0 $0x0  }
0x8b: {  	[sflag:s0] =	ssyncadd.s32 @!p0 s1  }
0x8c: {  	[bflag:$0x3] =	sbarrier.arrive $0xFFFF  }
0x8d: {  	_ =	shalt  }

// kernel: kernel.23.cloned.1.call-start
scs
__scs_entry_jumppad:
0x0: {  	(pc) =	sbr.rel $0x88, $3  }
0x1: {  	(tag) =	ssettag $0x0;
	lr =	simm.s32 $0x1  }
0x2: {  	[smem:$0x3F86] =	sst lr;
	_ =	strace $0xD0000000  }
0x3: {  	_ = 	snop  }
0x4: {  	_ = 	snop  }
0x5: {  	_ = 	snop  }
0x6: {  	_ = 	snop  }
0x7: {  	_ = 	snop  }
__scs_overlays_trampoline_lowered:
0x8: {  	[smem:$0x3F95] =	sst s0  }
0x9: {  	[smem:$0x3F96] =	sst s1  }
0xa: {  	[smem:$0x3F97] =	sst s2  }
0xb: {  	[smem:$0x3F98] =	sst s3  }
0xc: {  	[smem:$0x3F99] =	sst s4  }
0xd: {  	[smem:$0x3F9A] =	sst s5  }
0xe: {  	[smem:$0x3F9B] =	sst s6  }
0xf: {  	[smem:$0x3F9C] =	sst s7  }
0x10: {  	[smem:$0x3F9D] =	sst s8  }
0x11: {  	[smem:$0x3F9E] =	sst s9;
	s0 =	simm.s32 @!p0 $0x0  }
0x12: {  	s1 =	sld [smem:$0x3F84];
	s0 =	simm.s32 @p0 $0x1  }
0x13: {  	[smem:$0x3F9F] =	sst s0;
	s0 =	simm.s32 @!p1 $0x0  }
0x14: {  	s2 =	sld [smem:$0x3F83];
	s0 =	simm.s32 @p1 $0x1  }
0x15: {  	[smem:$0x3FA0] =	sst s0;
	s0 =	simm.s32 @!p2 $0x0  }
0x16: {  	s3 =	sld [smem:$0x3FDB];
	s0 =	simm.s32 @p2 $0x1  }
0x17: {  	s4 =	simm.s32 $0x1BF5;
	[smem:$0x3FA2] =	sst s0  }
0x18: {  	s0 =	sld [smem:$0x3F85];
	_ =	swait.ge [sflag:s4], $0x0  }
0x19: {  	s7 =	sld [smem:$0x3F86]  }
0x1a: {  	s8 =	sadd.s32 $0xFFFFE003, lr  }
0x1b: {  	s9 =	sadd.s32 $0xFFFFFEF7, lr;
	s5 =	simm.s32 $0xFFFFFFFF;
	p2 =	slt.u32 s8, $0xFFFFF086  }
0x1c: {  	p1 =	slt.u32 s9, $0xF7A;
	s5 =	simm.s32 @!p2 $0x0  }
0x1d: {  	s5 =	simm.s32 @p1 $0x1;
	p0 =	seq.s32 s7, s2  }
0x1e: {  	s7 =	smul.u32 @!p0 $0xF7A, s2;
	p2 =	seq.s32 @!p0 s5, $0x0  }
0x1f: {  	s9 =	smul.u32 $0xF7A, s1;
	s8 =	simm.s32 @!p0 $0x1BF5;
	p2 =	por !p2, p0  }
0x20: {  	[sflag:s8] =	ssyncset.s32 @!p0 $0xFFFFF086;
	s6 =	sadd.s32 @!p0 s3, s7;
	s7 =	simm.s32 @!p0 $0x108  }
0x21: {  	s3 =	sadd.s32 s3, s9;
	s6 =	sadd.s32 @!p0 $0x88, s6;
	s7 =	simm.s32 @p2 $0x1082  }
0x22: {  	[simem:s7], [sflag:s8] =	dma.local @!p0 [hbm:s6], $0xF7A  }
0x23: {  	s9 =	sor.u32 $0xD0000000, s2;
	s6 =	simm.s32 $0x108;
	_ =	swait.ge @!p0 [sflag:s8], $0x0  }
0x24: {  	s3 =	sadd.s32 $0x88, s3;
	s6 =	simm.s32 @!p1 $0x1082;
	[sflag:s4] =	ssyncset.s32 $0xFFFFF086  }
0x25: {  	[simem:s6], [sflag:s4] =	dma.local [hbm:s3], $0xF7A  }
0x26: {  	[smem:$0x3F86] =	sst s1;
	(tag) =	ssettag s2;
	_ =	strace s9  }
0x27: {  	s1 =	sld [smem:$0x3F96]  }
0x28: {  	s2 =	sld [smem:$0x3F97]  }
0x29: {  	s4 =	sld [smem:$0x3F99]  }
0x2a: {  	p0 =	seq.s32 s5, $0x0;
	s5 =	sld [smem:$0x3F9A]  }
0x2b: {  	s6 =	sld [smem:$0x3F9B]  }
0x2c: {  	s7 =	sld [smem:$0x3F9C]  }
0x2d: {  	s3 =	simm.s32 $0x108;
	s8 =	sld [smem:$0x3F9D]  }
0x2e: {  	s3 =	simm.s32 @!p0 $0x1082;
	s9 =	sld [smem:$0x3F9E]  }
0x2f: {  	lr =	sadd.s32 s0, s3;
	s0 =	sld [smem:$0x3F95]  }
0x30: {  	s3 =	sld [smem:$0x3F98]  }
0x31: {  	[smem:$0x3FA1] =	sst s10  }
0x32: {  	s10 =	sld [smem:$0x3F9F];
	_ =	sdelay $0x3  }
0x33: {  	p0 =	seq.s32 s10, $0x1;
	s10 =	sld [smem:$0x3FA1];
	_ =	sdelay $0x3  }
0x34: {  	[smem:$0x3FA1] =	sst s10  }
0x35: {  	s10 =	sld [smem:$0x3FA0];
	_ =	sdelay $0x3  }
0x36: {  	p1 =	seq.s32 s10, $0x1;
	s10 =	sld [smem:$0x3FA1];
	_ =	sdelay $0x3  }
0x37: {  	[smem:$0x3FA1] =	sst s10  }
0x38: {  	s10 =	sld [smem:$0x3FA2]  }
0x39: {  	_ = 	snop;
	(pc) =	sbr.ind lr, $3  }
0x3a: {  	_ = 	snop  }
0x3b: {  	_ = 	snop  }
0x3c: {  	p2 =	seq.s32 s10, $0x1;
	s10 =	sld [smem:$0x3FA1]  }
0x3d: {  	_ =	shalt  }
0x3e: {  	_ =	shalt  }
0x3f: {  	_ =	shalt  }
0x40: {  	_ =	shalt  }
0x41: {  	_ =	shalt  }
0x42: {  	_ =	shalt  }
0x43: {  	_ =	shalt  }
0x44: {  	_ =	shalt  }
0x45: {  	_ =	shalt  }
0x46: {  	_ =	shalt  }
0x47: {  	_ =	shalt  }
0x48: {  	_ =	shalt  }
0x49: {  	_ =	shalt  }
0x4a: {  	_ =	shalt  }
0x4b: {  	_ =	shalt  }
0x4c: {  	_ =	shalt  }
0x4d: {  	_ =	shalt  }
0x4e: {  	_ =	shalt  }
0x4f: {  	_ =	shalt  }
0x50: {  	_ =	shalt  }
0x51: {  	_ =	shalt  }
0x52: {  	_ =	shalt  }
0x53: {  	_ =	shalt  }
0x54: {  	_ =	shalt  }
0x55: {  	_ =	shalt  }
0x56: {  	_ =	shalt  }
0x57: {  	_ =	shalt  }
0x58: {  	_ =	shalt  }
0x59: {  	_ =	shalt  }
0x5a: {  	_ =	shalt  }
0x5b: {  	_ =	shalt  }
0x5c: {  	_ =	shalt  }
0x5d: {  	_ =	shalt  }
0x5e: {  	_ =	shalt  }
0x5f: {  	_ =	shalt  }
0x60: {  	_ =	shalt  }
0x61: {  	_ =	shalt  }
0x62: {  	_ =	shalt  }
0x63: {  	_ =	shalt  }
0x64: {  	_ =	shalt  }
0x65: {  	_ =	shalt  }
0x66: {  	_ =	shalt  }
0x67: {  	_ =	shalt  }
0x68: {  	_ =	shalt  }
0x69: {  	_ =	shalt  }
0x6a: {  	_ =	shalt  }
0x6b: {  	_ =	shalt  }
0x6c: {  	_ =	shalt  }
0x6d: {  	_ =	shalt  }
0x6e: {  	_ =	shalt  }
0x6f: {  	_ =	shalt  }
0x70: {  	_ =	shalt  }
0x71: {  	_ =	shalt  }
0x72: {  	_ =	shalt  }
0x73: {  	_ =	shalt  }
0x74: {  	_ =	shalt  }
0x75: {  	_ =	shalt  }
0x76: {  	_ =	shalt  }
0x77: {  	_ =	shalt  }
0x78: {  	_ =	shalt  }
0x79: {  	_ =	shalt  }
0x7a: {  	_ =	shalt  }
0x7b: {  	_ =	shalt  }
0x7c: {  	_ =	shalt  }
0x7d: {  	_ =	shalt  }
0x7e: {  	_ =	shalt  }
0x7f: {  	_ =	shalt  }
0x80: {  	_ =	shalt  }
0x81: {  	_ =	shalt  }
0x82: {  	_ =	shalt  }
0x83: {  	_ =	shalt  }
0x84: {  	_ =	shalt  }
0x85: {  	_ =	shalt  }
0x86: {  	_ =	shalt  }
0x87: {  	_ =	shalt  }
.Lfunc_end0:
.L_simem_size_0:
called_computation.4_lowered:
.L_overlay_start_0:
0x88: {  	s2 =	sld [smem:$0x3FD9]  }
0x89: {  	s3 =	sld [smem:$0x3FFE];
	_ =	sdelay $0x1  }
0x8a: {  	s1 =	srdreg.scid  }
0x8b: {  	s0 =	sand.u32 $0x1, s1  }
0x8c: {  	s16 =	sshll.u32 s0, $0xA;
	s2 =	sadd.s32 s3, s2  }
0x8d: {  	s2 =	sadd.s32 s2, s16  }
0x8e: {  	[smem:$0x3FAD] =	sst s2  }
0x8f: {  	_ = 	snop  }
0x90: {  	(tm) =	ssettm $0x1  }
0x91: {  	s17 =	sld [smem:$0x3FFB];
	_ =	sdelay $0x3  }
0x92: {  	_ =	strace s17  }
0x93: {  	s2 =	sld [smem:$0x3FFC];
	_ =	sdelay $0x3  }
0x94: {  	_ =	strace s2  }
0x95: {  	s2 =	sld [smem:$0x3FFD];
	_ =	sdelay $0x3  }
0x96: {  	_ =	strace s2  }
0x97: {  	_ =	strace $0x8FFFFFFF  }
0x98: {  	s18 =	sld [smem:$0x3FDB];
	_ =	sdelay $0x1  }
0x99: {  	s19 =	simm.s32 $_scs_section_size  }
0x9a: {  	s4 =	simm.s32 $_size__tile_overlayer_lowered;
	s5 =	simm.s32 $_tile_overlayer_lowered  }
0x9b: {  	s22 =	simm.s32 $0x1BFF;
	s21 =	sshll.u32 s5, $0x1;
	s2 =	sadd.s32 s19, s18  }
0x9c: {  	s6 =	simm.s32 $0x0;
	s20 =	sshll.u32 s4, $0x1;
	s4 =	sadd.s32 s21, s2  }
0x9d: {  	[timem:s6], [sflag:s22] =	dma.local [hbm:s4], s20  }
0x9e: {  	_ =	swait.ge [sflag:s22], s20  }
0x9f: {  	s3 =	ssub.s32 $0x0, s20;
	[sflag:s22] =	ssyncset.done $0x0  }
0xa0: {  	[sflag:s22] =	ssyncadd.s32 s3;
	_ =	sdelay $0x1  }
0xa1: {  	s23 =	simm.s32 $0x1B8B  }
0xa2: {  	_ =	swait.ge [sflag:s23], $0x1  }
0xa3: {  	[sflag:s23] =	ssyncset.done $0x0  }
0xa4: {  	s25 =	simm.s32 $0x1B8E;
	s24 =	sld [smem:$0x3FFE];
	[sflag:s23] =	ssyncadd.s32 $0xFFFFFFFF  }
0xa5: {  	s26 =	simm.s32 $execute0_lowered;
	[smem:$0x3FD2] =	sst s25  }
0xa6: {  	s4 =	sshll.u32 s26, $0x1;
	_ =	strace $0x80000052;
	[dreg:$0x1] =	wrdreg $0xFFFFFFFF  }
0xa7: {  	s28 =	simm.s32 $_size_execute0_lowered;
	s2 =	sadd.s32 s2, s4;
	[dreg:$0x0] =	wrdreg $0x0  }
0xa8: {  	s4 =	sshll.u32 s28, $0x1;
	[dreg:$0x2] =	wrdreg s2  }
0xa9: {  	[dreg:$0x3] =	wrdreg s4  }
0xaa: {  	[dreg:$0x4] =	wrdreg $0xC0  }
0xab: {  	_ =	task [dreg:s6], $0x5FFFF  }
0xac: {  	[dreg:$0x1] =	wrdreg $0xFFFFFFFF  }
0xad: {  	[dreg:$0x0] =	wrdreg $0x60  }
0xae: {  	[dreg:$0x2] =	wrdreg s24  }
0xaf: {  	[dreg:$0x3] =	wrdreg $0x51000  }
0xb0: {  	[dreg:$0x4] =	wrdreg $0x9  }
0xb1: {  	_ =	task.clear_ibuf [dreg:s6], $0x5FFFF;
	_ =	strace $0x90000052  }
0xb2: {  	s29 =	simm.s32 $0x9;
	_ =	strace $0x80000054  }
0xb3: {  	_ =	swait.ge [sflag:s29], $0x1  }
0xb4: {  	[sflag:s29] =	ssyncadd.s32 $0xFFFFFFFF  }
0xb5: {  	_ =	strace $0x90000054  }
0xb6: {  	_ =	sfence  }
0xb7: {  	s30 =	sld [smem:$0x0];
	_ =	sdelay $0x2  }
0xb8: {  	s31 =	sshll.u32 s1, $0xD;
	s1 =	sshrl.u32 s1, $0x2  }
0xb9: {  	s3 =	sand.u32 $0x4000, s31;
	s1 =	sadd.s32 s1, s30  }
0xba: {  	s0 =	sor.u32 s3, s0;
	s1 =	sshll.u32 s1, $0x11  }
0xbb: {  	s0 =	sor.u32 s1, s0  }
0xbc: {  	s0 =	sadd.s32 $0x8F2B, s0  }
0xbd: {  	[sflag:s0] =	ssyncadd.remote.s32 $0x1  }
0xbe: {  	_ =	sfence.sel $0xFFFF  }
0xbf: {  	[dreg:$0x0] =	wrdreg $0xFFFFFFFF;
	(pc) =	sbr.abs _section_cstart, $3  }
0xc0: {  	[dreg:$0x1] =	wrdreg $0xFFFFFFFF  }
0xc1: {  	_ =	task.clear_ibuf [dreg:s6], $0x2FFFF;
	_ =	strace $0x9FFFFFFF  }
0xc2: {  	(tm) =	ssettm $0x7FFFFFFF  }
0xc3: {  	_ =	shalt  }
tec
execute0_lowered:
.L_overlay_start_1:
0x0: {  	(tag) =	ssettag $0x1  }
0x1: {  	s0 =	srdreg.scid  }
0x2: {  	s15 =	stileid.u32;
	s3 =	rddreg [dreg:$0x0]  }
0x3: {  	s1 =	simm.s32 $0x0;
	s31 =	simm.s32 $0x100;
	s0 =	sand.u32 $0x1, s0  }
0x4: {  	s2 =	sshll.u32 s15, $0x1;
	[smem:$0x7FF] =	sst s1;
	s8 =	smul.u32 $0x14000, s15  }
0x5: {  	s6 =	sadd.s32 $0xF37800, s3;
	s2 =	sor.u32 s0, s2;
	s22 =	smul.u32 $0x140000, s0  }
0x6: {  	s9 =	sadd.s32 $0x40400, s3;
	s4 =	ssub.s32 $0x2, s0;
	s5 =	smul.u32 $0x2710, s2  }
0x7: {  	s7 =	sshrl.u32 s4, $0x1;
	s2 =	smul.u32 $0x27100, s2;
	s10 =	sor.u32 $0x2800, s8  }
0x8: {  	s11 =	sadd.s32 $0x5000, s8;
	s12 =	sadd.s32 $0x7800, s8;
	s23 =	sadd.s32 $0xA000, s8  }
0x9: {  	s24 =	sadd.s32 $0xC800, s8;
	s25 =	sadd.s32 $0xF000, s8;
	s26 =	sadd.s32 $0x11800, s8  }
0xa: {  	s4 =	ssub.s32 s4, s7;
	s8 =	sadd.s32 s22, s8;
	s13 =	sadd.s32 s22, s10  }
0xb: {  	s14 =	sadd.s32 s22, s11;
	s16 =	sadd.s32 s22, s23;
	s17 =	sadd.s32 s22, s24  }
0xc: {  	s21 =	sadd.s32 s22, s25;
	s7 =	sadd.s32 s22, s26;
	s8 =	sshrl.u32 s8, $0x3  }
0xd: {  	s28 =	sshrl.u32 s13, $0x3;
	s30 =	sshrl.u32 s14, $0x3;
	s14 =	sadd.s32 s22, s12  }
0xe: {  	s18 =	sshrl.u32 s16, $0x3;
	s19 =	sshrl.u32 s17, $0x3;
	s22 =	smul.u32 $0x4E200, s15  }
0xf: {  	s7 =	sshrl.u32 s7, $0x3;
	s2 =	sadd.s32 s6, s2;
	s17 =	smul.u32 $0x4E20, s15  }
0x10: {  	s8 =	sadd.s32 s9, s8;
	s13 =	sadd.s32 s9, s30;
	[dreg:$0xb] =	wrdreg s2  }
0x11: {  	s20 =	sadd.s32 s9, s19;
	s7 =	sadd.s32 s9, s7;
	[dreg:$0x3] =	wrdreg s8  }
0x12: {  	s30 =	sadd.s32 $0x50, s5;
	s19 =	smul.u32 $0x50000, s15;
	[dreg:$0x5] =	wrdreg s13  }
0x13: {  	s8 =	sadd.s32 s9, s28;
	[dreg:$0x8] =	wrdreg s20;
	s28 =	smul.u32 $0x27100, s0  }
0x14: {  	[dreg:$0xa] =	wrdreg s7;
	s0 =	smul.u32 $0x2710, s0;
	s16 =	sshll.u32 s30, $0x4  }
0x15: {  	s13 =	rddreg [dreg:$0x1];
	s20 =	sshrl.u32 s5, $0x3;
	s5 =	simm.s32 $0x50  }
0x16: {  	s7 =	simm.s32 $0x4;
	[dreg:$0x4] =	wrdreg s8;
	s8 =	sshrl.u32 s14, $0x3  }
0x17: {  	s2 =	sadd.s32 s6, s16;
	s14 =	sadd.s32 $0xF400, s3;
	s3 =	sadd.s32 $0x9DD200, s3  }
0x18: {  	s23 =	sadd.s32 s23, s13;
	s24 =	sadd.s32 s24, s13;
	s25 =	sadd.s32 s25, s13  }
0x19: {  	s26 =	sadd.s32 s26, s13;
	s8 =	sadd.s32 s9, s8;
	[dreg:$0xc] =	wrdreg s2  }
0x1a: {  	s0 =	sadd.s32 s0, s17;
	s16 =	sadd.s32 s14, s20;
	s20 =	sadd.s32 s10, s13  }
0x1b: {  	[dreg:$0x6] =	wrdreg s8;
	s8 =	sadd.s32 s9, s18;
	s18 =	sadd.s32 s22, s6  }
0x1c: {  	s22 =	sshrl.u32 s19, $0x2;
	s19 =	smax.u32 s4, $0x1;
	s4 =	simm.s32 $0x3  }
0x1d: {  	s6 =	simm.s32 $0x2;
	[dreg:$0x7] =	wrdreg s8;
	s8 =	sshrl.u32 s21, $0x3  }
0x1e: {  	s2 =	sadd.s32 s28, s18;
	s21 =	sshrl.u32 s30, $0x3;
	s18 =	sadd.s32 s22, s13  }
0x1f: {  	s22 =	sadd.s32 s12, s13;
	s28 =	sadd.s32 $0xF0, s0;
	s8 =	sadd.s32 s9, s8  }
.Ltmp0:
0x20: {  	s17 =	sadd.s32 s14, s21;
	s21 =	sadd.s32 s11, s13;
	(pc) =	sbr.rel .LBB2_1-.Ltmp0, $4  }
0x21: {  	s10 =	sadd.s32 $0xF00, s2;
	s30 =	sshrl.u32 s28, $0x3;
	s9 =	sadd.s32 $0xA0, s0  }
0x22: {  	s11 =	simm.s32 $0x5;
	s0 =	simm.s32 $0x80;
	s2 =	simm.s32 $0x2900  }
0x23: {  	[dreg:$0x9] =	wrdreg s8;
	s29 =	sadd.s32 s30, s14;
	s8 =	simm.s32 $0x0  }
0x24: {  	_ =	strace $0x80000053;
	[dreg:$0xd] =	wrdreg s3;
	s3 =	simm.s32 $0x1  }
.LBB2_4:
0x25: {  	_ =	swait.ge [sflag:s3], $0x50  }
0x26: {  	[sflag:s3] =	ssyncset.done $0x0  }
0x27: {  	[sflag:s3] =	ssyncadd.s32 $0xFFFFFFB0  }
0x28: {  	_ =	swait.ge [sflag:s4], $0x2800  }
0x29: {  	[sflag:s4] =	ssyncset.done $0x0  }
0x2a: {  	[sflag:s4] =	ssyncadd.s32 $0xFFFFD800  }
0x2b: {  	[spmem:s13] =	stream.indirect.scatter.add.f32 [tilespmem:s31], [sflag:$0x5], $0x80, s1, s5, $0xb8;
	[tilespmem:$0x19100] =	vst v63  }
0x2c: {  	_ =	swait.ge [sflag:s11], $0x2800  }
0x2d: {  	[sflag:s11] =	ssyncset.done $0x0  }
0x2e: {  	[sflag:s11] =	ssyncadd.s32 $0xFFFFD800  }
0x2f: {  	[bflag:$0x0] =	sbarrier.arrive $0xFFFF  }
0x30: {  	[tilespmem:s31], [sflag:$0x5] =	stream.linear.gather [spmem:s18], $0x2800, $0x38;
	[tilespmem:$0x19100] =	vst v63  }
0x31: {  	_ =	swait.ge [sflag:s11], $0x2800  }
0x32: {  	[sflag:s11] =	ssyncset.done $0x0  }
0x33: {  	s12 =	rddreg [dreg:$0x3];
	[sflag:s11] =	ssyncadd.s32 $0xFFFFD800  }
0x34: {  	[hbm4b:s12+s1] =	stream.linear.scatter [tilespmem:s31], [sflag:$0x5], $0x2800, $0x38;
	[tilespmem:$0x19100] =	vst v63  }
0x35: {  	_ =	swait.ge [sflag:s11], $0x2800  }
0x36: {  	[sflag:s11] =	ssyncset.done $0x0  }
0x37: {  	[sflag:s11] =	ssyncadd.s32 $0xFFFFD800  }
0x38: {  	[tilespmem:s31], [sflag:$0x5] =	stream.linear.gather [spmem:s20], $0x2800, $0x38;
	[tilespmem:$0x19100] =	vst v63  }
0x39: {  	_ =	swait.ge [sflag:s11], $0x2800  }
0x3a: {  	[sflag:s11] =	ssyncset.done $0x0  }
0x3b: {  	s30 =	rddreg [dreg:$0x4];
	[sflag:s11] =	ssyncadd.s32 $0xFFFFD800  }
0x3c: {  	[hbm4b:s30+s1] =	stream.linear.scatter [tilespmem:s31], [sflag:$0x5], $0x2800, $0x38;
	[tilespmem:$0x19100] =	vst v63  }
0x3d: {  	_ =	swait.ge [sflag:s11], $0x2800  }
0x3e: {  	[sflag:s11] =	ssyncset.done $0x0  }
0x3f: {  	[sflag:s11] =	ssyncadd.s32 $0xFFFFD800  }
0x40: {  	[tilespmem:s31], [sflag:$0x5] =	stream.linear.gather [spmem:s21], $0x2800, $0x38;
	[tilespmem:$0x19100] =	vst v63  }
0x41: {  	_ =	swait.ge [sflag:s11], $0x2800  }
0x42: {  	[sflag:s11] =	ssyncset.done $0x0  }
0x43: {  	s15 =	rddreg [dreg:$0x5];
	[sflag:s11] =	ssyncadd.s32 $0xFFFFD800  }
0x44: {  	[hbm4b:s15+s1] =	stream.linear.scatter [tilespmem:s31], [sflag:$0x5], $0x2800, $0x38;
	[tilespmem:$0x19100] =	vst v63  }
0x45: {  	_ =	swait.ge [sflag:s11], $0x2800  }
0x46: {  	[sflag:s11] =	ssyncset.done $0x0  }
0x47: {  	[sflag:s11] =	ssyncadd.s32 $0xFFFFD800  }
0x48: {  	[tilespmem:s31], [sflag:$0x5] =	stream.linear.gather [spmem:s22], $0x2800, $0x38;
	[tilespmem:$0x19100] =	vst v63  }
0x49: {  	_ =	swait.ge [sflag:s11], $0x2800  }
0x4a: {  	[sflag:s11] =	ssyncset.done $0x0  }
0x4b: {  	s28 =	rddreg [dreg:$0x6];
	[sflag:s11] =	ssyncadd.s32 $0xFFFFD800  }
0x4c: {  	[hbm4b:s28+s1] =	stream.linear.scatter [tilespmem:s31], [sflag:$0x5], $0x2800, $0x38;
	[tilespmem:$0x19100] =	vst v63  }
0x4d: {  	_ =	swait.ge [sflag:s11], $0x2800  }
0x4e: {  	[sflag:s11] =	ssyncset.done $0x0  }
0x4f: {  	[sflag:s11] =	ssyncadd.s32 $0xFFFFD800  }
0x50: {  	[tilespmem:s31], [sflag:$0x5] =	stream.linear.gather [spmem:s23], $0x2800, $0x38;
	[tilespmem:$0x19100] =	vst v63  }
0x51: {  	_ =	swait.ge [sflag:s11], $0x2800  }
0x52: {  	[sflag:s11] =	ssyncset.done $0x0  }
0x53: {  	s30 =	rddreg [dreg:$0x7];
	[sflag:s11] =	ssyncadd.s32 $0xFFFFD800  }
0x54: {  	[hbm4b:s30+s1] =	stream.linear.scatter [tilespmem:s31], [sflag:$0x5], $0x2800, $0x38;
	[tilespmem:$0x19100] =	vst v63  }
0x55: {  	_ =	swait.ge [sflag:s11], $0x2800  }
0x56: {  	[sflag:s11] =	ssyncset.done $0x0  }
0x57: {  	[sflag:s11] =	ssyncadd.s32 $0xFFFFD800  }
0x58: {  	[tilespmem:s31], [sflag:$0x5] =	stream.linear.gather [spmem:s24], $0x2800, $0x38;
	[tilespmem:$0x19100] =	vst v63  }
0x59: {  	_ =	swait.ge [sflag:s11], $0x2800  }
0x5a: {  	[sflag:s11] =	ssyncset.done $0x0  }
0x5b: {  	s15 =	rddreg [dreg:$0x8];
	[sflag:s11] =	ssyncadd.s32 $0xFFFFD800  }
0x5c: {  	[hbm4b:s15+s1] =	stream.linear.scatter [tilespmem:s31], [sflag:$0x5], $0x2800, $0x38;
	[tilespmem:$0x19100] =	vst v63  }
0x5d: {  	_ =	swait.ge [sflag:s11], $0x2800  }
0x5e: {  	[sflag:s11] =	ssyncset.done $0x0  }
0x5f: {  	[sflag:s11] =	ssyncadd.s32 $0xFFFFD800  }
0x60: {  	[tilespmem:s31], [sflag:$0x5] =	stream.linear.gather [spmem:s25], $0x2800, $0x38;
	[tilespmem:$0x19100] =	vst v63  }
0x61: {  	_ =	swait.ge [sflag:s11], $0x2800  }
0x62: {  	[sflag:s11] =	ssyncset.done $0x0  }
0x63: {  	s28 =	rddreg [dreg:$0x9];
	[sflag:s11] =	ssyncadd.s32 $0xFFFFD800  }
0x64: {  	[hbm4b:s28+s1] =	stream.linear.scatter [tilespmem:s31], [sflag:$0x5], $0x2800, $0x38;
	[tilespmem:$0x19100] =	vst v63  }
0x65: {  	_ =	swait.ge [sflag:s11], $0x2800  }
0x66: {  	[sflag:s11] =	ssyncset.done $0x0  }
0x67: {  	[sflag:s11] =	ssyncadd.s32 $0xFFFFD800  }
0x68: {  	[tilespmem:s31], [sflag:$0x5] =	stream.linear.gather [spmem:s26], $0x2800, $0x38;
	[tilespmem:$0x19100] =	vst v63  }
0x69: {  	s8 =	sadd.s32 $0x1, s8;
	_ =	swait.ge [sflag:s11], $0x2800  }
0x6a: {  	p0 =	sne.s32 s8, s19;
	[sflag:s11] =	ssyncset.done $0x0  }
.Ltmp1:
0x6b: {  	s30 =	rddreg [dreg:$0xa];
	[sflag:s11] =	ssyncadd.s32 $0xFFFFD800;
	(pc) =	sbr.rel @!p0 .LBB2_5-.Ltmp1, $4  }
0x6c: {  	[hbm4b:s30+s1] =	stream.linear.scatter [tilespmem:s31], [sflag:$0x5], $0x2800, $0x38;
	[tilespmem:$0x19100] =	vst v63  }
0x6d: {  	_ =	swait.ge [sflag:s11], $0x2800  }
0x6e: {  	[sflag:s11] =	ssyncset.done $0x0  }
0x6f: {  	[sflag:s11] =	ssyncadd.s32 $0xFFFFD800  }
.LBB2_1:
0x70: {  	s12 =	rddreg [dreg:$0xd]  }
0x71: {  	[tilespmem:s31], [sflag:$0x5] =	stream.linear.gather [hbm4b:s12+s1], $0x2800, $0x38;
	[tilespmem:$0x19100] =	vst v63  }
0x72: {  	_ =	swait.ge [sflag:s11], $0x2800  }
0x73: {  	[sflag:s11] =	ssyncset.done $0x0  }
0x74: {  	[sflag:s11] =	ssyncadd.s32 $0xFFFFD800  }
0x75: {  	[spmem:s18] =	stream.linear.scatter [tilespmem:s31], [sflag:$0x5], $0x2800, $0x38;
	[tilespmem:$0x19100] =	vst v63  }
0x76: {  	_ =	swait.ge [sflag:s11], $0x2800  }
0x77: {  	[sflag:s11] =	ssyncset.done $0x0  }
0x78: {  	[sflag:s11] =	ssyncadd.s32 $0xFFFFD800  }
0x79: {  	[spmem:s20] =	stream.linear.scatter [tilespmem:s31], [sflag:$0x5], $0x2800, $0x38;
	[tilespmem:$0x19100] =	vst v63  }
0x7a: {  	_ =	swait.ge [sflag:s11], $0x2800  }
0x7b: {  	[sflag:s11] =	ssyncset.done $0x0  }
0x7c: {  	[sflag:s11] =	ssyncadd.s32 $0xFFFFD800  }
0x7d: {  	[spmem:s21] =	stream.linear.scatter [tilespmem:s31], [sflag:$0x5], $0x2800, $0x38;
	[tilespmem:$0x19100] =	vst v63  }
0x7e: {  	_ =	swait.ge [sflag:s11], $0x2800  }
0x7f: {  	[sflag:s11] =	ssyncset.done $0x0  }
0x80: {  	[sflag:s11] =	ssyncadd.s32 $0xFFFFD800  }
0x81: {  	[spmem:s22] =	stream.linear.scatter [tilespmem:s31], [sflag:$0x5], $0x2800, $0x38;
	[tilespmem:$0x19100] =	vst v63  }
0x82: {  	_ =	swait.ge [sflag:s11], $0x2800  }
0x83: {  	[sflag:s11] =	ssyncset.done $0x0  }
0x84: {  	[sflag:s11] =	ssyncadd.s32 $0xFFFFD800  }
0x85: {  	[spmem:s23] =	stream.linear.scatter [tilespmem:s31], [sflag:$0x5], $0x2800, $0x38;
	[tilespmem:$0x19100] =	vst v63  }
0x86: {  	_ =	swait.ge [sflag:s11], $0x2800  }
0x87: {  	[sflag:s11] =	ssyncset.done $0x0  }
0x88: {  	[sflag:s11] =	ssyncadd.s32 $0xFFFFD800  }
0x89: {  	[spmem:s24] =	stream.linear.scatter [tilespmem:s31], [sflag:$0x5], $0x2800, $0x38;
	[tilespmem:$0x19100] =	vst v63  }
0x8a: {  	_ =	swait.ge [sflag:s11], $0x2800  }
0x8b: {  	[sflag:s11] =	ssyncset.done $0x0  }
0x8c: {  	[sflag:s11] =	ssyncadd.s32 $0xFFFFD800  }
0x8d: {  	[spmem:s25] =	stream.linear.scatter [tilespmem:s31], [sflag:$0x5], $0x2800, $0x38;
	[tilespmem:$0x19100] =	vst v63  }
0x8e: {  	_ =	swait.ge [sflag:s11], $0x2800  }
0x8f: {  	[sflag:s11] =	ssyncset.done $0x0  }
0x90: {  	[sflag:s11] =	ssyncadd.s32 $0xFFFFD800  }
0x91: {  	[spmem:s26] =	stream.linear.scatter [tilespmem:s31], [sflag:$0x5], $0x2800, $0x38;
	[tilespmem:$0x19100] =	vst v63  }
0x92: {  	_ =	swait.ge [sflag:s11], $0x2800  }
0x93: {  	[sflag:s11] =	ssyncset.done $0x0  }
0x94: {  	[sflag:s11] =	ssyncadd.s32 $0xFFFFD800  }
0x95: {  	[bflag:$0x0] =	sbarrier.arrive $0xFFFF  }
0x96: {  	[tilespmem:s1], [sflag:$0x1] =	stream.linear.gather [hbm4b:s16+s1], $0x50, $0x38;
	[tilespmem:$0x19100] =	vst v63  }
0x97: {  	s15 =	rddreg [dreg:$0xb]  }
0x98: {  	[tilespmem:s31], [sflag:$0x3] =	stream.linear.gather [hbm4b:s15+s1], $0x2800, $0x38;
	[tilespmem:$0x19100] =	vst v63  }
0x99: {  	s30 =	smov.u32 s9  }
0x9a: {  	[tilespmem:s0], [sflag:$0x2] =	stream.linear.gather [hbm4b:s17+s1], $0x50, $0x38;
	[tilespmem:$0x19100] =	vst v63  }
0x9b: {  	s28 =	smov.u32 s10;
	s12 =	simm.s32 $0x0;
	s15 =	rddreg [dreg:$0xc]  }
0x9c: {  	[tilespmem:s2], [sflag:$0x4] =	stream.linear.gather [hbm4b:s15+s1], $0x2800, $0x38;
	[tilespmem:$0x19100] =	vst v63  }
.LBB2_2:
0x9d: {  	_ =	swait.ge [sflag:s3], $0x50  }
0x9e: {  	[sflag:s3] =	ssyncset.done $0x0  }
0x9f: {  	[sflag:s3] =	ssyncadd.s32 $0xFFFFFFB0  }
0xa0: {  	_ =	swait.ge [sflag:s4], $0x2800  }
0xa1: {  	[sflag:s4] =	ssyncset.done $0x0  }
0xa2: {  	[sflag:s4] =	ssyncadd.s32 $0xFFFFD800  }
0xa3: {  	[spmem:s13] =	stream.indirect.scatter.add.f32 [tilespmem:s31], [sflag:$0x5], $0x80, s1, s5, $0xb8;
	[tilespmem:$0x19100] =	vst v63  }
0xa4: {  	_ =	swait.ge [sflag:s11], $0x2800  }
0xa5: {  	s15 =	sshrl.u32 s30, $0x3;
	[sflag:s11] =	ssyncset.done $0x0  }
0xa6: {  	s15 =	sadd.s32 s14, s15;
	[sflag:s11] =	ssyncadd.s32 $0xFFFFD800  }
0xa7: {  	[tilespmem:s1], [sflag:$0x1] =	stream.linear.gather [hbm4b:s15+s1], $0x50, $0x38;
	[tilespmem:$0x19100] =	vst v63  }
0xa8: {  	s15 =	sadd.s32 $0xFFFFFB00, s28  }
0xa9: {  	[tilespmem:s31], [sflag:$0x3] =	stream.linear.gather [hbm4b:s15+s1], $0x2800, $0x38;
	[tilespmem:$0x19100] =	vst v63  }
0xaa: {  	_ =	swait.ge [sflag:s6], $0x50  }
0xab: {  	[sflag:s6] =	ssyncset.done $0x0  }
0xac: {  	[sflag:s6] =	ssyncadd.s32 $0xFFFFFFB0  }
0xad: {  	_ =	swait.ge [sflag:s7], $0x2800  }
0xae: {  	p0 =	seq.s32 s12, $0x4C4;
	[sflag:s7] =	ssyncset.done $0x0  }
.Ltmp2:
0xaf: {  	[sflag:s7] =	ssyncadd.s32 $0xFFFFD800;
	(pc) =	sbr.rel @p0 .LBB2_4-.Ltmp2, $4  }
0xb0: {  	[spmem:s13] =	stream.indirect.scatter.add.f32 [tilespmem:s2], [sflag:$0x5], $0x80, s0, s5, $0xb8;
	[tilespmem:$0x19100] =	vst v63  }
0xb1: {  	_ =	swait.ge [sflag:s11], $0x2800  }
0xb2: {  	[sflag:s11] =	ssyncset.done $0x0  }
0xb3: {  	[sflag:s11] =	ssyncadd.s32 $0xFFFFD800  }
.Ltmp3:
0xb4: {  	s15 =	sadd.s32 s12, s29;
	(pc) =	sbr.rel .LBB2_2-.Ltmp3, $4  }
0xb5: {  	[tilespmem:s0], [sflag:$0x2] =	stream.linear.gather [hbm4b:s15+s1], $0x50, $0x38;
	[tilespmem:$0x19100] =	vst v63  }
0xb6: {  	_ = 	snop  }
0xb7: {  	[tilespmem:s2], [sflag:$0x4] =	stream.linear.gather [hbm4b:s28+s1], $0x2800, $0x38;
	[tilespmem:$0x19100] =	vst v63  }
0xb8: {  	s12 =	sadd.s32 $0x14, s12;
	s30 =	sadd.s32 $0xA0, s30;
	s28 =	sadd.s32 $0xA00, s28  }
.LBB2_5:
0xb9: {  	_ =	sfence.sel $0x180000  }
0xba: {  	[bflag:$0x0] =	sbarrier.arrive $0xFFFF  }
0xbb: {  	_ =	strace $0x90000053  }
0xbc: {  	s0 =	stileid.u32;
	[bflag:$0x2] =	sbarrier.arrive $0xFFFF  }
0xbd: {  	p0 =	sne.s32 s0, $0x0;
	s0 =	rddreg [dreg:$0x2]  }
0xbe: {  	s0 =	sadd.s32 @!p0 $0x100000, s0  }
0xbf: {  	[sflag:s0] =	ssyncadd.tile.s32 @!p0 $0x1;
	_ =	shalt  }
.Lfunc_end2:
_tile_overlayer_lowered:
.L_overlay_start_2:
0xc0: {  	(tag) =	ssettag $0x2  }
0xc1: {  	s0 =	rddreg [dreg:$0x0];
	s2 =	stileid.u32  }
0xc2: {  	s1 =	rddreg [dreg:$0x1];
	p0 =	sne.s32 s2, $0x0  }
0xc3: {  	s3 =	rddreg [dreg:$0x2];
	[bflag:$0x3] =	sbarrier.arrive $0xFFFF;
	s2 =	simm.s32 @!p0 $0x1C05  }
0xc4: {  	[timem:s3], [sflag:s2] =	dma.local @!p0 [hbm:s0], s1  }
0xc5: {  	s0 =	simm.s32 @!p0 $0x5  }
0xc6: {  	_ =	swait.ge @!p0 [sflag:s0], s1  }
0xc7: {  	s1 =	ssub.s32 @!p0 $0x0, s1;
	[sflag:s0] =	ssyncset.done @!p0 $0x0  }
0xc8: {  	[sflag:s0] =	ssyncadd.s32 @!p0 s1  }
0xc9: {  	[bflag:$0x3] =	sbarrier.arrive $0xFFFF  }
0xca: {  	_ =	shalt  }

</sc_bundles>
